<compile_context>
chip_gen: v7x
topology: tpu7x:2x2x1
jax: 0.10.2.dev20260603
libtpu: 0.0.44.dev20260713+nightly
codegen_flags: <defaults>
</compile_context>

<pallas_src>
import functools

import jax
import jax.numpy as jnp
from jax import lax
from jax.experimental import pallas as pl
from jax.experimental.pallas import tpu as pltpu
from jax.experimental.pallas import tpu_sc as plsc

B, S, D = 16384, 6, 512
NC, NS = 2, 16
NW = NC * NS
BPW = B // NW
CB = 64
NCHB = BPW // CB


@functools.partial(
    pl.kernel,
    out_type=jax.ShapeDtypeStruct((B, S, D), jnp.float32),
    mesh=plsc.VectorSubcoreMesh(core_axis_name="c", subcore_axis_name="s"),
    scratch_types=[
        pltpu.VMEM((16,), jnp.int32),
        pltpu.VMEM((CB, 1, D), jnp.float32),
        pltpu.VMEM((CB, 1, D), jnp.float32),
        pltpu.SemaphoreType.DMA,
        pltpu.SemaphoreType.DMA,
        pltpu.SemaphoreType.DMA,
        pltpu.SemaphoreType.DMA,
    ],
    compiler_params=pltpu.CompilerParams(
        use_tc_tiling_on_sc=True, needs_layout_passes=False),
)
def _shuffle_slabs(x_hbm, tab_hbm, out_hbm, tab_v, buf0, buf1,
                   g0, g1, w0, w1):
    wid = lax.axis_index("s") * NC + lax.axis_index("c")
    b0 = wid * BPW

    pltpu.sync_copy(tab_hbm, tab_v)
    tab_vec = tab_v[...]
    iota = lax.broadcasted_iota(jnp.int32, (16,), 0)
    pis = [jnp.max(jnp.where(iota == i, tab_vec, 0)) for i in range(S)]

    tasks = [(i, c) for i in range(S) for c in range(NCHB)]
    ntask = len(tasks)
    buf = (buf0, buf1)
    gsem = (g0, g1)
    wsem = (w0, w1)

    def gather(t):
        i, c = tasks[t]
        return pltpu.async_copy(
            x_hbm.at[pl.ds(b0 + c * CB, CB), pl.ds(pis[i], 1), :],
            buf[t % 2], gsem[t % 2])

    def write(t):
        i, c = tasks[t]
        return pltpu.async_copy(
            buf[t % 2],
            out_hbm.at[pl.ds(b0 + c * CB, CB), pl.ds(i, 1), :],
            wsem[t % 2])

    gh = [None, None]
    wh = [None, None]
    gh[0] = gather(0)
    for t in range(ntask):
        b = t % 2
        gh[b].wait()
        wh[b] = write(t)
        if t + 1 < ntask:
            nb = (t + 1) % 2
            if wh[nb] is not None:
                wh[nb].wait()
            gh[nb] = gather(t + 1)
    wh[0].wait()
    wh[1].wait()


def kernel(x, index):
    tab16 = jnp.zeros((16,), jnp.int32).at[:S].set(index.astype(jnp.int32))
    return _shuffle_slabs(x, tab16)

# --- scband reference (transcript-rebuilt; emitter-appended) ---
"""Pipeline reference for scband-shuffle-sample-23837068493372 (READ-ONLY COPY).

The authoritative reference and input builder live on the scoring server;
editing this copy changes nothing except your own understanding.
"""

import jax, jax.numpy as jnp
import numpy as np


def setup_inputs(seed: int = 0) -> dict:
    key = jax.random.key(seed)
    x = jax.random.normal(key, (16384, 6, 512), dtype=jnp.float32)
    # The torch module draws torch.randperm(6) at every training-mode call.
    # That is nondeterministic; we realize it with a fixed permutation drawn
    # from a fixed key, which is a faithful instance of the same computation
    # (a gather along dim 1 with a length-6 permutation index).
    index = jax.random.permutation(jax.random.fold_in(key, 1), 6)
    return {"x": x, "index": index}


def reference(x, index):
    # x[:, index] in torch == gather along axis 1
    return jnp.take(x, index, axis=1)

if __name__ == "__main__":
    import jax
    _d = setup_inputs()
    print(jax.jit(kernel)(*tuple(_d.values())))

</pallas_src>

<mosaic_0001>
#map = affine_map<(d0, d1) -> (0, 0, 0)>
#map1 = affine_map<(d0, d1) -> (0)>
module attributes {stable_mosaic.version = 14 : i64} {
  func.func @_shuffle_slabs(%arg0: i32, %arg1: i32, %arg2: memref<16384x6x512xf32, #tpu.memory_space<hbm>>, %arg3: memref<16xi32, #tpu.memory_space<hbm>>, %arg4: memref<16384x6x512xf32, #tpu.memory_space<hbm>>, %arg5: memref<16xi32, #tpu.memory_space<vmem>>, %arg6: memref<64x1x512xf32, #tpu.memory_space<vmem>>, %arg7: memref<64x1x512xf32, #tpu.memory_space<vmem>>, %arg8: memref<!tpu.dma_semaphore, #tpu.memory_space<semaphore_mem>>, %arg9: memref<!tpu.dma_semaphore, #tpu.memory_space<semaphore_mem>>, %arg10: memref<!tpu.dma_semaphore, #tpu.memory_space<semaphore_mem>>, %arg11: memref<!tpu.dma_semaphore, #tpu.memory_space<semaphore_mem>>) attributes {dimension_semantics = [#tpu.dimension_semantics<core_parallel>, #tpu.dimension_semantics<subcore_parallel>], iteration_bounds = array<i64: 2, 16>, scalar_prefetch = 0 : i64, scratch_operands = 7 : i64, tpu.core_type = #tpu.core_type<sc_vector_subcore>, window_params = [{transform_indices = #map}, {transform_indices = #map1}, {transform_indices = #map}]} {
    %mul3A = arith.constant 2 : i32
    %mul3A_0 = arith.muli %arg1, %mul3A : i32
    %add3A = arith.addi %mul3A_0, %arg0 : i32
    %mul3A_1 = arith.constant 512 : i32
    %mul3A_2 = arith.muli %add3A, %mul3A_1 : i32
    "tpu.region"() ({
      %run_scoped3A = tpu.sem_alloc : memref<!tpu.dma_semaphore, #tpu.memory_space<semaphore_mem>>
      tpu.enqueue_dma source(%arg3 : memref<16xi32, #tpu.memory_space<hbm>>) target(%arg5 : memref<16xi32, #tpu.memory_space<vmem>>) target_semaphore(%run_scoped3A : memref<!tpu.dma_semaphore, #tpu.memory_space<semaphore_mem>>)
      tpu.wait_dma2 semaphore(%run_scoped3A : memref<!tpu.dma_semaphore, #tpu.memory_space<semaphore_mem>>) src(%arg3 : memref<16xi32, #tpu.memory_space<hbm>>) dst(%arg5 : memref<16xi32, #tpu.memory_space<vmem>>)
      tpu.yield
    }) : () -> ()
    %get3A = arith.constant 0 : index
    %get3A_3 = tpu.vector_load %arg5[%get3A] {strides = array<i32>} : memref<16xi32, #tpu.memory_space<vmem>>, vector<16xi32>,
    %iota3A = tpu.iota {dimensions = array<i32: 0>} : vector<16xi32>
    %eq3A = arith.constant 0 : i32
    %eq3A_4 = vector.broadcast %eq3A : i32 to vector<16xi32>
    %eq3A_5 = arith.cmpi eq, %iota3A, %eq3A_4 : vector<16xi32>
    %jit3A = arith.constant 0 : i32
    %broadcast_in_dim3A = vector.broadcast %jit3A : i32 to vector<16xi32>
    %select_n3A = arith.select %eq3A_5, %get3A_3, %broadcast_in_dim3A : vector<16xi1>, vector<16xi32>
    %reduce_max3A = arith.constant true
    %reduce_max3A_6 = vector.broadcast %reduce_max3A : i1 to vector<16xi1>
    %reduce_max3A_7 = arith.constant -2147483648 : i32
    %reduce_max3A_8 = vector.broadcast %reduce_max3A_7 : i32 to vector<16xi32>
    %reduce_max3A_9 = arith.xori %select_n3A, %reduce_max3A_8 : vector<16xi32>
    %reduce_max3A_10 = tpu.scan <max>, %reduce_max3A_9 masked %reduce_max3A_6 : vector<16xi32>, vector<16xi1> -> vector<16xi32>
    %reduce_max3A_11 = arith.xori %reduce_max3A_10, %reduce_max3A_8 : vector<16xi32>
    %reduce_max3A_12 = vector.extract %reduce_max3A_11[15] : i32 from vector<16xi32>
    %eq3A_13 = arith.constant 1 : i32
    %eq3A_14 = vector.broadcast %eq3A_13 : i32 to vector<16xi32>
    %eq3A_15 = arith.cmpi eq, %iota3A, %eq3A_14 : vector<16xi32>
    %jit3A_16 = arith.constant 0 : i32
    %broadcast_in_dim3A_17 = vector.broadcast %jit3A_16 : i32 to vector<16xi32>
    %select_n3A_18 = arith.select %eq3A_15, %get3A_3, %broadcast_in_dim3A_17 : vector<16xi1>, vector<16xi32>
    %reduce_max3A_19 = arith.constant true
    %reduce_max3A_20 = vector.broadcast %reduce_max3A_19 : i1 to vector<16xi1>
    %reduce_max3A_21 = arith.constant -2147483648 : i32
    %reduce_max3A_22 = vector.broadcast %reduce_max3A_21 : i32 to vector<16xi32>
    %reduce_max3A_23 = arith.xori %select_n3A_18, %reduce_max3A_22 : vector<16xi32>
    %reduce_max3A_24 = tpu.scan <max>, %reduce_max3A_23 masked %reduce_max3A_20 : vector<16xi32>, vector<16xi1> -> vector<16xi32>
    %reduce_max3A_25 = arith.xori %reduce_max3A_24, %reduce_max3A_22 : vector<16xi32>
    %reduce_max3A_26 = vector.extract %reduce_max3A_25[15] : i32 from vector<16xi32>
    %eq3A_27 = arith.constant 2 : i32
    %eq3A_28 = vector.broadcast %eq3A_27 : i32 to vector<16xi32>
    %eq3A_29 = arith.cmpi eq, %iota3A, %eq3A_28 : vector<16xi32>
    %jit3A_30 = arith.constant 0 : i32
    %broadcast_in_dim3A_31 = vector.broadcast %jit3A_30 : i32 to vector<16xi32>
    %select_n3A_32 = arith.select %eq3A_29, %get3A_3, %broadcast_in_dim3A_31 : vector<16xi1>, vector<16xi32>
    %reduce_max3A_33 = arith.constant true
    %reduce_max3A_34 = vector.broadcast %reduce_max3A_33 : i1 to vector<16xi1>
    %reduce_max3A_35 = arith.constant -2147483648 : i32
    %reduce_max3A_36 = vector.broadcast %reduce_max3A_35 : i32 to vector<16xi32>
    %reduce_max3A_37 = arith.xori %select_n3A_32, %reduce_max3A_36 : vector<16xi32>
    %reduce_max3A_38 = tpu.scan <max>, %reduce_max3A_37 masked %reduce_max3A_34 : vector<16xi32>, vector<16xi1> -> vector<16xi32>
    %reduce_max3A_39 = arith.xori %reduce_max3A_38, %reduce_max3A_36 : vector<16xi32>
    %reduce_max3A_40 = vector.extract %reduce_max3A_39[15] : i32 from vector<16xi32>
    %eq3A_41 = arith.constant 3 : i32
    %eq3A_42 = vector.broadcast %eq3A_41 : i32 to vector<16xi32>
    %eq3A_43 = arith.cmpi eq, %iota3A, %eq3A_42 : vector<16xi32>
    %jit3A_44 = arith.constant 0 : i32
    %broadcast_in_dim3A_45 = vector.broadcast %jit3A_44 : i32 to vector<16xi32>
    %select_n3A_46 = arith.select %eq3A_43, %get3A_3, %broadcast_in_dim3A_45 : vector<16xi1>, vector<16xi32>
    %reduce_max3A_47 = arith.constant true
    %reduce_max3A_48 = vector.broadcast %reduce_max3A_47 : i1 to vector<16xi1>
    %reduce_max3A_49 = arith.constant -2147483648 : i32
    %reduce_max3A_50 = vector.broadcast %reduce_max3A_49 : i32 to vector<16xi32>
    %reduce_max3A_51 = arith.xori %select_n3A_46, %reduce_max3A_50 : vector<16xi32>
    %reduce_max3A_52 = tpu.scan <max>, %reduce_max3A_51 masked %reduce_max3A_48 : vector<16xi32>, vector<16xi1> -> vector<16xi32>
    %reduce_max3A_53 = arith.xori %reduce_max3A_52, %reduce_max3A_50 : vector<16xi32>
    %reduce_max3A_54 = vector.extract %reduce_max3A_53[15] : i32 from vector<16xi32>
    %eq3A_55 = arith.constant 4 : i32
    %eq3A_56 = vector.broadcast %eq3A_55 : i32 to vector<16xi32>
    %eq3A_57 = arith.cmpi eq, %iota3A, %eq3A_56 : vector<16xi32>
    %jit3A_58 = arith.constant 0 : i32
    %broadcast_in_dim3A_59 = vector.broadcast %jit3A_58 : i32 to vector<16xi32>
    %select_n3A_60 = arith.select %eq3A_57, %get3A_3, %broadcast_in_dim3A_59 : vector<16xi1>, vector<16xi32>
    %reduce_max3A_61 = arith.constant true
    %reduce_max3A_62 = vector.broadcast %reduce_max3A_61 : i1 to vector<16xi1>
    %reduce_max3A_63 = arith.constant -2147483648 : i32
    %reduce_max3A_64 = vector.broadcast %reduce_max3A_63 : i32 to vector<16xi32>
    %reduce_max3A_65 = arith.xori %select_n3A_60, %reduce_max3A_64 : vector<16xi32>
    %reduce_max3A_66 = tpu.scan <max>, %reduce_max3A_65 masked %reduce_max3A_62 : vector<16xi32>, vector<16xi1> -> vector<16xi32>
    %reduce_max3A_67 = arith.xori %reduce_max3A_66, %reduce_max3A_64 : vector<16xi32>
    %reduce_max3A_68 = vector.extract %reduce_max3A_67[15] : i32 from vector<16xi32>
    %eq3A_69 = arith.constant 5 : i32
    %eq3A_70 = vector.broadcast %eq3A_69 : i32 to vector<16xi32>
    %eq3A_71 = arith.cmpi eq, %iota3A, %eq3A_70 : vector<16xi32>
    %jit3A_72 = arith.constant 0 : i32
    %broadcast_in_dim3A_73 = vector.broadcast %jit3A_72 : i32 to vector<16xi32>
    %select_n3A_74 = arith.select %eq3A_71, %get3A_3, %broadcast_in_dim3A_73 : vector<16xi1>, vector<16xi32>
    %reduce_max3A_75 = arith.constant true
    %reduce_max3A_76 = vector.broadcast %reduce_max3A_75 : i1 to vector<16xi1>
    %reduce_max3A_77 = arith.constant -2147483648 : i32
    %reduce_max3A_78 = vector.broadcast %reduce_max3A_77 : i32 to vector<16xi32>
    %reduce_max3A_79 = arith.xori %select_n3A_74, %reduce_max3A_78 : vector<16xi32>
    %reduce_max3A_80 = tpu.scan <max>, %reduce_max3A_79 masked %reduce_max3A_76 : vector<16xi32>, vector<16xi1> -> vector<16xi32>
    %reduce_max3A_81 = arith.xori %reduce_max3A_80, %reduce_max3A_78 : vector<16xi32>
    %reduce_max3A_82 = vector.extract %reduce_max3A_81[15] : i32 from vector<16xi32>
    %add3A_83 = arith.constant 0 : i32
    %add3A_84 = arith.addi %mul3A_2, %add3A_83 : i32
    %dma_start3A = arith.constant 0 : i32
    %dma_start3A_85 = tpu.memref_slice %arg2[%add3A_84, %reduce_max3A_12, %dma_start3A] : memref<16384x6x512xf32, #tpu.memory_space<hbm>> -> memref<64x1x512xf32, #tpu.memory_space<hbm>>
    %dma_start3A_86 = arith.constant 0 : i32
    %dma_start3A_87 = tpu.memref_slice %arg2[%add3A_84, %reduce_max3A_12, %dma_start3A_86] : memref<16384x6x512xf32, #tpu.memory_space<hbm>> -> memref<64x1x512xf32, #tpu.memory_space<hbm>>
    tpu.enqueue_dma source(%dma_start3A_87 : memref<64x1x512xf32, #tpu.memory_space<hbm>>) target(%arg6 : memref<64x1x512xf32, #tpu.memory_space<vmem>>) target_semaphore(%arg8 : memref<!tpu.dma_semaphore, #tpu.memory_space<semaphore_mem>>)
    %dma_wait3A = arith.constant 0 : i32
    %dma_wait3A_88 = tpu.memref_slice %arg2[%add3A_84, %reduce_max3A_12, %dma_wait3A] : memref<16384x6x512xf32, #tpu.memory_space<hbm>> -> memref<64x1x512xf32, #tpu.memory_space<hbm>>
    %dma_wait3A_89 = arith.constant 0 : i32
    %dma_wait3A_90 = tpu.memref_slice %arg2[%add3A_84, %reduce_max3A_12, %dma_wait3A_89] : memref<16384x6x512xf32, #tpu.memory_space<hbm>> -> memref<64x1x512xf32, #tpu.memory_space<hbm>>
    tpu.wait_dma2 semaphore(%arg8 : memref<!tpu.dma_semaphore, #tpu.memory_space<semaphore_mem>>) src(%dma_wait3A_90 : memref<64x1x512xf32, #tpu.memory_space<hbm>>) dst(%arg6 : memref<64x1x512xf32, #tpu.memory_space<vmem>>)
    %add3A_91 = arith.constant 0 : i32
    %add3A_92 = arith.addi %mul3A_2, %add3A_91 : i32
    %dma_start3A_93 = arith.constant 0 : i32
    %dma_start3A_94 = arith.constant 0 : i32
    %dma_start3A_95 = tpu.memref_slice %arg4[%add3A_92, %dma_start3A_93, %dma_start3A_94] : memref<16384x6x512xf32, #tpu.memory_space<hbm>> -> memref<64x1x512xf32, #tpu.memory_space<hbm>>
    %dma_start3A_96 = arith.constant 0 : i32
    %dma_start3A_97 = arith.constant 0 : i32
    %dma_start3A_98 = tpu.memref_slice %arg4[%add3A_92, %dma_start3A_96, %dma_start3A_97] : memref<16384x6x512xf32, #tpu.memory_space<hbm>> -> memref<64x1x512xf32, #tpu.memory_space<hbm>>
    tpu.enqueue_dma source(%arg6 : memref<64x1x512xf32, #tpu.memory_space<vmem>>) target(%dma_start3A_98 : memref<64x1x512xf32, #tpu.memory_space<hbm>>) target_semaphore(%arg10 : memref<!tpu.dma_semaphore, #tpu.memory_space<semaphore_mem>>)
    %add3A_99 = arith.constant 64 : i32
    %add3A_100 = arith.addi %mul3A_2, %add3A_99 : i32
    %dma_start3A_101 = arith.constant 0 : i32
    %dma_start3A_102 = tpu.memref_slice %arg2[%add3A_100, %reduce_max3A_12, %dma_start3A_101] : memref<16384x6x512xf32, #tpu.memory_space<hbm>> -> memref<64x1x512xf32, #tpu.memory_space<hbm>>
    %dma_start3A_103 = arith.constant 0 : i32
    %dma_start3A_104 = tpu.memref_slice %arg2[%add3A_100, %reduce_max3A_12, %dma_start3A_103] : memref<16384x6x512xf32, #tpu.memory_space<hbm>> -> memref<64x1x512xf32, #tpu.memory_space<hbm>>
    tpu.enqueue_dma source(%dma_start3A_104 : memref<64x1x512xf32, #tpu.memory_space<hbm>>) target(%arg7 : memref<64x1x512xf32, #tpu.memory_space<vmem>>) target_semaphore(%arg9 : memref<!tpu.dma_semaphore, #tpu.memory_space<semaphore_mem>>)
    %dma_wait3A_105 = arith.constant 0 : i32
    %dma_wait3A_106 = tpu.memref_slice %arg2[%add3A_100, %reduce_max3A_12, %dma_wait3A_105] : memref<16384x6x512xf32, #tpu.memory_space<hbm>> -> memref<64x1x512xf32, #tpu.memory_space<hbm>>
    %dma_wait3A_107 = arith.constant 0 : i32
    %dma_wait3A_108 = tpu.memref_slice %arg2[%add3A_100, %reduce_max3A_12, %dma_wait3A_107] : memref<16384x6x512xf32, #tpu.memory_space<hbm>> -> memref<64x1x512xf32, #tpu.memory_space<hbm>>
    tpu.wait_dma2 semaphore(%arg9 : memref<!tpu.dma_semaphore, #tpu.memory_space<semaphore_mem>>) src(%dma_wait3A_108 : memref<64x1x512xf32, #tpu.memory_space<hbm>>) dst(%arg7 : memref<64x1x512xf32, #tpu.memory_space<vmem>>)
    %add3A_109 = arith.constant 64 : i32
    %add3A_110 = arith.addi %mul3A_2, %add3A_109 : i32
    %dma_start3A_111 = arith.constant 0 : i32
    %dma_start3A_112 = arith.constant 0 : i32
    %dma_start3A_113 = tpu.memref_slice %arg4[%add3A_110, %dma_start3A_111, %dma_start3A_112] : memref<16384x6x512xf32, #tpu.memory_space<hbm>> -> memref<64x1x512xf32, #tpu.memory_space<hbm>>
    %dma_start3A_114 = arith.constant 0 : i32
    %dma_start3A_115 = arith.constant 0 : i32
    %dma_start3A_116 = tpu.memref_slice %arg4[%add3A_110, %dma_start3A_114, %dma_start3A_115] : memref<16384x6x512xf32, #tpu.memory_space<hbm>> -> memref<64x1x512xf32, #tpu.memory_space<hbm>>
    tpu.enqueue_dma source(%arg7 : memref<64x1x512xf32, #tpu.memory_space<vmem>>) target(%dma_start3A_116 : memref<64x1x512xf32, #tpu.memory_space<hbm>>) target_semaphore(%arg11 : memref<!tpu.dma_semaphore, #tpu.memory_space<semaphore_mem>>)
    %dma_wait3A_117 = arith.constant 0 : i32
    %dma_wait3A_118 = arith.constant 0 : i32
    %dma_wait3A_119 = tpu.memref_slice %arg4[%add3A_92, %dma_wait3A_117, %dma_wait3A_118] : memref<16384x6x512xf32, #tpu.memory_space<hbm>> -> memref<64x1x512xf32, #tpu.memory_space<hbm>>
    %dma_wait3A_120 = arith.constant 0 : i32
    %dma_wait3A_121 = arith.constant 0 : i32
    %dma_wait3A_122 = tpu.memref_slice %arg4[%add3A_92, %dma_wait3A_120, %dma_wait3A_121] : memref<16384x6x512xf32, #tpu.memory_space<hbm>> -> memref<64x1x512xf32, #tpu.memory_space<hbm>>
    tpu.wait_dma2 semaphore(%arg10 : memref<!tpu.dma_semaphore, #tpu.memory_space<semaphore_mem>>) src(%arg6 : memref<64x1x512xf32, #tpu.memory_space<vmem>>) dst(%dma_wait3A_122 : memref<64x1x512xf32, #tpu.memory_space<hbm>>)
    %add3A_123 = arith.constant 128 : i32
    %add3A_124 = arith.addi %mul3A_2, %add3A_123 : i32
    %dma_start3A_125 = arith.constant 0 : i32
    %dma_start3A_126 = tpu.memref_slice %arg2[%add3A_124, %reduce_max3A_12, %dma_start3A_125] : memref<16384x6x512xf32, #tpu.memory_space<hbm>> -> memref<64x1x512xf32, #tpu.memory_space<hbm>>
    %dma_start3A_127 = arith.constant 0 : i32
    %dma_start3A_128 = tpu.memref_slice %arg2[%add3A_124, %reduce_max3A_12, %dma_start3A_127] : memref<16384x6x512xf32, #tpu.memory_space<hbm>> -> memref<64x1x512xf32, #tpu.memory_space<hbm>>
    tpu.enqueue_dma source(%dma_start3A_128 : memref<64x1x512xf32, #tpu.memory_space<hbm>>) target(%arg6 : memref<64x1x512xf32, #tpu.memory_space<vmem>>) target_semaphore(%arg8 : memref<!tpu.dma_semaphore, #tpu.memory_space<semaphore_mem>>)
    %dma_wait3A_129 = arith.constant 0 : i32
    %dma_wait3A_130 = tpu.memref_slice %arg2[%add3A_124, %reduce_max3A_12, %dma_wait3A_129] : memref<16384x6x512xf32, #tpu.memory_space<hbm>> -> memref<64x1x512xf32, #tpu.memory_space<hbm>>
    %dma_wait3A_131 = arith.constant 0 : i32
    %dma_wait3A_132 = tpu.memref_slice %arg2[%add3A_124, %reduce_max3A_12, %dma_wait3A_131] : memref<16384x6x512xf32, #tpu.memory_space<hbm>> -> memref<64x1x512xf32, #tpu.memory_space<hbm>>
    tpu.wait_dma2 semaphore(%arg8 : memref<!tpu.dma_semaphore, #tpu.memory_space<semaphore_mem>>) src(%dma_wait3A_132 : memref<64x1x512xf32, #tpu.memory_space<hbm>>) dst(%arg6 : memref<64x1x512xf32, #tpu.memory_space<vmem>>)
    %add3A_133 = arith.constant 128 : i32
    %add3A_134 = arith.addi %mul3A_2, %add3A_133 : i32
    %dma_start3A_135 = arith.constant 0 : i32
    %dma_start3A_136 = arith.constant 0 : i32
    %dma_start3A_137 = tpu.memref_slice %arg4[%add3A_134, %dma_start3A_135, %dma_start3A_136] : memref<16384x6x512xf32, #tpu.memory_space<hbm>> -> memref<64x1x512xf32, #tpu.memory_space<hbm>>
    %dma_start3A_138 = arith.constant 0 : i32
    %dma_start3A_139 = arith.constant 0 : i32
    %dma_start3A_140 = tpu.memref_slice %arg4[%add3A_134, %dma_start3A_138, %dma_start3A_139] : memref<16384x6x512xf32, #tpu.memory_space<hbm>> -> memref<64x1x512xf32, #tpu.memory_space<hbm>>
    tpu.enqueue_dma source(%arg6 : memref<64x1x512xf32, #tpu.memory_space<vmem>>) target(%dma_start3A_140 : memref<64x1x512xf32, #tpu.memory_space<hbm>>) target_semaphore(%arg10 : memref<!tpu.dma_semaphore, #tpu.memory_space<semaphore_mem>>)
    %dma_wait3A_141 = arith.constant 0 : i32
    %dma_wait3A_142 = arith.constant 0 : i32
    %dma_wait3A_143 = tpu.memref_slice %arg4[%add3A_110, %dma_wait3A_141, %dma_wait3A_142] : memref<16384x6x512xf32, #tpu.memory_space<hbm>> -> memref<64x1x512xf32, #tpu.memory_space<hbm>>
    %dma_wait3A_144 = arith.constant 0 : i32
    %dma_wait3A_145 = arith.constant 0 : i32
    %dma_wait3A_146 = tpu.memref_slice %arg4[%add3A_110, %dma_wait3A_144, %dma_wait3A_145] : memref<16384x6x512xf32, #tpu.memory_space<hbm>> -> memref<64x1x512xf32, #tpu.memory_space<hbm>>
    tpu.wait_dma2 semaphore(%arg11 : memref<!tpu.dma_semaphore, #tpu.memory_space<semaphore_mem>>) src(%arg7 : memref<64x1x512xf32, #tpu.memory_space<vmem>>) dst(%dma_wait3A_146 : memref<64x1x512xf32, #tpu.memory_space<hbm>>)
    %add3A_147 = arith.constant 192 : i32
    %add3A_148 = arith.addi %mul3A_2, %add3A_147 : i32
    %dma_start3A_149 = arith.constant 0 : i32
    %dma_start3A_150 = tpu.memref_slice %arg2[%add3A_148, %reduce_max3A_12, %dma_start3A_149] : memref<16384x6x512xf32, #tpu.memory_space<hbm>> -> memref<64x1x512xf32, #tpu.memory_space<hbm>>
    %dma_start3A_151 = arith.constant 0 : i32
    %dma_start3A_152 = tpu.memref_slice %arg2[%add3A_148, %reduce_max3A_12, %dma_start3A_151] : memref<16384x6x512xf32, #tpu.memory_space<hbm>> -> memref<64x1x512xf32, #tpu.memory_space<hbm>>
    tpu.enqueue_dma source(%dma_start3A_152 : memref<64x1x512xf32, #tpu.memory_space<hbm>>) target(%arg7 : memref<64x1x512xf32, #tpu.memory_space<vmem>>) target_semaphore(%arg9 : memref<!tpu.dma_semaphore, #tpu.memory_space<semaphore_mem>>)
    %dma_wait3A_153 = arith.constant 0 : i32
    %dma_wait3A_154 = tpu.memref_slice %arg2[%add3A_148, %reduce_max3A_12, %dma_wait3A_153] : memref<16384x6x512xf32, #tpu.memory_space<hbm>> -> memref<64x1x512xf32, #tpu.memory_space<hbm>>
    %dma_wait3A_155 = arith.constant 0 : i32
    %dma_wait3A_156 = tpu.memref_slice %arg2[%add3A_148, %reduce_max3A_12, %dma_wait3A_155] : memref<16384x6x512xf32, #tpu.memory_space<hbm>> -> memref<64x1x512xf32, #tpu.memory_space<hbm>>
    tpu.wait_dma2 semaphore(%arg9 : memref<!tpu.dma_semaphore, #tpu.memory_space<semaphore_mem>>) src(%dma_wait3A_156 : memref<64x1x512xf32, #tpu.memory_space<hbm>>) dst(%arg7 : memref<64x1x512xf32, #tpu.memory_space<vmem>>)
    %add3A_157 = arith.constant 192 : i32
    %add3A_158 = arith.addi %mul3A_2, %add3A_157 : i32
    %dma_start3A_159 = arith.constant 0 : i32
    %dma_start3A_160 = arith.constant 0 : i32
    %dma_start3A_161 = tpu.memref_slice %arg4[%add3A_158, %dma_start3A_159, %dma_start3A_160] : memref<16384x6x512xf32, #tpu.memory_space<hbm>> -> memref<64x1x512xf32, #tpu.memory_space<hbm>>
    %dma_start3A_162 = arith.constant 0 : i32
    %dma_start3A_163 = arith.constant 0 : i32
    %dma_start3A_164 = tpu.memref_slice %arg4[%add3A_158, %dma_start3A_162, %dma_start3A_163] : memref<16384x6x512xf32, #tpu.memory_space<hbm>> -> memref<64x1x512xf32, #tpu.memory_space<hbm>>
    tpu.enqueue_dma source(%arg7 : memref<64x1x512xf32, #tpu.memory_space<vmem>>) target(%dma_start3A_164 : memref<64x1x512xf32, #tpu.memory_space<hbm>>) target_semaphore(%arg11 : memref<!tpu.dma_semaphore, #tpu.memory_space<semaphore_mem>>)
    %dma_wait3A_165 = arith.constant 0 : i32
    %dma_wait3A_166 = arith.constant 0 : i32
    %dma_wait3A_167 = tpu.memref_slice %arg4[%add3A_134, %dma_wait3A_165, %dma_wait3A_166] : memref<16384x6x512xf32, #tpu.memory_space<hbm>> -> memref<64x1x512xf32, #tpu.memory_space<hbm>>
    %dma_wait3A_168 = arith.constant 0 : i32
    %dma_wait3A_169 = arith.constant 0 : i32
    %dma_wait3A_170 = tpu.memref_slice %arg4[%add3A_134, %dma_wait3A_168, %dma_wait3A_169] : memref<16384x6x512xf32, #tpu.memory_space<hbm>> -> memref<64x1x512xf32, #tpu.memory_space<hbm>>
    tpu.wait_dma2 semaphore(%arg10 : memref<!tpu.dma_semaphore, #tpu.memory_space<semaphore_mem>>) src(%arg6 : memref<64x1x512xf32, #tpu.memory_space<vmem>>) dst(%dma_wait3A_170 : memref<64x1x512xf32, #tpu.memory_space<hbm>>)
    %add3A_171 = arith.constant 256 : i32
    %add3A_172 = arith.addi %mul3A_2, %add3A_171 : i32
    %dma_start3A_173 = arith.constant 0 : i32
    %dma_start3A_174 = tpu.memref_slice %arg2[%add3A_172, %reduce_max3A_12, %dma_start3A_173] : memref<16384x6x512xf32, #tpu.memory_space<hbm>> -> memref<64x1x512xf32, #tpu.memory_space<hbm>>
    %dma_start3A_175 = arith.constant 0 : i32
    %dma_start3A_176 = tpu.memref_slice %arg2[%add3A_172, %reduce_max3A_12, %dma_start3A_175] : memref<16384x6x512xf32, #tpu.memory_space<hbm>> -> memref<64x1x512xf32, #tpu.memory_space<hbm>>
    tpu.enqueue_dma source(%dma_start3A_176 : memref<64x1x512xf32, #tpu.memory_space<hbm>>) target(%arg6 : memref<64x1x512xf32, #tpu.memory_space<vmem>>) target_semaphore(%arg8 : memref<!tpu.dma_semaphore, #tpu.memory_space<semaphore_mem>>)
    %dma_wait3A_177 = arith.constant 0 : i32
    %dma_wait3A_178 = tpu.memref_slice %arg2[%add3A_172, %reduce_max3A_12, %dma_wait3A_177] : memref<16384x6x512xf32, #tpu.memory_space<hbm>> -> memref<64x1x512xf32, #tpu.memory_space<hbm>>
    %dma_wait3A_179 = arith.constant 0 : i32
    %dma_wait3A_180 = tpu.memref_slice %arg2[%add3A_172, %reduce_max3A_12, %dma_wait3A_179] : memref<16384x6x512xf32, #tpu.memory_space<hbm>> -> memref<64x1x512xf32, #tpu.memory_space<hbm>>
    tpu.wait_dma2 semaphore(%arg8 : memref<!tpu.dma_semaphore, #tpu.memory_space<semaphore_mem>>) src(%dma_wait3A_180 : memref<64x1x512xf32, #tpu.memory_space<hbm>>) dst(%arg6 : memref<64x1x512xf32, #tpu.memory_space<vmem>>)
    %add3A_181 = arith.constant 256 : i32
    %add3A_182 = arith.addi %mul3A_2, %add3A_181 : i32
    %dma_start3A_183 = arith.constant 0 : i32
    %dma_start3A_184 = arith.constant 0 : i32
    %dma_start3A_185 = tpu.memref_slice %arg4[%add3A_182, %dma_start3A_183, %dma_start3A_184] : memref<16384x6x512xf32, #tpu.memory_space<hbm>> -> memref<64x1x512xf32, #tpu.memory_space<hbm>>
    %dma_start3A_186 = arith.constant 0 : i32
    %dma_start3A_187 = arith.constant 0 : i32
    %dma_start3A_188 = tpu.memref_slice %arg4[%add3A_182, %dma_start3A_186, %dma_start3A_187] : memref<16384x6x512xf32, #tpu.memory_space<hbm>> -> memref<64x1x512xf32, #tpu.memory_space<hbm>>
    tpu.enqueue_dma source(%arg6 : memref<64x1x512xf32, #tpu.memory_space<vmem>>) target(%dma_start3A_188 : memref<64x1x512xf32, #tpu.memory_space<hbm>>) target_semaphore(%arg10 : memref<!tpu.dma_semaphore, #tpu.memory_space<semaphore_mem>>)
    %dma_wait3A_189 = arith.constant 0 : i32
    %dma_wait3A_190 = arith.constant 0 : i32
    %dma_wait3A_191 = tpu.memref_slice %arg4[%add3A_158, %dma_wait3A_189, %dma_wait3A_190] : memref<16384x6x512xf32, #tpu.memory_space<hbm>> -> memref<64x1x512xf32, #tpu.memory_space<hbm>>
    %dma_wait3A_192 = arith.constant 0 : i32
    %dma_wait3A_193 = arith.constant 0 : i32
    %dma_wait3A_194 = tpu.memref_slice %arg4[%add3A_158, %dma_wait3A_192, %dma_wait3A_193] : memref<16384x6x512xf32, #tpu.memory_space<hbm>> -> memref<64x1x512xf32, #tpu.memory_space<hbm>>
    tpu.wait_dma2 semaphore(%arg11 : memref<!tpu.dma_semaphore, #tpu.memory_space<semaphore_mem>>) src(%arg7 : memref<64x1x512xf32, #tpu.memory_space<vmem>>) dst(%dma_wait3A_194 : memref<64x1x512xf32, #tpu.memory_space<hbm>>)
    %add3A_195 = arith.constant 320 : i32
    %add3A_196 = arith.addi %mul3A_2, %add3A_195 : i32
    %dma_start3A_197 = arith.constant 0 : i32
    %dma_start3A_198 = tpu.memref_slice %arg2[%add3A_196, %reduce_max3A_12, %dma_start3A_197] : memref<16384x6x512xf32, #tpu.memory_space<hbm>> -> memref<64x1x512xf32, #tpu.memory_space<hbm>>
    %dma_start3A_199 = arith.constant 0 : i32
    %dma_start3A_200 = tpu.memref_slice %arg2[%add3A_196, %reduce_max3A_12, %dma_start3A_199] : memref<16384x6x512xf32, #tpu.memory_space<hbm>> -> memref<64x1x512xf32, #tpu.memory_space<hbm>>
    tpu.enqueue_dma source(%dma_start3A_200 : memref<64x1x512xf32, #tpu.memory_space<hbm>>) target(%arg7 : memref<64x1x512xf32, #tpu.memory_space<vmem>>) target_semaphore(%arg9 : memref<!tpu.dma_semaphore, #tpu.memory_space<semaphore_mem>>)
    %dma_wait3A_201 = arith.constant 0 : i32
    %dma_wait3A_202 = tpu.memref_slice %arg2[%add3A_196, %reduce_max3A_12, %dma_wait3A_201] : memref<16384x6x512xf32, #tpu.memory_space<hbm>> -> memref<64x1x512xf32, #tpu.memory_space<hbm>>
    %dma_wait3A_203 = arith.constant 0 : i32
    %dma_wait3A_204 = tpu.memref_slice %arg2[%add3A_196, %reduce_max3A_12, %dma_wait3A_203] : memref<16384x6x512xf32, #tpu.memory_space<hbm>> -> memref<64x1x512xf32, #tpu.memory_space<hbm>>
    tpu.wait_dma2 semaphore(%arg9 : memref<!tpu.dma_semaphore, #tpu.memory_space<semaphore_mem>>) src(%dma_wait3A_204 : memref<64x1x512xf32, #tpu.memory_space<hbm>>) dst(%arg7 : memref<64x1x512xf32, #tpu.memory_space<vmem>>)
    %add3A_205 = arith.constant 320 : i32
    %add3A_206 = arith.addi %mul3A_2, %add3A_205 : i32
    %dma_start3A_207 = arith.constant 0 : i32
    %dma_start3A_208 = arith.constant 0 : i32
    %dma_start3A_209 = tpu.memref_slice %arg4[%add3A_206, %dma_start3A_207, %dma_start3A_208] : memref<16384x6x512xf32, #tpu.memory_space<hbm>> -> memref<64x1x512xf32, #tpu.memory_space<hbm>>
    %dma_start3A_210 = arith.constant 0 : i32
    %dma_start3A_211 = arith.constant 0 : i32
    %dma_start3A_212 = tpu.memref_slice %arg4[%add3A_206, %dma_start3A_210, %dma_start3A_211] : memref<16384x6x512xf32, #tpu.memory_space<hbm>> -> memref<64x1x512xf32, #tpu.memory_space<hbm>>
    tpu.enqueue_dma source(%arg7 : memref<64x1x512xf32, #tpu.memory_space<vmem>>) target(%dma_start3A_212 : memref<64x1x512xf32, #tpu.memory_space<hbm>>) target_semaphore(%arg11 : memref<!tpu.dma_semaphore, #tpu.memory_space<semaphore_mem>>)
    %dma_wait3A_213 = arith.constant 0 : i32
    %dma_wait3A_214 = arith.constant 0 : i32
    %dma_wait3A_215 = tpu.memref_slice %arg4[%add3A_182, %dma_wait3A_213, %dma_wait3A_214] : memref<16384x6x512xf32, #tpu.memory_space<hbm>> -> memref<64x1x512xf32, #tpu.memory_space<hbm>>
    %dma_wait3A_216 = arith.constant 0 : i32
    %dma_wait3A_217 = arith.constant 0 : i32
    %dma_wait3A_218 = tpu.memref_slice %arg4[%add3A_182, %dma_wait3A_216, %dma_wait3A_217] : memref<16384x6x512xf32, #tpu.memory_space<hbm>> -> memref<64x1x512xf32, #tpu.memory_space<hbm>>
    tpu.wait_dma2 semaphore(%arg10 : memref<!tpu.dma_semaphore, #tpu.memory_space<semaphore_mem>>) src(%arg6 : memref<64x1x512xf32, #tpu.memory_space<vmem>>) dst(%dma_wait3A_218 : memref<64x1x512xf32, #tpu.memory_space<hbm>>)
    %add3A_219 = arith.constant 384 : i32
    %add3A_220 = arith.addi %mul3A_2, %add3A_219 : i32
    %dma_start3A_221 = arith.constant 0 : i32
    %dma_start3A_222 = tpu.memref_slice %arg2[%add3A_220, %reduce_max3A_12, %dma_start3A_221] : memref<16384x6x512xf32, #tpu.memory_space<hbm>> -> memref<64x1x512xf32, #tpu.memory_space<hbm>>
    %dma_start3A_223 = arith.constant 0 : i32
    %dma_start3A_224 = tpu.memref_slice %arg2[%add3A_220, %reduce_max3A_12, %dma_start3A_223] : memref<16384x6x512xf32, #tpu.memory_space<hbm>> -> memref<64x1x512xf32, #tpu.memory_space<hbm>>
    tpu.enqueue_dma source(%dma_start3A_224 : memref<64x1x512xf32, #tpu.memory_space<hbm>>) target(%arg6 : memref<64x1x512xf32, #tpu.memory_space<vmem>>) target_semaphore(%arg8 : memref<!tpu.dma_semaphore, #tpu.memory_space<semaphore_mem>>)
    %dma_wait3A_225 = arith.constant 0 : i32
    %dma_wait3A_226 = tpu.memref_slice %arg2[%add3A_220, %reduce_max3A_12, %dma_wait3A_225] : memref<16384x6x512xf32, #tpu.memory_space<hbm>> -> memref<64x1x512xf32, #tpu.memory_space<hbm>>
    %dma_wait3A_227 = arith.constant 0 : i32
    %dma_wait3A_228 = tpu.memref_slice %arg2[%add3A_220, %reduce_max3A_12, %dma_wait3A_227] : memref<16384x6x512xf32, #tpu.memory_space<hbm>> -> memref<64x1x512xf32, #tpu.memory_space<hbm>>
    tpu.wait_dma2 semaphore(%arg8 : memref<!tpu.dma_semaphore, #tpu.memory_space<semaphore_mem>>) src(%dma_wait3A_228 : memref<64x1x512xf32, #tpu.memory_space<hbm>>) dst(%arg6 : memref<64x1x512xf32, #tpu.memory_space<vmem>>)
    %add3A_229 = arith.constant 384 : i32
    %add3A_230 = arith.addi %mul3A_2, %add3A_229 : i32
    %dma_start3A_231 = arith.constant 0 : i32
    %dma_start3A_232 = arith.constant 0 : i32
    %dma_start3A_233 = tpu.memref_slice %arg4[%add3A_230, %dma_start3A_231, %dma_start3A_232] : memref<16384x6x512xf32, #tpu.memory_space<hbm>> -> memref<64x1x512xf32, #tpu.memory_space<hbm>>
    %dma_start3A_234 = arith.constant 0 : i32
    %dma_start3A_235 = arith.constant 0 : i32
    %dma_start3A_236 = tpu.memref_slice %arg4[%add3A_230, %dma_start3A_234, %dma_start3A_235] : memref<16384x6x512xf32, #tpu.memory_space<hbm>> -> memref<64x1x512xf32, #tpu.memory_space<hbm>>
    tpu.enqueue_dma source(%arg6 : memref<64x1x512xf32, #tpu.memory_space<vmem>>) target(%dma_start3A_236 : memref<64x1x512xf32, #tpu.memory_space<hbm>>) target_semaphore(%arg10 : memref<!tpu.dma_semaphore, #tpu.memory_space<semaphore_mem>>)
    %dma_wait3A_237 = arith.constant 0 : i32
    %dma_wait3A_238 = arith.constant 0 : i32
    %dma_wait3A_239 = tpu.memref_slice %arg4[%add3A_206, %dma_wait3A_237, %dma_wait3A_238] : memref<16384x6x512xf32, #tpu.memory_space<hbm>> -> memref<64x1x512xf32, #tpu.memory_space<hbm>>
    %dma_wait3A_240 = arith.constant 0 : i32
    %dma_wait3A_241 = arith.constant 0 : i32
    %dma_wait3A_242 = tpu.memref_slice %arg4[%add3A_206, %dma_wait3A_240, %dma_wait3A_241] : memref<16384x6x512xf32, #tpu.memory_space<hbm>> -> memref<64x1x512xf32, #tpu.memory_space<hbm>>
    tpu.wait_dma2 semaphore(%arg11 : memref<!tpu.dma_semaphore, #tpu.memory_space<semaphore_mem>>) src(%arg7 : memref<64x1x512xf32, #tpu.memory_space<vmem>>) dst(%dma_wait3A_242 : memref<64x1x512xf32, #tpu.memory_space<hbm>>)
    %add3A_243 = arith.constant 448 : i32
    %add3A_244 = arith.addi %mul3A_2, %add3A_243 : i32
    %dma_start3A_245 = arith.constant 0 : i32
    %dma_start3A_246 = tpu.memref_slice %arg2[%add3A_244, %reduce_max3A_12, %dma_start3A_245] : memref<16384x6x512xf32, #tpu.memory_space<hbm>> -> memref<64x1x512xf32, #tpu.memory_space<hbm>>
    %dma_start3A_247 = arith.constant 0 : i32
    %dma_start3A_248 = tpu.memref_slice %arg2[%add3A_244, %reduce_max3A_12, %dma_start3A_247] : memref<16384x6x512xf32, #tpu.memory_space<hbm>> -> memref<64x1x512xf32, #tpu.memory_space<hbm>>
    tpu.enqueue_dma source(%dma_start3A_248 : memref<64x1x512xf32, #tpu.memory_space<hbm>>) target(%arg7 : memref<64x1x512xf32, #tpu.memory_space<vmem>>) target_semaphore(%arg9 : memref<!tpu.dma_semaphore, #tpu.memory_space<semaphore_mem>>)
    %dma_wait3A_249 = arith.constant 0 : i32
    %dma_wait3A_250 = tpu.memref_slice %arg2[%add3A_244, %reduce_max3A_12, %dma_wait3A_249] : memref<16384x6x512xf32, #tpu.memory_space<hbm>> -> memref<64x1x512xf32, #tpu.memory_space<hbm>>
    %dma_wait3A_251 = arith.constant 0 : i32
    %dma_wait3A_252 = tpu.memref_slice %arg2[%add3A_244, %reduce_max3A_12, %dma_wait3A_251] : memref<16384x6x512xf32, #tpu.memory_space<hbm>> -> memref<64x1x512xf32, #tpu.memory_space<hbm>>
    tpu.wait_dma2 semaphore(%arg9 : memref<!tpu.dma_semaphore, #tpu.memory_space<semaphore_mem>>) src(%dma_wait3A_252 : memref<64x1x512xf32, #tpu.memory_space<hbm>>) dst(%arg7 : memref<64x1x512xf32, #tpu.memory_space<vmem>>)
    %add3A_253 = arith.constant 448 : i32
    %add3A_254 = arith.addi %mul3A_2, %add3A_253 : i32
    %dma_start3A_255 = arith.constant 0 : i32
    %dma_start3A_256 = arith.constant 0 : i32
    %dma_start3A_257 = tpu.memref_slice %arg4[%add3A_254, %dma_start3A_255, %dma_start3A_256] : memref<16384x6x512xf32, #tpu.memory_space<hbm>> -> memref<64x1x512xf32, #tpu.memory_space<hbm>>
    %dma_start3A_258 = arith.constant 0 : i32
    %dma_start3A_259 = arith.constant 0 : i32
    %dma_start3A_260 = tpu.memref_slice %arg4[%add3A_254, %dma_start3A_258, %dma_start3A_259] : memref<16384x6x512xf32, #tpu.memory_space<hbm>> -> memref<64x1x512xf32, #tpu.memory_space<hbm>>
    tpu.enqueue_dma source(%arg7 : memref<64x1x512xf32, #tpu.memory_space<vmem>>) target(%dma_start3A_260 : memref<64x1x512xf32, #tpu.memory_space<hbm>>) target_semaphore(%arg11 : memref<!tpu.dma_semaphore, #tpu.memory_space<semaphore_mem>>)
    %dma_wait3A_261 = arith.constant 0 : i32
    %dma_wait3A_262 = arith.constant 0 : i32
    %dma_wait3A_263 = tpu.memref_slice %arg4[%add3A_230, %dma_wait3A_261, %dma_wait3A_262] : memref<16384x6x512xf32, #tpu.memory_space<hbm>> -> memref<64x1x512xf32, #tpu.memory_space<hbm>>
    %dma_wait3A_264 = arith.constant 0 : i32
    %dma_wait3A_265 = arith.constant 0 : i32
    %dma_wait3A_266 = tpu.memref_slice %arg4[%add3A_230, %dma_wait3A_264, %dma_wait3A_265] : memref<16384x6x512xf32, #tpu.memory_space<hbm>> -> memref<64x1x512xf32, #tpu.memory_space<hbm>>
    tpu.wait_dma2 semaphore(%arg10 : memref<!tpu.dma_semaphore, #tpu.memory_space<semaphore_mem>>) src(%arg6 : memref<64x1x512xf32, #tpu.memory_space<vmem>>) dst(%dma_wait3A_266 : memref<64x1x512xf32, #tpu.memory_space<hbm>>)
    %add3A_267 = arith.constant 0 : i32
    %add3A_268 = arith.addi %mul3A_2, %add3A_267 : i32
    %dma_start3A_269 = arith.constant 0 : i32
    %dma_start3A_270 = tpu.memref_slice %arg2[%add3A_268, %reduce_max3A_26, %dma_start3A_269] : memref<16384x6x512xf32, #tpu.memory_space<hbm>> -> memref<64x1x512xf32, #tpu.memory_space<hbm>>
    %dma_start3A_271 = arith.constant 0 : i32
    %dma_start3A_272 = tpu.memref_slice %arg2[%add3A_268, %reduce_max3A_26, %dma_start3A_271] : memref<16384x6x512xf32, #tpu.memory_space<hbm>> -> memref<64x1x512xf32, #tpu.memory_space<hbm>>
    tpu.enqueue_dma source(%dma_start3A_272 : memref<64x1x512xf32, #tpu.memory_space<hbm>>) target(%arg6 : memref<64x1x512xf32, #tpu.memory_space<vmem>>) target_semaphore(%arg8 : memref<!tpu.dma_semaphore, #tpu.memory_space<semaphore_mem>>)
    %dma_wait3A_273 = arith.constant 0 : i32
    %dma_wait3A_274 = tpu.memref_slice %arg2[%add3A_268, %reduce_max3A_26, %dma_wait3A_273] : memref<16384x6x512xf32, #tpu.memory_space<hbm>> -> memref<64x1x512xf32, #tpu.memory_space<hbm>>
    %dma_wait3A_275 = arith.constant 0 : i32
    %dma_wait3A_276 = tpu.memref_slice %arg2[%add3A_268, %reduce_max3A_26, %dma_wait3A_275] : memref<16384x6x512xf32, #tpu.memory_space<hbm>> -> memref<64x1x512xf32, #tpu.memory_space<hbm>>
    tpu.wait_dma2 semaphore(%arg8 : memref<!tpu.dma_semaphore, #tpu.memory_space<semaphore_mem>>) src(%dma_wait3A_276 : memref<64x1x512xf32, #tpu.memory_space<hbm>>) dst(%arg6 : memref<64x1x512xf32, #tpu.memory_space<vmem>>)
    %add3A_277 = arith.constant 0 : i32
    %add3A_278 = arith.addi %mul3A_2, %add3A_277 : i32
    %dma_start3A_279 = arith.constant 1 : i32
    %dma_start3A_280 = arith.constant 0 : i32
    %dma_start3A_281 = tpu.memref_slice %arg4[%add3A_278, %dma_start3A_279, %dma_start3A_280] : memref<16384x6x512xf32, #tpu.memory_space<hbm>> -> memref<64x1x512xf32, #tpu.memory_space<hbm>>
    %dma_start3A_282 = arith.constant 1 : i32
    %dma_start3A_283 = arith.constant 0 : i32
    %dma_start3A_284 = tpu.memref_slice %arg4[%add3A_278, %dma_start3A_282, %dma_start3A_283] : memref<16384x6x512xf32, #tpu.memory_space<hbm>> -> memref<64x1x512xf32, #tpu.memory_space<hbm>>
    tpu.enqueue_dma source(%arg6 : memref<64x1x512xf32, #tpu.memory_space<vmem>>) target(%dma_start3A_284 : memref<64x1x512xf32, #tpu.memory_space<hbm>>) target_semaphore(%arg10 : memref<!tpu.dma_semaphore, #tpu.memory_space<semaphore_mem>>)
    %dma_wait3A_285 = arith.constant 0 : i32
    %dma_wait3A_286 = arith.constant 0 : i32
    %dma_wait3A_287 = tpu.memref_slice %arg4[%add3A_254, %dma_wait3A_285, %dma_wait3A_286] : memref<16384x6x512xf32, #tpu.memory_space<hbm>> -> memref<64x1x512xf32, #tpu.memory_space<hbm>>
    %dma_wait3A_288 = arith.constant 0 : i32
    %dma_wait3A_289 = arith.constant 0 : i32
    %dma_wait3A_290 = tpu.memref_slice %arg4[%add3A_254, %dma_wait3A_288, %dma_wait3A_289] : memref<16384x6x512xf32, #tpu.memory_space<hbm>> -> memref<64x1x512xf32, #tpu.memory_space<hbm>>
    tpu.wait_dma2 semaphore(%arg11 : memref<!tpu.dma_semaphore, #tpu.memory_space<semaphore_mem>>) src(%arg7 : memref<64x1x512xf32, #tpu.memory_space<vmem>>) dst(%dma_wait3A_290 : memref<64x1x512xf32, #tpu.memory_space<hbm>>)
    %add3A_291 = arith.constant 64 : i32
    %add3A_292 = arith.addi %mul3A_2, %add3A_291 : i32
    %dma_start3A_293 = arith.constant 0 : i32
    %dma_start3A_294 = tpu.memref_slice %arg2[%add3A_292, %reduce_max3A_26, %dma_start3A_293] : memref<16384x6x512xf32, #tpu.memory_space<hbm>> -> memref<64x1x512xf32, #tpu.memory_space<hbm>>
    %dma_start3A_295 = arith.constant 0 : i32
    %dma_start3A_296 = tpu.memref_slice %arg2[%add3A_292, %reduce_max3A_26, %dma_start3A_295] : memref<16384x6x512xf32, #tpu.memory_space<hbm>> -> memref<64x1x512xf32, #tpu.memory_space<hbm>>
    tpu.enqueue_dma source(%dma_start3A_296 : memref<64x1x512xf32, #tpu.memory_space<hbm>>) target(%arg7 : memref<64x1x512xf32, #tpu.memory_space<vmem>>) target_semaphore(%arg9 : memref<!tpu.dma_semaphore, #tpu.memory_space<semaphore_mem>>)
    %dma_wait3A_297 = arith.constant 0 : i32
    %dma_wait3A_298 = tpu.memref_slice %arg2[%add3A_292, %reduce_max3A_26, %dma_wait3A_297] : memref<16384x6x512xf32, #tpu.memory_space<hbm>> -> memref<64x1x512xf32, #tpu.memory_space<hbm>>
    %dma_wait3A_299 = arith.constant 0 : i32
    %dma_wait3A_300 = tpu.memref_slice %arg2[%add3A_292, %reduce_max3A_26, %dma_wait3A_299] : memref<16384x6x512xf32, #tpu.memory_space<hbm>> -> memref<64x1x512xf32, #tpu.memory_space<hbm>>
    tpu.wait_dma2 semaphore(%arg9 : memref<!tpu.dma_semaphore, #tpu.memory_space<semaphore_mem>>) src(%dma_wait3A_300 : memref<64x1x512xf32, #tpu.memory_space<hbm>>) dst(%arg7 : memref<64x1x512xf32, #tpu.memory_space<vmem>>)
    %add3A_301 = arith.constant 64 : i32
    %add3A_302 = arith.addi %mul3A_2, %add3A_301 : i32
    %dma_start3A_303 = arith.constant 1 : i32
    %dma_start3A_304 = arith.constant 0 : i32
    %dma_start3A_305 = tpu.memref_slice %arg4[%add3A_302, %dma_start3A_303, %dma_start3A_304] : memref<16384x6x512xf32, #tpu.memory_space<hbm>> -> memref<64x1x512xf32, #tpu.memory_space<hbm>>
    %dma_start3A_306 = arith.constant 1 : i32
    %dma_start3A_307 = arith.constant 0 : i32
    %dma_start3A_308 = tpu.memref_slice %arg4[%add3A_302, %dma_start3A_306, %dma_start3A_307] : memref<16384x6x512xf32, #tpu.memory_space<hbm>> -> memref<64x1x512xf32, #tpu.memory_space<hbm>>
    tpu.enqueue_dma source(%arg7 : memref<64x1x512xf32, #tpu.memory_space<vmem>>) target(%dma_start3A_308 : memref<64x1x512xf32, #tpu.memory_space<hbm>>) target_semaphore(%arg11 : memref<!tpu.dma_semaphore, #tpu.memory_space<semaphore_mem>>)
    %dma_wait3A_309 = arith.constant 1 : i32
    %dma_wait3A_310 = arith.constant 0 : i32
    %dma_wait3A_311 = tpu.memref_slice %arg4[%add3A_278, %dma_wait3A_309, %dma_wait3A_310] : memref<16384x6x512xf32, #tpu.memory_space<hbm>> -> memref<64x1x512xf32, #tpu.memory_space<hbm>>
    %dma_wait3A_312 = arith.constant 1 : i32
    %dma_wait3A_313 = arith.constant 0 : i32
    %dma_wait3A_314 = tpu.memref_slice %arg4[%add3A_278, %dma_wait3A_312, %dma_wait3A_313] : memref<16384x6x512xf32, #tpu.memory_space<hbm>> -> memref<64x1x512xf32, #tpu.memory_space<hbm>>
    tpu.wait_dma2 semaphore(%arg10 : memref<!tpu.dma_semaphore, #tpu.memory_space<semaphore_mem>>) src(%arg6 : memref<64x1x512xf32, #tpu.memory_space<vmem>>) dst(%dma_wait3A_314 : memref<64x1x512xf32, #tpu.memory_space<hbm>>)
    %add3A_315 = arith.constant 128 : i32
    %add3A_316 = arith.addi %mul3A_2, %add3A_315 : i32
    %dma_start3A_317 = arith.constant 0 : i32
    %dma_start3A_318 = tpu.memref_slice %arg2[%add3A_316, %reduce_max3A_26, %dma_start3A_317] : memref<16384x6x512xf32, #tpu.memory_space<hbm>> -> memref<64x1x512xf32, #tpu.memory_space<hbm>>
    %dma_start3A_319 = arith.constant 0 : i32
    %dma_start3A_320 = tpu.memref_slice %arg2[%add3A_316, %reduce_max3A_26, %dma_start3A_319] : memref<16384x6x512xf32, #tpu.memory_space<hbm>> -> memref<64x1x512xf32, #tpu.memory_space<hbm>>
    tpu.enqueue_dma source(%dma_start3A_320 : memref<64x1x512xf32, #tpu.memory_space<hbm>>) target(%arg6 : memref<64x1x512xf32, #tpu.memory_space<vmem>>) target_semaphore(%arg8 : memref<!tpu.dma_semaphore, #tpu.memory_space<semaphore_mem>>)
    %dma_wait3A_321 = arith.constant 0 : i32
    %dma_wait3A_322 = tpu.memref_slice %arg2[%add3A_316, %reduce_max3A_26, %dma_wait3A_321] : memref<16384x6x512xf32, #tpu.memory_space<hbm>> -> memref<64x1x512xf32, #tpu.memory_space<hbm>>
    %dma_wait3A_323 = arith.constant 0 : i32
    %dma_wait3A_324 = tpu.memref_slice %arg2[%add3A_316, %reduce_max3A_26, %dma_wait3A_323] : memref<16384x6x512xf32, #tpu.memory_space<hbm>> -> memref<64x1x512xf32, #tpu.memory_space<hbm>>
    tpu.wait_dma2 semaphore(%arg8 : memref<!tpu.dma_semaphore, #tpu.memory_space<semaphore_mem>>) src(%dma_wait3A_324 : memref<64x1x512xf32, #tpu.memory_space<hbm>>) dst(%arg6 : memref<64x1x512xf32, #tpu.memory_space<vmem>>)
    %add3A_325 = arith.constant 128 : i32
    %add3A_326 = arith.addi %mul3A_2, %add3A_325 : i32
    %dma_start3A_327 = arith.constant 1 : i32
    %dma_start3A_328 = arith.constant 0 : i32
    %dma_start3A_329 = tpu.memref_slice %arg4[%add3A_326, %dma_start3A_327, %dma_start3A_328] : memref<16384x6x512xf32, #tpu.memory_space<hbm>> -> memref<64x1x512xf32, #tpu.memory_space<hbm>>
    %dma_start3A_330 = arith.constant 1 : i32
    %dma_start3A_331 = arith.constant 0 : i32
    %dma_start3A_332 = tpu.memref_slice %arg4[%add3A_326, %dma_start3A_330, %dma_start3A_331] : memref<16384x6x512xf32, #tpu.memory_space<hbm>> -> memref<64x1x512xf32, #tpu.memory_space<hbm>>
    tpu.enqueue_dma source(%arg6 : memref<64x1x512xf32, #tpu.memory_space<vmem>>) target(%dma_start3A_332 : memref<64x1x512xf32, #tpu.memory_space<hbm>>) target_semaphore(%arg10 : memref<!tpu.dma_semaphore, #tpu.memory_space<semaphore_mem>>)
    %dma_wait3A_333 = arith.constant 1 : i32
    %dma_wait3A_334 = arith.constant 0 : i32
    %dma_wait3A_335 = tpu.memref_slice %arg4[%add3A_302, %dma_wait3A_333, %dma_wait3A_334] : memref<16384x6x512xf32, #tpu.memory_space<hbm>> -> memref<64x1x512xf32, #tpu.memory_space<hbm>>
    %dma_wait3A_336 = arith.constant 1 : i32
    %dma_wait3A_337 = arith.constant 0 : i32
    %dma_wait3A_338 = tpu.memref_slice %arg4[%add3A_302, %dma_wait3A_336, %dma_wait3A_337] : memref<16384x6x512xf32, #tpu.memory_space<hbm>> -> memref<64x1x512xf32, #tpu.memory_space<hbm>>
    tpu.wait_dma2 semaphore(%arg11 : memref<!tpu.dma_semaphore, #tpu.memory_space<semaphore_mem>>) src(%arg7 : memref<64x1x512xf32, #tpu.memory_space<vmem>>) dst(%dma_wait3A_338 : memref<64x1x512xf32, #tpu.memory_space<hbm>>)
    %add3A_339 = arith.constant 192 : i32
    %add3A_340 = arith.addi %mul3A_2, %add3A_339 : i32
    %dma_start3A_341 = arith.constant 0 : i32
    %dma_start3A_342 = tpu.memref_slice %arg2[%add3A_340, %reduce_max3A_26, %dma_start3A_341] : memref<16384x6x512xf32, #tpu.memory_space<hbm>> -> memref<64x1x512xf32, #tpu.memory_space<hbm>>
    %dma_start3A_343 = arith.constant 0 : i32
    %dma_start3A_344 = tpu.memref_slice %arg2[%add3A_340, %reduce_max3A_26, %dma_start3A_343] : memref<16384x6x512xf32, #tpu.memory_space<hbm>> -> memref<64x1x512xf32, #tpu.memory_space<hbm>>
    tpu.enqueue_dma source(%dma_start3A_344 : memref<64x1x512xf32, #tpu.memory_space<hbm>>) target(%arg7 : memref<64x1x512xf32, #tpu.memory_space<vmem>>) target_semaphore(%arg9 : memref<!tpu.dma_semaphore, #tpu.memory_space<semaphore_mem>>)
    %dma_wait3A_345 = arith.constant 0 : i32
    %dma_wait3A_346 = tpu.memref_slice %arg2[%add3A_340, %reduce_max3A_26, %dma_wait3A_345] : memref<16384x6x512xf32, #tpu.memory_space<hbm>> -> memref<64x1x512xf32, #tpu.memory_space<hbm>>
    %dma_wait3A_347 = arith.constant 0 : i32
    %dma_wait3A_348 = tpu.memref_slice %arg2[%add3A_340, %reduce_max3A_26, %dma_wait3A_347] : memref<16384x6x512xf32, #tpu.memory_space<hbm>> -> memref<64x1x512xf32, #tpu.memory_space<hbm>>
    tpu.wait_dma2 semaphore(%arg9 : memref<!tpu.dma_semaphore, #tpu.memory_space<semaphore_mem>>) src(%dma_wait3A_348 : memref<64x1x512xf32, #tpu.memory_space<hbm>>) dst(%arg7 : memref<64x1x512xf32, #tpu.memory_space<vmem>>)
    %add3A_349 = arith.constant 192 : i32
    %add3A_350 = arith.addi %mul3A_2, %add3A_349 : i32
    %dma_start3A_351 = arith.constant 1 : i32
    %dma_start3A_352 = arith.constant 0 : i32
    %dma_start3A_353 = tpu.memref_slice %arg4[%add3A_350, %dma_start3A_351, %dma_start3A_352] : memref<16384x6x512xf32, #tpu.memory_space<hbm>> -> memref<64x1x512xf32, #tpu.memory_space<hbm>>
    %dma_start3A_354 = arith.constant 1 : i32
    %dma_start3A_355 = arith.constant 0 : i32
    %dma_start3A_356 = tpu.memref_slice %arg4[%add3A_350, %dma_start3A_354, %dma_start3A_355] : memref<16384x6x512xf32, #tpu.memory_space<hbm>> -> memref<64x1x512xf32, #tpu.memory_space<hbm>>
    tpu.enqueue_dma source(%arg7 : memref<64x1x512xf32, #tpu.memory_space<vmem>>) target(%dma_start3A_356 : memref<64x1x512xf32, #tpu.memory_space<hbm>>) target_semaphore(%arg11 : memref<!tpu.dma_semaphore, #tpu.memory_space<semaphore_mem>>)
    %dma_wait3A_357 = arith.constant 1 : i32
    %dma_wait3A_358 = arith.constant 0 : i32
    %dma_wait3A_359 = tpu.memref_slice %arg4[%add3A_326, %dma_wait3A_357, %dma_wait3A_358] : memref<16384x6x512xf32, #tpu.memory_space<hbm>> -> memref<64x1x512xf32, #tpu.memory_space<hbm>>
    %dma_wait3A_360 = arith.constant 1 : i32
    %dma_wait3A_361 = arith.constant 0 : i32
    %dma_wait3A_362 = tpu.memref_slice %arg4[%add3A_326, %dma_wait3A_360, %dma_wait3A_361] : memref<16384x6x512xf32, #tpu.memory_space<hbm>> -> memref<64x1x512xf32, #tpu.memory_space<hbm>>
    tpu.wait_dma2 semaphore(%arg10 : memref<!tpu.dma_semaphore, #tpu.memory_space<semaphore_mem>>) src(%arg6 : memref<64x1x512xf32, #tpu.memory_space<vmem>>) dst(%dma_wait3A_362 : memref<64x1x512xf32, #tpu.memory_space<hbm>>)
    %add3A_363 = arith.constant 256 : i32
    %add3A_364 = arith.addi %mul3A_2, %add3A_363 : i32
    %dma_start3A_365 = arith.constant 0 : i32
    %dma_start3A_366 = tpu.memref_slice %arg2[%add3A_364, %reduce_max3A_26, %dma_start3A_365] : memref<16384x6x512xf32, #tpu.memory_space<hbm>> -> memref<64x1x512xf32, #tpu.memory_space<hbm>>
    %dma_start3A_367 = arith.constant 0 : i32
    %dma_start3A_368 = tpu.memref_slice %arg2[%add3A_364, %reduce_max3A_26, %dma_start3A_367] : memref<16384x6x512xf32, #tpu.memory_space<hbm>> -> memref<64x1x512xf32, #tpu.memory_space<hbm>>
    tpu.enqueue_dma source(%dma_start3A_368 : memref<64x1x512xf32, #tpu.memory_space<hbm>>) target(%arg6 : memref<64x1x512xf32, #tpu.memory_space<vmem>>) target_semaphore(%arg8 : memref<!tpu.dma_semaphore, #tpu.memory_space<semaphore_mem>>)
    %dma_wait3A_369 = arith.constant 0 : i32
    %dma_wait3A_370 = tpu.memref_slice %arg2[%add3A_364, %reduce_max3A_26, %dma_wait3A_369] : memref<16384x6x512xf32, #tpu.memory_space<hbm>> -> memref<64x1x512xf32, #tpu.memory_space<hbm>>
    %dma_wait3A_371 = arith.constant 0 : i32
    %dma_wait3A_372 = tpu.memref_slice %arg2[%add3A_364, %reduce_max3A_26, %dma_wait3A_371] : memref<16384x6x512xf32, #tpu.memory_space<hbm>> -> memref<64x1x512xf32, #tpu.memory_space<hbm>>
    tpu.wait_dma2 semaphore(%arg8 : memref<!tpu.dma_semaphore, #tpu.memory_space<semaphore_mem>>) src(%dma_wait3A_372 : memref<64x1x512xf32, #tpu.memory_space<hbm>>) dst(%arg6 : memref<64x1x512xf32, #tpu.memory_space<vmem>>)
    %add3A_373 = arith.constant 256 : i32
    %add3A_374 = arith.addi %mul3A_2, %add3A_373 : i32
    %dma_start3A_375 = arith.constant 1 : i32
    %dma_start3A_376 = arith.constant 0 : i32
    %dma_start3A_377 = tpu.memref_slice %arg4[%add3A_374, %dma_start3A_375, %dma_start3A_376] : memref<16384x6x512xf32, #tpu.memory_space<hbm>> -> memref<64x1x512xf32, #tpu.memory_space<hbm>>
    %dma_start3A_378 = arith.constant 1 : i32
    %dma_start3A_379 = arith.constant 0 : i32
    %dma_start3A_380 = tpu.memref_slice %arg4[%add3A_374, %dma_start3A_378, %dma_start3A_379] : memref<16384x6x512xf32, #tpu.memory_space<hbm>> -> memref<64x1x512xf32, #tpu.memory_space<hbm>>
    tpu.enqueue_dma source(%arg6 : memref<64x1x512xf32, #tpu.memory_space<vmem>>) target(%dma_start3A_380 : memref<64x1x512xf32, #tpu.memory_space<hbm>>) target_semaphore(%arg10 : memref<!tpu.dma_semaphore, #tpu.memory_space<semaphore_mem>>)
    %dma_wait3A_381 = arith.constant 1 : i32
    %dma_wait3A_382 = arith.constant 0 : i32
    %dma_wait3A_383 = tpu.memref_slice %arg4[%add3A_350, %dma_wait3A_381, %dma_wait3A_382] : memref<16384x6x512xf32, #tpu.memory_space<hbm>> -> memref<64x1x512xf32, #tpu.memory_space<hbm>>
    %dma_wait3A_384 = arith.constant 1 : i32
    %dma_wait3A_385 = arith.constant 0 : i32
    %dma_wait3A_386 = tpu.memref_slice %arg4[%add3A_350, %dma_wait3A_384, %dma_wait3A_385] : memref<16384x6x512xf32, #tpu.memory_space<hbm>> -> memref<64x1x512xf32, #tpu.memory_space<hbm>>
    tpu.wait_dma2 semaphore(%arg11 : memref<!tpu.dma_semaphore, #tpu.memory_space<semaphore_mem>>) src(%arg7 : memref<64x1x512xf32, #tpu.memory_space<vmem>>) dst(%dma_wait3A_386 : memref<64x1x512xf32, #tpu.memory_space<hbm>>)
    %add3A_387 = arith.constant 320 : i32
    %add3A_388 = arith.addi %mul3A_2, %add3A_387 : i32
    %dma_start3A_389 = arith.constant 0 : i32
    %dma_start3A_390 = tpu.memref_slice %arg2[%add3A_388, %reduce_max3A_26, %dma_start3A_389] : memref<16384x6x512xf32, #tpu.memory_space<hbm>> -> memref<64x1x512xf32, #tpu.memory_space<hbm>>
    %dma_start3A_391 = arith.constant 0 : i32
    %dma_start3A_392 = tpu.memref_slice %arg2[%add3A_388, %reduce_max3A_26, %dma_start3A_391] : memref<16384x6x512xf32, #tpu.memory_space<hbm>> -> memref<64x1x512xf32, #tpu.memory_space<hbm>>
    tpu.enqueue_dma source(%dma_start3A_392 : memref<64x1x512xf32, #tpu.memory_space<hbm>>) target(%arg7 : memref<64x1x512xf32, #tpu.memory_space<vmem>>) target_semaphore(%arg9 : memref<!tpu.dma_semaphore, #tpu.memory_space<semaphore_mem>>)
    %dma_wait3A_393 = arith.constant 0 : i32
    %dma_wait3A_394 = tpu.memref_slice %arg2[%add3A_388, %reduce_max3A_26, %dma_wait3A_393] : memref<16384x6x512xf32, #tpu.memory_space<hbm>> -> memref<64x1x512xf32, #tpu.memory_space<hbm>>
    %dma_wait3A_395 = arith.constant 0 : i32
    %dma_wait3A_396 = tpu.memref_slice %arg2[%add3A_388, %reduce_max3A_26, %dma_wait3A_395] : memref<16384x6x512xf32, #tpu.memory_space<hbm>> -> memref<64x1x512xf32, #tpu.memory_space<hbm>>
    tpu.wait_dma2 semaphore(%arg9 : memref<!tpu.dma_semaphore, #tpu.memory_space<semaphore_mem>>) src(%dma_wait3A_396 : memref<64x1x512xf32, #tpu.memory_space<hbm>>) dst(%arg7 : memref<64x1x512xf32, #tpu.memory_space<vmem>>)
    %add3A_397 = arith.constant 320 : i32
    %add3A_398 = arith.addi %mul3A_2, %add3A_397 : i32
    %dma_start3A_399 = arith.constant 1 : i32
    %dma_start3A_400 = arith.constant 0 : i32
    %dma_start3A_401 = tpu.memref_slice %arg4[%add3A_398, %dma_start3A_399, %dma_start3A_400] : memref<16384x6x512xf32, #tpu.memory_space<hbm>> -> memref<64x1x512xf32, #tpu.memory_space<hbm>>
    %dma_start3A_402 = arith.constant 1 : i32
    %dma_start3A_403 = arith.constant 0 : i32
    %dma_start3A_404 = tpu.memref_slice %arg4[%add3A_398, %dma_start3A_402, %dma_start3A_403] : memref<16384x6x512xf32, #tpu.memory_space<hbm>> -> memref<64x1x512xf32, #tpu.memory_space<hbm>>
    tpu.enqueue_dma source(%arg7 : memref<64x1x512xf32, #tpu.memory_space<vmem>>) target(%dma_start3A_404 : memref<64x1x512xf32, #tpu.memory_space<hbm>>) target_semaphore(%arg11 : memref<!tpu.dma_semaphore, #tpu.memory_space<semaphore_mem>>)
    %dma_wait3A_405 = arith.constant 1 : i32
    %dma_wait3A_406 = arith.constant 0 : i32
    %dma_wait3A_407 = tpu.memref_slice %arg4[%add3A_374, %dma_wait3A_405, %dma_wait3A_406] : memref<16384x6x512xf32, #tpu.memory_space<hbm>> -> memref<64x1x512xf32, #tpu.memory_space<hbm>>
    %dma_wait3A_408 = arith.constant 1 : i32
    %dma_wait3A_409 = arith.constant 0 : i32
    %dma_wait3A_410 = tpu.memref_slice %arg4[%add3A_374, %dma_wait3A_408, %dma_wait3A_409] : memref<16384x6x512xf32, #tpu.memory_space<hbm>> -> memref<64x1x512xf32, #tpu.memory_space<hbm>>
    tpu.wait_dma2 semaphore(%arg10 : memref<!tpu.dma_semaphore, #tpu.memory_space<semaphore_mem>>) src(%arg6 : memref<64x1x512xf32, #tpu.memory_space<vmem>>) dst(%dma_wait3A_410 : memref<64x1x512xf32, #tpu.memory_space<hbm>>)
    %add3A_411 = arith.constant 384 : i32
    %add3A_412 = arith.addi %mul3A_2, %add3A_411 : i32
    %dma_start3A_413 = arith.constant 0 : i32
    %dma_start3A_414 = tpu.memref_slice %arg2[%add3A_412, %reduce_max3A_26, %dma_start3A_413] : memref<16384x6x512xf32, #tpu.memory_space<hbm>> -> memref<64x1x512xf32, #tpu.memory_space<hbm>>
    %dma_start3A_415 = arith.constant 0 : i32
    %dma_start3A_416 = tpu.memref_slice %arg2[%add3A_412, %reduce_max3A_26, %dma_start3A_415] : memref<16384x6x512xf32, #tpu.memory_space<hbm>> -> memref<64x1x512xf32, #tpu.memory_space<hbm>>
    tpu.enqueue_dma source(%dma_start3A_416 : memref<64x1x512xf32, #tpu.memory_space<hbm>>) target(%arg6 : memref<64x1x512xf32, #tpu.memory_space<vmem>>) target_semaphore(%arg8 : memref<!tpu.dma_semaphore, #tpu.memory_space<semaphore_mem>>)
    %dma_wait3A_417 = arith.constant 0 : i32
    %dma_wait3A_418 = tpu.memref_slice %arg2[%add3A_412, %reduce_max3A_26, %dma_wait3A_417] : memref<16384x6x512xf32, #tpu.memory_space<hbm>> -> memref<64x1x512xf32, #tpu.memory_space<hbm>>
    %dma_wait3A_419 = arith.constant 0 : i32
    %dma_wait3A_420 = tpu.memref_slice %arg2[%add3A_412, %reduce_max3A_26, %dma_wait3A_419] : memref<16384x6x512xf32, #tpu.memory_space<hbm>> -> memref<64x1x512xf32, #tpu.memory_space<hbm>>
    tpu.wait_dma2 semaphore(%arg8 : memref<!tpu.dma_semaphore, #tpu.memory_space<semaphore_mem>>) src(%dma_wait3A_420 : memref<64x1x512xf32, #tpu.memory_space<hbm>>) dst(%arg6 : memref<64x1x512xf32, #tpu.memory_space<vmem>>)
    %add3A_421 = arith.constant 384 : i32
    %add3A_422 = arith.addi %mul3A_2, %add3A_421 : i32
    %dma_start3A_423 = arith.constant 1 : i32
    %dma_start3A_424 = arith.constant 0 : i32
    %dma_start3A_425 = tpu.memref_slice %arg4[%add3A_422, %dma_start3A_423, %dma_start3A_424] : memref<16384x6x512xf32, #tpu.memory_space<hbm>> -> memref<64x1x512xf32, #tpu.memory_space<hbm>>
    %dma_start3A_426 = arith.constant 1 : i32
    %dma_start3A_427 = arith.constant 0 : i32
    %dma_start3A_428 = tpu.memref_slice %arg4[%add3A_422, %dma_start3A_426, %dma_start3A_427] : memref<16384x6x512xf32, #tpu.memory_space<hbm>> -> memref<64x1x512xf32, #tpu.memory_space<hbm>>
    tpu.enqueue_dma source(%arg6 : memref<64x1x512xf32, #tpu.memory_space<vmem>>) target(%dma_start3A_428 : memref<64x1x512xf32, #tpu.memory_space<hbm>>) target_semaphore(%arg10 : memref<!tpu.dma_semaphore, #tpu.memory_space<semaphore_mem>>)
    %dma_wait3A_429 = arith.constant 1 : i32
    %dma_wait3A_430 = arith.constant 0 : i32
    %dma_wait3A_431 = tpu.memref_slice %arg4[%add3A_398, %dma_wait3A_429, %dma_wait3A_430] : memref<16384x6x512xf32, #tpu.memory_space<hbm>> -> memref<64x1x512xf32, #tpu.memory_space<hbm>>
    %dma_wait3A_432 = arith.constant 1 : i32
    %dma_wait3A_433 = arith.constant 0 : i32
    %dma_wait3A_434 = tpu.memref_slice %arg4[%add3A_398, %dma_wait3A_432, %dma_wait3A_433] : memref<16384x6x512xf32, #tpu.memory_space<hbm>> -> memref<64x1x512xf32, #tpu.memory_space<hbm>>
    tpu.wait_dma2 semaphore(%arg11 : memref<!tpu.dma_semaphore, #tpu.memory_space<semaphore_mem>>) src(%arg7 : memref<64x1x512xf32, #tpu.memory_space<vmem>>) dst(%dma_wait3A_434 : memref<64x1x512xf32, #tpu.memory_space<hbm>>)
    %add3A_435 = arith.constant 448 : i32
    %add3A_436 = arith.addi %mul3A_2, %add3A_435 : i32
    %dma_start3A_437 = arith.constant 0 : i32
    %dma_start3A_438 = tpu.memref_slice %arg2[%add3A_436, %reduce_max3A_26, %dma_start3A_437] : memref<16384x6x512xf32, #tpu.memory_space<hbm>> -> memref<64x1x512xf32, #tpu.memory_space<hbm>>
    %dma_start3A_439 = arith.constant 0 : i32
    %dma_start3A_440 = tpu.memref_slice %arg2[%add3A_436, %reduce_max3A_26, %dma_start3A_439] : memref<16384x6x512xf32, #tpu.memory_space<hbm>> -> memref<64x1x512xf32, #tpu.memory_space<hbm>>
    tpu.enqueue_dma source(%dma_start3A_440 : memref<64x1x512xf32, #tpu.memory_space<hbm>>) target(%arg7 : memref<64x1x512xf32, #tpu.memory_space<vmem>>) target_semaphore(%arg9 : memref<!tpu.dma_semaphore, #tpu.memory_space<semaphore_mem>>)
    %dma_wait3A_441 = arith.constant 0 : i32
    %dma_wait3A_442 = tpu.memref_slice %arg2[%add3A_436, %reduce_max3A_26, %dma_wait3A_441] : memref<16384x6x512xf32, #tpu.memory_space<hbm>> -> memref<64x1x512xf32, #tpu.memory_space<hbm>>
    %dma_wait3A_443 = arith.constant 0 : i32
    %dma_wait3A_444 = tpu.memref_slice %arg2[%add3A_436, %reduce_max3A_26, %dma_wait3A_443] : memref<16384x6x512xf32, #tpu.memory_space<hbm>> -> memref<64x1x512xf32, #tpu.memory_space<hbm>>
    tpu.wait_dma2 semaphore(%arg9 : memref<!tpu.dma_semaphore, #tpu.memory_space<semaphore_mem>>) src(%dma_wait3A_444 : memref<64x1x512xf32, #tpu.memory_space<hbm>>) dst(%arg7 : memref<64x1x512xf32, #tpu.memory_space<vmem>>)
    %add3A_445 = arith.constant 448 : i32
    %add3A_446 = arith.addi %mul3A_2, %add3A_445 : i32
    %dma_start3A_447 = arith.constant 1 : i32
    %dma_start3A_448 = arith.constant 0 : i32
    %dma_start3A_449 = tpu.memref_slice %arg4[%add3A_446, %dma_start3A_447, %dma_start3A_448] : memref<16384x6x512xf32, #tpu.memory_space<hbm>> -> memref<64x1x512xf32, #tpu.memory_space<hbm>>
    %dma_start3A_450 = arith.constant 1 : i32
    %dma_start3A_451 = arith.constant 0 : i32
    %dma_start3A_452 = tpu.memref_slice %arg4[%add3A_446, %dma_start3A_450, %dma_start3A_451] : memref<16384x6x512xf32, #tpu.memory_space<hbm>> -> memref<64x1x512xf32, #tpu.memory_space<hbm>>
    tpu.enqueue_dma source(%arg7 : memref<64x1x512xf32, #tpu.memory_space<vmem>>) target(%dma_start3A_452 : memref<64x1x512xf32, #tpu.memory_space<hbm>>) target_semaphore(%arg11 : memref<!tpu.dma_semaphore, #tpu.memory_space<semaphore_mem>>)
    %dma_wait3A_453 = arith.constant 1 : i32
    %dma_wait3A_454 = arith.constant 0 : i32
    %dma_wait3A_455 = tpu.memref_slice %arg4[%add3A_422, %dma_wait3A_453, %dma_wait3A_454] : memref<16384x6x512xf32, #tpu.memory_space<hbm>> -> memref<64x1x512xf32, #tpu.memory_space<hbm>>
    %dma_wait3A_456 = arith.constant 1 : i32
    %dma_wait3A_457 = arith.constant 0 : i32
    %dma_wait3A_458 = tpu.memref_slice %arg4[%add3A_422, %dma_wait3A_456, %dma_wait3A_457] : memref<16384x6x512xf32, #tpu.memory_space<hbm>> -> memref<64x1x512xf32, #tpu.memory_space<hbm>>
    tpu.wait_dma2 semaphore(%arg10 : memref<!tpu.dma_semaphore, #tpu.memory_space<semaphore_mem>>) src(%arg6 : memref<64x1x512xf32, #tpu.memory_space<vmem>>) dst(%dma_wait3A_458 : memref<64x1x512xf32, #tpu.memory_space<hbm>>)
    %add3A_459 = arith.constant 0 : i32
    %add3A_460 = arith.addi %mul3A_2, %add3A_459 : i32
    %dma_start3A_461 = arith.constant 0 : i32
    %dma_start3A_462 = tpu.memref_slice %arg2[%add3A_460, %reduce_max3A_40, %dma_start3A_461] : memref<16384x6x512xf32, #tpu.memory_space<hbm>> -> memref<64x1x512xf32, #tpu.memory_space<hbm>>
    %dma_start3A_463 = arith.constant 0 : i32
    %dma_start3A_464 = tpu.memref_slice %arg2[%add3A_460, %reduce_max3A_40, %dma_start3A_463] : memref<16384x6x512xf32, #tpu.memory_space<hbm>> -> memref<64x1x512xf32, #tpu.memory_space<hbm>>
    tpu.enqueue_dma source(%dma_start3A_464 : memref<64x1x512xf32, #tpu.memory_space<hbm>>) target(%arg6 : memref<64x1x512xf32, #tpu.memory_space<vmem>>) target_semaphore(%arg8 : memref<!tpu.dma_semaphore, #tpu.memory_space<semaphore_mem>>)
    %dma_wait3A_465 = arith.constant 0 : i32
    %dma_wait3A_466 = tpu.memref_slice %arg2[%add3A_460, %reduce_max3A_40, %dma_wait3A_465] : memref<16384x6x512xf32, #tpu.memory_space<hbm>> -> memref<64x1x512xf32, #tpu.memory_space<hbm>>
    %dma_wait3A_467 = arith.constant 0 : i32
    %dma_wait3A_468 = tpu.memref_slice %arg2[%add3A_460, %reduce_max3A_40, %dma_wait3A_467] : memref<16384x6x512xf32, #tpu.memory_space<hbm>> -> memref<64x1x512xf32, #tpu.memory_space<hbm>>
    tpu.wait_dma2 semaphore(%arg8 : memref<!tpu.dma_semaphore, #tpu.memory_space<semaphore_mem>>) src(%dma_wait3A_468 : memref<64x1x512xf32, #tpu.memory_space<hbm>>) dst(%arg6 : memref<64x1x512xf32, #tpu.memory_space<vmem>>)
    %add3A_469 = arith.constant 0 : i32
    %add3A_470 = arith.addi %mul3A_2, %add3A_469 : i32
    %dma_start3A_471 = arith.constant 2 : i32
    %dma_start3A_472 = arith.constant 0 : i32
    %dma_start3A_473 = tpu.memref_slice %arg4[%add3A_470, %dma_start3A_471, %dma_start3A_472] : memref<16384x6x512xf32, #tpu.memory_space<hbm>> -> memref<64x1x512xf32, #tpu.memory_space<hbm>>
    %dma_start3A_474 = arith.constant 2 : i32
    %dma_start3A_475 = arith.constant 0 : i32
    %dma_start3A_476 = tpu.memref_slice %arg4[%add3A_470, %dma_start3A_474, %dma_start3A_475] : memref<16384x6x512xf32, #tpu.memory_space<hbm>> -> memref<64x1x512xf32, #tpu.memory_space<hbm>>
    tpu.enqueue_dma source(%arg6 : memref<64x1x512xf32, #tpu.memory_space<vmem>>) target(%dma_start3A_476 : memref<64x1x512xf32, #tpu.memory_space<hbm>>) target_semaphore(%arg10 : memref<!tpu.dma_semaphore, #tpu.memory_space<semaphore_mem>>)
    %dma_wait3A_477 = arith.constant 1 : i32
    %dma_wait3A_478 = arith.constant 0 : i32
    %dma_wait3A_479 = tpu.memref_slice %arg4[%add3A_446, %dma_wait3A_477, %dma_wait3A_478] : memref<16384x6x512xf32, #tpu.memory_space<hbm>> -> memref<64x1x512xf32, #tpu.memory_space<hbm>>
    %dma_wait3A_480 = arith.constant 1 : i32
    %dma_wait3A_481 = arith.constant 0 : i32
    %dma_wait3A_482 = tpu.memref_slice %arg4[%add3A_446, %dma_wait3A_480, %dma_wait3A_481] : memref<16384x6x512xf32, #tpu.memory_space<hbm>> -> memref<64x1x512xf32, #tpu.memory_space<hbm>>
    tpu.wait_dma2 semaphore(%arg11 : memref<!tpu.dma_semaphore, #tpu.memory_space<semaphore_mem>>) src(%arg7 : memref<64x1x512xf32, #tpu.memory_space<vmem>>) dst(%dma_wait3A_482 : memref<64x1x512xf32, #tpu.memory_space<hbm>>)
    %add3A_483 = arith.constant 64 : i32
    %add3A_484 = arith.addi %mul3A_2, %add3A_483 : i32
    %dma_start3A_485 = arith.constant 0 : i32
    %dma_start3A_486 = tpu.memref_slice %arg2[%add3A_484, %reduce_max3A_40, %dma_start3A_485] : memref<16384x6x512xf32, #tpu.memory_space<hbm>> -> memref<64x1x512xf32, #tpu.memory_space<hbm>>
    %dma_start3A_487 = arith.constant 0 : i32
    %dma_start3A_488 = tpu.memref_slice %arg2[%add3A_484, %reduce_max3A_40, %dma_start3A_487] : memref<16384x6x512xf32, #tpu.memory_space<hbm>> -> memref<64x1x512xf32, #tpu.memory_space<hbm>>
    tpu.enqueue_dma source(%dma_start3A_488 : memref<64x1x512xf32, #tpu.memory_space<hbm>>) target(%arg7 : memref<64x1x512xf32, #tpu.memory_space<vmem>>) target_semaphore(%arg9 : memref<!tpu.dma_semaphore, #tpu.memory_space<semaphore_mem>>)
    %dma_wait3A_489 = arith.constant 0 : i32
    %dma_wait3A_490 = tpu.memref_slice %arg2[%add3A_484, %reduce_max3A_40, %dma_wait3A_489] : memref<16384x6x512xf32, #tpu.memory_space<hbm>> -> memref<64x1x512xf32, #tpu.memory_space<hbm>>
    %dma_wait3A_491 = arith.constant 0 : i32
    %dma_wait3A_492 = tpu.memref_slice %arg2[%add3A_484, %reduce_max3A_40, %dma_wait3A_491] : memref<16384x6x512xf32, #tpu.memory_space<hbm>> -> memref<64x1x512xf32, #tpu.memory_space<hbm>>
    tpu.wait_dma2 semaphore(%arg9 : memref<!tpu.dma_semaphore, #tpu.memory_space<semaphore_mem>>) src(%dma_wait3A_492 : memref<64x1x512xf32, #tpu.memory_space<hbm>>) dst(%arg7 : memref<64x1x512xf32, #tpu.memory_space<vmem>>)
    %add3A_493 = arith.constant 64 : i32
    %add3A_494 = arith.addi %mul3A_2, %add3A_493 : i32
    %dma_start3A_495 = arith.constant 2 : i32
    %dma_start3A_496 = arith.constant 0 : i32
    %dma_start3A_497 = tpu.memref_slice %arg4[%add3A_494, %dma_start3A_495, %dma_start3A_496] : memref<16384x6x512xf32, #tpu.memory_space<hbm>> -> memref<64x1x512xf32, #tpu.memory_space<hbm>>
    %dma_start3A_498 = arith.constant 2 : i32
    %dma_start3A_499 = arith.constant 0 : i32
    %dma_start3A_500 = tpu.memref_slice %arg4[%add3A_494, %dma_start3A_498, %dma_start3A_499] : memref<16384x6x512xf32, #tpu.memory_space<hbm>> -> memref<64x1x512xf32, #tpu.memory_space<hbm>>
    tpu.enqueue_dma source(%arg7 : memref<64x1x512xf32, #tpu.memory_space<vmem>>) target(%dma_start3A_500 : memref<64x1x512xf32, #tpu.memory_space<hbm>>) target_semaphore(%arg11 : memref<!tpu.dma_semaphore, #tpu.memory_space<semaphore_mem>>)
    %dma_wait3A_501 = arith.constant 2 : i32
    %dma_wait3A_502 = arith.constant 0 : i32
    %dma_wait3A_503 = tpu.memref_slice %arg4[%add3A_470, %dma_wait3A_501, %dma_wait3A_502] : memref<16384x6x512xf32, #tpu.memory_space<hbm>> -> memref<64x1x512xf32, #tpu.memory_space<hbm>>
    %dma_wait3A_504 = arith.constant 2 : i32
    %dma_wait3A_505 = arith.constant 0 : i32
    %dma_wait3A_506 = tpu.memref_slice %arg4[%add3A_470, %dma_wait3A_504, %dma_wait3A_505] : memref<16384x6x512xf32, #tpu.memory_space<hbm>> -> memref<64x1x512xf32, #tpu.memory_space<hbm>>
    tpu.wait_dma2 semaphore(%arg10 : memref<!tpu.dma_semaphore, #tpu.memory_space<semaphore_mem>>) src(%arg6 : memref<64x1x512xf32, #tpu.memory_space<vmem>>) dst(%dma_wait3A_506 : memref<64x1x512xf32, #tpu.memory_space<hbm>>)
    %add3A_507 = arith.constant 128 : i32
    %add3A_508 = arith.addi %mul3A_2, %add3A_507 : i32
    %dma_start3A_509 = arith.constant 0 : i32
    %dma_start3A_510 = tpu.memref_slice %arg2[%add3A_508, %reduce_max3A_40, %dma_start3A_509] : memref<16384x6x512xf32, #tpu.memory_space<hbm>> -> memref<64x1x512xf32, #tpu.memory_space<hbm>>
    %dma_start3A_511 = arith.constant 0 : i32
    %dma_start3A_512 = tpu.memref_slice %arg2[%add3A_508, %reduce_max3A_40, %dma_start3A_511] : memref<16384x6x512xf32, #tpu.memory_space<hbm>> -> memref<64x1x512xf32, #tpu.memory_space<hbm>>
    tpu.enqueue_dma source(%dma_start3A_512 : memref<64x1x512xf32, #tpu.memory_space<hbm>>) target(%arg6 : memref<64x1x512xf32, #tpu.memory_space<vmem>>) target_semaphore(%arg8 : memref<!tpu.dma_semaphore, #tpu.memory_space<semaphore_mem>>)
    %dma_wait3A_513 = arith.constant 0 : i32
    %dma_wait3A_514 = tpu.memref_slice %arg2[%add3A_508, %reduce_max3A_40, %dma_wait3A_513] : memref<16384x6x512xf32, #tpu.memory_space<hbm>> -> memref<64x1x512xf32, #tpu.memory_space<hbm>>
    %dma_wait3A_515 = arith.constant 0 : i32
    %dma_wait3A_516 = tpu.memref_slice %arg2[%add3A_508, %reduce_max3A_40, %dma_wait3A_515] : memref<16384x6x512xf32, #tpu.memory_space<hbm>> -> memref<64x1x512xf32, #tpu.memory_space<hbm>>
    tpu.wait_dma2 semaphore(%arg8 : memref<!tpu.dma_semaphore, #tpu.memory_space<semaphore_mem>>) src(%dma_wait3A_516 : memref<64x1x512xf32, #tpu.memory_space<hbm>>) dst(%arg6 : memref<64x1x512xf32, #tpu.memory_space<vmem>>)
    %add3A_517 = arith.constant 128 : i32
    %add3A_518 = arith.addi %mul3A_2, %add3A_517 : i32
    %dma_start3A_519 = arith.constant 2 : i32
    %dma_start3A_520 = arith.constant 0 : i32
    %dma_start3A_521 = tpu.memref_slice %arg4[%add3A_518, %dma_start3A_519, %dma_start3A_520] : memref<16384x6x512xf32, #tpu.memory_space<hbm>> -> memref<64x1x512xf32, #tpu.memory_space<hbm>>
    %dma_start3A_522 = arith.constant 2 : i32
    %dma_start3A_523 = arith.constant 0 : i32
    %dma_start3A_524 = tpu.memref_slice %arg4[%add3A_518, %dma_start3A_522, %dma_start3A_523] : memref<16384x6x512xf32, #tpu.memory_space<hbm>> -> memref<64x1x512xf32, #tpu.memory_space<hbm>>
    tpu.enqueue_dma source(%arg6 : memref<64x1x512xf32, #tpu.memory_space<vmem>>) target(%dma_start3A_524 : memref<64x1x512xf32, #tpu.memory_space<hbm>>) target_semaphore(%arg10 : memref<!tpu.dma_semaphore, #tpu.memory_space<semaphore_mem>>)
    %dma_wait3A_525 = arith.constant 2 : i32
    %dma_wait3A_526 = arith.constant 0 : i32
    %dma_wait3A_527 = tpu.memref_slice %arg4[%add3A_494, %dma_wait3A_525, %dma_wait3A_526] : memref<16384x6x512xf32, #tpu.memory_space<hbm>> -> memref<64x1x512xf32, #tpu.memory_space<hbm>>
    %dma_wait3A_528 = arith.constant 2 : i32
    %dma_wait3A_529 = arith.constant 0 : i32
    %dma_wait3A_530 = tpu.memref_slice %arg4[%add3A_494, %dma_wait3A_528, %dma_wait3A_529] : memref<16384x6x512xf32, #tpu.memory_space<hbm>> -> memref<64x1x512xf32, #tpu.memory_space<hbm>>
    tpu.wait_dma2 semaphore(%arg11 : memref<!tpu.dma_semaphore, #tpu.memory_space<semaphore_mem>>) src(%arg7 : memref<64x1x512xf32, #tpu.memory_space<vmem>>) dst(%dma_wait3A_530 : memref<64x1x512xf32, #tpu.memory_space<hbm>>)
    %add3A_531 = arith.constant 192 : i32
    %add3A_532 = arith.addi %mul3A_2, %add3A_531 : i32
    %dma_start3A_533 = arith.constant 0 : i32
    %dma_start3A_534 = tpu.memref_slice %arg2[%add3A_532, %reduce_max3A_40, %dma_start3A_533] : memref<16384x6x512xf32, #tpu.memory_space<hbm>> -> memref<64x1x512xf32, #tpu.memory_space<hbm>>
    %dma_start3A_535 = arith.constant 0 : i32
    %dma_start3A_536 = tpu.memref_slice %arg2[%add3A_532, %reduce_max3A_40, %dma_start3A_535] : memref<16384x6x512xf32, #tpu.memory_space<hbm>> -> memref<64x1x512xf32, #tpu.memory_space<hbm>>
    tpu.enqueue_dma source(%dma_start3A_536 : memref<64x1x512xf32, #tpu.memory_space<hbm>>) target(%arg7 : memref<64x1x512xf32, #tpu.memory_space<vmem>>) target_semaphore(%arg9 : memref<!tpu.dma_semaphore, #tpu.memory_space<semaphore_mem>>)
    %dma_wait3A_537 = arith.constant 0 : i32
    %dma_wait3A_538 = tpu.memref_slice %arg2[%add3A_532, %reduce_max3A_40, %dma_wait3A_537] : memref<16384x6x512xf32, #tpu.memory_space<hbm>> -> memref<64x1x512xf32, #tpu.memory_space<hbm>>
    %dma_wait3A_539 = arith.constant 0 : i32
    %dma_wait3A_540 = tpu.memref_slice %arg2[%add3A_532, %reduce_max3A_40, %dma_wait3A_539] : memref<16384x6x512xf32, #tpu.memory_space<hbm>> -> memref<64x1x512xf32, #tpu.memory_space<hbm>>
    tpu.wait_dma2 semaphore(%arg9 : memref<!tpu.dma_semaphore, #tpu.memory_space<semaphore_mem>>) src(%dma_wait3A_540 : memref<64x1x512xf32, #tpu.memory_space<hbm>>) dst(%arg7 : memref<64x1x512xf32, #tpu.memory_space<vmem>>)
    %add3A_541 = arith.constant 192 : i32
    %add3A_542 = arith.addi %mul3A_2, %add3A_541 : i32
    %dma_start3A_543 = arith.constant 2 : i32
    %dma_start3A_544 = arith.constant 0 : i32
    %dma_start3A_545 = tpu.memref_slice %arg4[%add3A_542, %dma_start3A_543, %dma_start3A_544] : memref<16384x6x512xf32, #tpu.memory_space<hbm>> -> memref<64x1x512xf32, #tpu.memory_space<hbm>>
    %dma_start3A_546 = arith.constant 2 : i32
    %dma_start3A_547 = arith.constant 0 : i32
    %dma_start3A_548 = tpu.memref_slice %arg4[%add3A_542, %dma_start3A_546, %dma_start3A_547] : memref<16384x6x512xf32, #tpu.memory_space<hbm>> -> memref<64x1x512xf32, #tpu.memory_space<hbm>>
    tpu.enqueue_dma source(%arg7 : memref<64x1x512xf32, #tpu.memory_space<vmem>>) target(%dma_start3A_548 : memref<64x1x512xf32, #tpu.memory_space<hbm>>) target_semaphore(%arg11 : memref<!tpu.dma_semaphore, #tpu.memory_space<semaphore_mem>>)
    %dma_wait3A_549 = arith.constant 2 : i32
    %dma_wait3A_550 = arith.constant 0 : i32
    %dma_wait3A_551 = tpu.memref_slice %arg4[%add3A_518, %dma_wait3A_549, %dma_wait3A_550] : memref<16384x6x512xf32, #tpu.memory_space<hbm>> -> memref<64x1x512xf32, #tpu.memory_space<hbm>>
    %dma_wait3A_552 = arith.constant 2 : i32
    %dma_wait3A_553 = arith.constant 0 : i32
    %dma_wait3A_554 = tpu.memref_slice %arg4[%add3A_518, %dma_wait3A_552, %dma_wait3A_553] : memref<16384x6x512xf32, #tpu.memory_space<hbm>> -> memref<64x1x512xf32, #tpu.memory_space<hbm>>
    tpu.wait_dma2 semaphore(%arg10 : memref<!tpu.dma_semaphore, #tpu.memory_space<semaphore_mem>>) src(%arg6 : memref<64x1x512xf32, #tpu.memory_space<vmem>>) dst(%dma_wait3A_554 : memref<64x1x512xf32, #tpu.memory_space<hbm>>)
    %add3A_555 = arith.constant 256 : i32
    %add3A_556 = arith.addi %mul3A_2, %add3A_555 : i32
    %dma_start3A_557 = arith.constant 0 : i32
    %dma_start3A_558 = tpu.memref_slice %arg2[%add3A_556, %reduce_max3A_40, %dma_start3A_557] : memref<16384x6x512xf32, #tpu.memory_space<hbm>> -> memref<64x1x512xf32, #tpu.memory_space<hbm>>
    %dma_start3A_559 = arith.constant 0 : i32
    %dma_start3A_560 = tpu.memref_slice %arg2[%add3A_556, %reduce_max3A_40, %dma_start3A_559] : memref<16384x6x512xf32, #tpu.memory_space<hbm>> -> memref<64x1x512xf32, #tpu.memory_space<hbm>>
    tpu.enqueue_dma source(%dma_start3A_560 : memref<64x1x512xf32, #tpu.memory_space<hbm>>) target(%arg6 : memref<64x1x512xf32, #tpu.memory_space<vmem>>) target_semaphore(%arg8 : memref<!tpu.dma_semaphore, #tpu.memory_space<semaphore_mem>>)
    %dma_wait3A_561 = arith.constant 0 : i32
    %dma_wait3A_562 = tpu.memref_slice %arg2[%add3A_556, %reduce_max3A_40, %dma_wait3A_561] : memref<16384x6x512xf32, #tpu.memory_space<hbm>> -> memref<64x1x512xf32, #tpu.memory_space<hbm>>
    %dma_wait3A_563 = arith.constant 0 : i32
    %dma_wait3A_564 = tpu.memref_slice %arg2[%add3A_556, %reduce_max3A_40, %dma_wait3A_563] : memref<16384x6x512xf32, #tpu.memory_space<hbm>> -> memref<64x1x512xf32, #tpu.memory_space<hbm>>
    tpu.wait_dma2 semaphore(%arg8 : memref<!tpu.dma_semaphore, #tpu.memory_space<semaphore_mem>>) src(%dma_wait3A_564 : memref<64x1x512xf32, #tpu.memory_space<hbm>>) dst(%arg6 : memref<64x1x512xf32, #tpu.memory_space<vmem>>)
    %add3A_565 = arith.constant 256 : i32
    %add3A_566 = arith.addi %mul3A_2, %add3A_565 : i32
    %dma_start3A_567 = arith.constant 2 : i32
    %dma_start3A_568 = arith.constant 0 : i32
    %dma_start3A_569 = tpu.memref_slice %arg4[%add3A_566, %dma_start3A_567, %dma_start3A_568] : memref<16384x6x512xf32, #tpu.memory_space<hbm>> -> memref<64x1x512xf32, #tpu.memory_space<hbm>>
    %dma_start3A_570 = arith.constant 2 : i32
    %dma_start3A_571 = arith.constant 0 : i32
    %dma_start3A_572 = tpu.memref_slice %arg4[%add3A_566, %dma_start3A_570, %dma_start3A_571] : memref<16384x6x512xf32, #tpu.memory_space<hbm>> -> memref<64x1x512xf32, #tpu.memory_space<hbm>>
    tpu.enqueue_dma source(%arg6 : memref<64x1x512xf32, #tpu.memory_space<vmem>>) target(%dma_start3A_572 : memref<64x1x512xf32, #tpu.memory_space<hbm>>) target_semaphore(%arg10 : memref<!tpu.dma_semaphore, #tpu.memory_space<semaphore_mem>>)
    %dma_wait3A_573 = arith.constant 2 : i32
    %dma_wait3A_574 = arith.constant 0 : i32
    %dma_wait3A_575 = tpu.memref_slice %arg4[%add3A_542, %dma_wait3A_573, %dma_wait3A_574] : memref<16384x6x512xf32, #tpu.memory_space<hbm>> -> memref<64x1x512xf32, #tpu.memory_space<hbm>>
    %dma_wait3A_576 = arith.constant 2 : i32
    %dma_wait3A_577 = arith.constant 0 : i32
    %dma_wait3A_578 = tpu.memref_slice %arg4[%add3A_542, %dma_wait3A_576, %dma_wait3A_577] : memref<16384x6x512xf32, #tpu.memory_space<hbm>> -> memref<64x1x512xf32, #tpu.memory_space<hbm>>
    tpu.wait_dma2 semaphore(%arg11 : memref<!tpu.dma_semaphore, #tpu.memory_space<semaphore_mem>>) src(%arg7 : memref<64x1x512xf32, #tpu.memory_space<vmem>>) dst(%dma_wait3A_578 : memref<64x1x512xf32, #tpu.memory_space<hbm>>)
    %add3A_579 = arith.constant 320 : i32
    %add3A_580 = arith.addi %mul3A_2, %add3A_579 : i32
    %dma_start3A_581 = arith.constant 0 : i32
    %dma_start3A_582 = tpu.memref_slice %arg2[%add3A_580, %reduce_max3A_40, %dma_start3A_581] : memref<16384x6x512xf32, #tpu.memory_space<hbm>> -> memref<64x1x512xf32, #tpu.memory_space<hbm>>
    %dma_start3A_583 = arith.constant 0 : i32
    %dma_start3A_584 = tpu.memref_slice %arg2[%add3A_580, %reduce_max3A_40, %dma_start3A_583] : memref<16384x6x512xf32, #tpu.memory_space<hbm>> -> memref<64x1x512xf32, #tpu.memory_space<hbm>>
    tpu.enqueue_dma source(%dma_start3A_584 : memref<64x1x512xf32, #tpu.memory_space<hbm>>) target(%arg7 : memref<64x1x512xf32, #tpu.memory_space<vmem>>) target_semaphore(%arg9 : memref<!tpu.dma_semaphore, #tpu.memory_space<semaphore_mem>>)
    %dma_wait3A_585 = arith.constant 0 : i32
    %dma_wait3A_586 = tpu.memref_slice %arg2[%add3A_580, %reduce_max3A_40, %dma_wait3A_585] : memref<16384x6x512xf32, #tpu.memory_space<hbm>> -> memref<64x1x512xf32, #tpu.memory_space<hbm>>
    %dma_wait3A_587 = arith.constant 0 : i32
    %dma_wait3A_588 = tpu.memref_slice %arg2[%add3A_580, %reduce_max3A_40, %dma_wait3A_587] : memref<16384x6x512xf32, #tpu.memory_space<hbm>> -> memref<64x1x512xf32, #tpu.memory_space<hbm>>
    tpu.wait_dma2 semaphore(%arg9 : memref<!tpu.dma_semaphore, #tpu.memory_space<semaphore_mem>>) src(%dma_wait3A_588 : memref<64x1x512xf32, #tpu.memory_space<hbm>>) dst(%arg7 : memref<64x1x512xf32, #tpu.memory_space<vmem>>)
    %add3A_589 = arith.constant 320 : i32
    %add3A_590 = arith.addi %mul3A_2, %add3A_589 : i32
    %dma_start3A_591 = arith.constant 2 : i32
    %dma_start3A_592 = arith.constant 0 : i32
    %dma_start3A_593 = tpu.memref_slice %arg4[%add3A_590, %dma_start3A_591, %dma_start3A_592] : memref<16384x6x512xf32, #tpu.memory_space<hbm>> -> memref<64x1x512xf32, #tpu.memory_space<hbm>>
    %dma_start3A_594 = arith.constant 2 : i32
    %dma_start3A_595 = arith.constant 0 : i32
    %dma_start3A_596 = tpu.memref_slice %arg4[%add3A_590, %dma_start3A_594, %dma_start3A_595] : memref<16384x6x512xf32, #tpu.memory_space<hbm>> -> memref<64x1x512xf32, #tpu.memory_space<hbm>>
    tpu.enqueue_dma source(%arg7 : memref<64x1x512xf32, #tpu.memory_space<vmem>>) target(%dma_start3A_596 : memref<64x1x512xf32, #tpu.memory_space<hbm>>) target_semaphore(%arg11 : memref<!tpu.dma_semaphore, #tpu.memory_space<semaphore_mem>>)
    %dma_wait3A_597 = arith.constant 2 : i32
    %dma_wait3A_598 = arith.constant 0 : i32
    %dma_wait3A_599 = tpu.memref_slice %arg4[%add3A_566, %dma_wait3A_597, %dma_wait3A_598] : memref<16384x6x512xf32, #tpu.memory_space<hbm>> -> memref<64x1x512xf32, #tpu.memory_space<hbm>>
    %dma_wait3A_600 = arith.constant 2 : i32
    %dma_wait3A_601 = arith.constant 0 : i32
    %dma_wait3A_602 = tpu.memref_slice %arg4[%add3A_566, %dma_wait3A_600, %dma_wait3A_601] : memref<16384x6x512xf32, #tpu.memory_space<hbm>> -> memref<64x1x512xf32, #tpu.memory_space<hbm>>
    tpu.wait_dma2 semaphore(%arg10 : memref<!tpu.dma_semaphore, #tpu.memory_space<semaphore_mem>>) src(%arg6 : memref<64x1x512xf32, #tpu.memory_space<vmem>>) dst(%dma_wait3A_602 : memref<64x1x512xf32, #tpu.memory_space<hbm>>)
    %add3A_603 = arith.constant 384 : i32
    %add3A_604 = arith.addi %mul3A_2, %add3A_603 : i32
    %dma_start3A_605 = arith.constant 0 : i32
    %dma_start3A_606 = tpu.memref_slice %arg2[%add3A_604, %reduce_max3A_40, %dma_start3A_605] : memref<16384x6x512xf32, #tpu.memory_space<hbm>> -> memref<64x1x512xf32, #tpu.memory_space<hbm>>
    %dma_start3A_607 = arith.constant 0 : i32
    %dma_start3A_608 = tpu.memref_slice %arg2[%add3A_604, %reduce_max3A_40, %dma_start3A_607] : memref<16384x6x512xf32, #tpu.memory_space<hbm>> -> memref<64x1x512xf32, #tpu.memory_space<hbm>>
    tpu.enqueue_dma source(%dma_start3A_608 : memref<64x1x512xf32, #tpu.memory_space<hbm>>) target(%arg6 : memref<64x1x512xf32, #tpu.memory_space<vmem>>) target_semaphore(%arg8 : memref<!tpu.dma_semaphore, #tpu.memory_space<semaphore_mem>>)
    %dma_wait3A_609 = arith.constant 0 : i32
    %dma_wait3A_610 = tpu.memref_slice %arg2[%add3A_604, %reduce_max3A_40, %dma_wait3A_609] : memref<16384x6x512xf32, #tpu.memory_space<hbm>> -> memref<64x1x512xf32, #tpu.memory_space<hbm>>
    %dma_wait3A_611 = arith.constant 0 : i32
    %dma_wait3A_612 = tpu.memref_slice %arg2[%add3A_604, %reduce_max3A_40, %dma_wait3A_611] : memref<16384x6x512xf32, #tpu.memory_space<hbm>> -> memref<64x1x512xf32, #tpu.memory_space<hbm>>
    tpu.wait_dma2 semaphore(%arg8 : memref<!tpu.dma_semaphore, #tpu.memory_space<semaphore_mem>>) src(%dma_wait3A_612 : memref<64x1x512xf32, #tpu.memory_space<hbm>>) dst(%arg6 : memref<64x1x512xf32, #tpu.memory_space<vmem>>)
    %add3A_613 = arith.constant 384 : i32
    %add3A_614 = arith.addi %mul3A_2, %add3A_613 : i32
    %dma_start3A_615 = arith.constant 2 : i32
    %dma_start3A_616 = arith.constant 0 : i32
    %dma_start3A_617 = tpu.memref_slice %arg4[%add3A_614, %dma_start3A_615, %dma_start3A_616] : memref<16384x6x512xf32, #tpu.memory_space<hbm>> -> memref<64x1x512xf32, #tpu.memory_space<hbm>>
    %dma_start3A_618 = arith.constant 2 : i32
    %dma_start3A_619 = arith.constant 0 : i32
    %dma_start3A_620 = tpu.memref_slice %arg4[%add3A_614, %dma_start3A_618, %dma_start3A_619] : memref<16384x6x512xf32, #tpu.memory_space<hbm>> -> memref<64x1x512xf32, #tpu.memory_space<hbm>>
    tpu.enqueue_dma source(%arg6 : memref<64x1x512xf32, #tpu.memory_space<vmem>>) target(%dma_start3A_620 : memref<64x1x512xf32, #tpu.memory_space<hbm>>) target_semaphore(%arg10 : memref<!tpu.dma_semaphore, #tpu.memory_space<semaphore_mem>>)
    %dma_wait3A_621 = arith.constant 2 : i32
    %dma_wait3A_622 = arith.constant 0 : i32
    %dma_wait3A_623 = tpu.memref_slice %arg4[%add3A_590, %dma_wait3A_621, %dma_wait3A_622] : memref<16384x6x512xf32, #tpu.memory_space<hbm>> -> memref<64x1x512xf32, #tpu.memory_space<hbm>>
    %dma_wait3A_624 = arith.constant 2 : i32
    %dma_wait3A_625 = arith.constant 0 : i32
    %dma_wait3A_626 = tpu.memref_slice %arg4[%add3A_590, %dma_wait3A_624, %dma_wait3A_625] : memref<16384x6x512xf32, #tpu.memory_space<hbm>> -> memref<64x1x512xf32, #tpu.memory_space<hbm>>
    tpu.wait_dma2 semaphore(%arg11 : memref<!tpu.dma_semaphore, #tpu.memory_space<semaphore_mem>>) src(%arg7 : memref<64x1x512xf32, #tpu.memory_space<vmem>>) dst(%dma_wait3A_626 : memref<64x1x512xf32, #tpu.memory_space<hbm>>)
    %add3A_627 = arith.constant 448 : i32
    %add3A_628 = arith.addi %mul3A_2, %add3A_627 : i32
    %dma_start3A_629 = arith.constant 0 : i32
    %dma_start3A_630 = tpu.memref_slice %arg2[%add3A_628, %reduce_max3A_40, %dma_start3A_629] : memref<16384x6x512xf32, #tpu.memory_space<hbm>> -> memref<64x1x512xf32, #tpu.memory_space<hbm>>
    %dma_start3A_631 = arith.constant 0 : i32
    %dma_start3A_632 = tpu.memref_slice %arg2[%add3A_628, %reduce_max3A_40, %dma_start3A_631] : memref<16384x6x512xf32, #tpu.memory_space<hbm>> -> memref<64x1x512xf32, #tpu.memory_space<hbm>>
    tpu.enqueue_dma source(%dma_start3A_632 : memref<64x1x512xf32, #tpu.memory_space<hbm>>) target(%arg7 : memref<64x1x512xf32, #tpu.memory_space<vmem>>) target_semaphore(%arg9 : memref<!tpu.dma_semaphore, #tpu.memory_space<semaphore_mem>>)
    %dma_wait3A_633 = arith.constant 0 : i32
    %dma_wait3A_634 = tpu.memref_slice %arg2[%add3A_628, %reduce_max3A_40, %dma_wait3A_633] : memref<16384x6x512xf32, #tpu.memory_space<hbm>> -> memref<64x1x512xf32, #tpu.memory_space<hbm>>
    %dma_wait3A_635 = arith.constant 0 : i32
    %dma_wait3A_636 = tpu.memref_slice %arg2[%add3A_628, %reduce_max3A_40, %dma_wait3A_635] : memref<16384x6x512xf32, #tpu.memory_space<hbm>> -> memref<64x1x512xf32, #tpu.memory_space<hbm>>
    tpu.wait_dma2 semaphore(%arg9 : memref<!tpu.dma_semaphore, #tpu.memory_space<semaphore_mem>>) src(%dma_wait3A_636 : memref<64x1x512xf32, #tpu.memory_space<hbm>>) dst(%arg7 : memref<64x1x512xf32, #tpu.memory_space<vmem>>)
    %add3A_637 = arith.constant 448 : i32
    %add3A_638 = arith.addi %mul3A_2, %add3A_637 : i32
    %dma_start3A_639 = arith.constant 2 : i32
    %dma_start3A_640 = arith.constant 0 : i32
    %dma_start3A_641 = tpu.memref_slice %arg4[%add3A_638, %dma_start3A_639, %dma_start3A_640] : memref<16384x6x512xf32, #tpu.memory_space<hbm>> -> memref<64x1x512xf32, #tpu.memory_space<hbm>>
    %dma_start3A_642 = arith.constant 2 : i32
    %dma_start3A_643 = arith.constant 0 : i32
    %dma_start3A_644 = tpu.memref_slice %arg4[%add3A_638, %dma_start3A_642, %dma_start3A_643] : memref<16384x6x512xf32, #tpu.memory_space<hbm>> -> memref<64x1x512xf32, #tpu.memory_space<hbm>>
    tpu.enqueue_dma source(%arg7 : memref<64x1x512xf32, #tpu.memory_space<vmem>>) target(%dma_start3A_644 : memref<64x1x512xf32, #tpu.memory_space<hbm>>) target_semaphore(%arg11 : memref<!tpu.dma_semaphore, #tpu.memory_space<semaphore_mem>>)
    %dma_wait3A_645 = arith.constant 2 : i32
    %dma_wait3A_646 = arith.constant 0 : i32
    %dma_wait3A_647 = tpu.memref_slice %arg4[%add3A_614, %dma_wait3A_645, %dma_wait3A_646] : memref<16384x6x512xf32, #tpu.memory_space<hbm>> -> memref<64x1x512xf32, #tpu.memory_space<hbm>>
    %dma_wait3A_648 = arith.constant 2 : i32
    %dma_wait3A_649 = arith.constant 0 : i32
    %dma_wait3A_650 = tpu.memref_slice %arg4[%add3A_614, %dma_wait3A_648, %dma_wait3A_649] : memref<16384x6x512xf32, #tpu.memory_space<hbm>> -> memref<64x1x512xf32, #tpu.memory_space<hbm>>
    tpu.wait_dma2 semaphore(%arg10 : memref<!tpu.dma_semaphore, #tpu.memory_space<semaphore_mem>>) src(%arg6 : memref<64x1x512xf32, #tpu.memory_space<vmem>>) dst(%dma_wait3A_650 : memref<64x1x512xf32, #tpu.memory_space<hbm>>)
    %add3A_651 = arith.constant 0 : i32
    %add3A_652 = arith.addi %mul3A_2, %add3A_651 : i32
    %dma_start3A_653 = arith.constant 0 : i32
    %dma_start3A_654 = tpu.memref_slice %arg2[%add3A_652, %reduce_max3A_54, %dma_start3A_653] : memref<16384x6x512xf32, #tpu.memory_space<hbm>> -> memref<64x1x512xf32, #tpu.memory_space<hbm>>
    %dma_start3A_655 = arith.constant 0 : i32
    %dma_start3A_656 = tpu.memref_slice %arg2[%add3A_652, %reduce_max3A_54, %dma_start3A_655] : memref<16384x6x512xf32, #tpu.memory_space<hbm>> -> memref<64x1x512xf32, #tpu.memory_space<hbm>>
    tpu.enqueue_dma source(%dma_start3A_656 : memref<64x1x512xf32, #tpu.memory_space<hbm>>) target(%arg6 : memref<64x1x512xf32, #tpu.memory_space<vmem>>) target_semaphore(%arg8 : memref<!tpu.dma_semaphore, #tpu.memory_space<semaphore_mem>>)
    %dma_wait3A_657 = arith.constant 0 : i32
    %dma_wait3A_658 = tpu.memref_slice %arg2[%add3A_652, %reduce_max3A_54, %dma_wait3A_657] : memref<16384x6x512xf32, #tpu.memory_space<hbm>> -> memref<64x1x512xf32, #tpu.memory_space<hbm>>
    %dma_wait3A_659 = arith.constant 0 : i32
    %dma_wait3A_660 = tpu.memref_slice %arg2[%add3A_652, %reduce_max3A_54, %dma_wait3A_659] : memref<16384x6x512xf32, #tpu.memory_space<hbm>> -> memref<64x1x512xf32, #tpu.memory_space<hbm>>
    tpu.wait_dma2 semaphore(%arg8 : memref<!tpu.dma_semaphore, #tpu.memory_space<semaphore_mem>>) src(%dma_wait3A_660 : memref<64x1x512xf32, #tpu.memory_space<hbm>>) dst(%arg6 : memref<64x1x512xf32, #tpu.memory_space<vmem>>)
    %add3A_661 = arith.constant 0 : i32
    %add3A_662 = arith.addi %mul3A_2, %add3A_661 : i32
    %dma_start3A_663 = arith.constant 3 : i32
    %dma_start3A_664 = arith.constant 0 : i32
    %dma_start3A_665 = tpu.memref_slice %arg4[%add3A_662, %dma_start3A_663, %dma_start3A_664] : memref<16384x6x512xf32, #tpu.memory_space<hbm>> -> memref<64x1x512xf32, #tpu.memory_space<hbm>>
    %dma_start3A_666 = arith.constant 3 : i32
    %dma_start3A_667 = arith.constant 0 : i32
    %dma_start3A_668 = tpu.memref_slice %arg4[%add3A_662, %dma_start3A_666, %dma_start3A_667] : memref<16384x6x512xf32, #tpu.memory_space<hbm>> -> memref<64x1x512xf32, #tpu.memory_space<hbm>>
    tpu.enqueue_dma source(%arg6 : memref<64x1x512xf32, #tpu.memory_space<vmem>>) target(%dma_start3A_668 : memref<64x1x512xf32, #tpu.memory_space<hbm>>) target_semaphore(%arg10 : memref<!tpu.dma_semaphore, #tpu.memory_space<semaphore_mem>>)
    %dma_wait3A_669 = arith.constant 2 : i32
    %dma_wait3A_670 = arith.constant 0 : i32
    %dma_wait3A_671 = tpu.memref_slice %arg4[%add3A_638, %dma_wait3A_669, %dma_wait3A_670] : memref<16384x6x512xf32, #tpu.memory_space<hbm>> -> memref<64x1x512xf32, #tpu.memory_space<hbm>>
    %dma_wait3A_672 = arith.constant 2 : i32
    %dma_wait3A_673 = arith.constant 0 : i32
    %dma_wait3A_674 = tpu.memref_slice %arg4[%add3A_638, %dma_wait3A_672, %dma_wait3A_673] : memref<16384x6x512xf32, #tpu.memory_space<hbm>> -> memref<64x1x512xf32, #tpu.memory_space<hbm>>
    tpu.wait_dma2 semaphore(%arg11 : memref<!tpu.dma_semaphore, #tpu.memory_space<semaphore_mem>>) src(%arg7 : memref<64x1x512xf32, #tpu.memory_space<vmem>>) dst(%dma_wait3A_674 : memref<64x1x512xf32, #tpu.memory_space<hbm>>)
    %add3A_675 = arith.constant 64 : i32
    %add3A_676 = arith.addi %mul3A_2, %add3A_675 : i32
    %dma_start3A_677 = arith.constant 0 : i32
    %dma_start3A_678 = tpu.memref_slice %arg2[%add3A_676, %reduce_max3A_54, %dma_start3A_677] : memref<16384x6x512xf32, #tpu.memory_space<hbm>> -> memref<64x1x512xf32, #tpu.memory_space<hbm>>
    %dma_start3A_679 = arith.constant 0 : i32
    %dma_start3A_680 = tpu.memref_slice %arg2[%add3A_676, %reduce_max3A_54, %dma_start3A_679] : memref<16384x6x512xf32, #tpu.memory_space<hbm>> -> memref<64x1x512xf32, #tpu.memory_space<hbm>>
    tpu.enqueue_dma source(%dma_start3A_680 : memref<64x1x512xf32, #tpu.memory_space<hbm>>) target(%arg7 : memref<64x1x512xf32, #tpu.memory_space<vmem>>) target_semaphore(%arg9 : memref<!tpu.dma_semaphore, #tpu.memory_space<semaphore_mem>>)
    %dma_wait3A_681 = arith.constant 0 : i32
    %dma_wait3A_682 = tpu.memref_slice %arg2[%add3A_676, %reduce_max3A_54, %dma_wait3A_681] : memref<16384x6x512xf32, #tpu.memory_space<hbm>> -> memref<64x1x512xf32, #tpu.memory_space<hbm>>
    %dma_wait3A_683 = arith.constant 0 : i32
    %dma_wait3A_684 = tpu.memref_slice %arg2[%add3A_676, %reduce_max3A_54, %dma_wait3A_683] : memref<16384x6x512xf32, #tpu.memory_space<hbm>> -> memref<64x1x512xf32, #tpu.memory_space<hbm>>
    tpu.wait_dma2 semaphore(%arg9 : memref<!tpu.dma_semaphore, #tpu.memory_space<semaphore_mem>>) src(%dma_wait3A_684 : memref<64x1x512xf32, #tpu.memory_space<hbm>>) dst(%arg7 : memref<64x1x512xf32, #tpu.memory_space<vmem>>)
    %add3A_685 = arith.constant 64 : i32
    %add3A_686 = arith.addi %mul3A_2, %add3A_685 : i32
    %dma_start3A_687 = arith.constant 3 : i32
    %dma_start3A_688 = arith.constant 0 : i32
    %dma_start3A_689 = tpu.memref_slice %arg4[%add3A_686, %dma_start3A_687, %dma_start3A_688] : memref<16384x6x512xf32, #tpu.memory_space<hbm>> -> memref<64x1x512xf32, #tpu.memory_space<hbm>>
    %dma_start3A_690 = arith.constant 3 : i32
    %dma_start3A_691 = arith.constant 0 : i32
    %dma_start3A_692 = tpu.memref_slice %arg4[%add3A_686, %dma_start3A_690, %dma_start3A_691] : memref<16384x6x512xf32, #tpu.memory_space<hbm>> -> memref<64x1x512xf32, #tpu.memory_space<hbm>>
    tpu.enqueue_dma source(%arg7 : memref<64x1x512xf32, #tpu.memory_space<vmem>>) target(%dma_start3A_692 : memref<64x1x512xf32, #tpu.memory_space<hbm>>) target_semaphore(%arg11 : memref<!tpu.dma_semaphore, #tpu.memory_space<semaphore_mem>>)
    %dma_wait3A_693 = arith.constant 3 : i32
    %dma_wait3A_694 = arith.constant 0 : i32
    %dma_wait3A_695 = tpu.memref_slice %arg4[%add3A_662, %dma_wait3A_693, %dma_wait3A_694] : memref<16384x6x512xf32, #tpu.memory_space<hbm>> -> memref<64x1x512xf32, #tpu.memory_space<hbm>>
    %dma_wait3A_696 = arith.constant 3 : i32
    %dma_wait3A_697 = arith.constant 0 : i32
    %dma_wait3A_698 = tpu.memref_slice %arg4[%add3A_662, %dma_wait3A_696, %dma_wait3A_697] : memref<16384x6x512xf32, #tpu.memory_space<hbm>> -> memref<64x1x512xf32, #tpu.memory_space<hbm>>
    tpu.wait_dma2 semaphore(%arg10 : memref<!tpu.dma_semaphore, #tpu.memory_space<semaphore_mem>>) src(%arg6 : memref<64x1x512xf32, #tpu.memory_space<vmem>>) dst(%dma_wait3A_698 : memref<64x1x512xf32, #tpu.memory_space<hbm>>)
    %add3A_699 = arith.constant 128 : i32
    %add3A_700 = arith.addi %mul3A_2, %add3A_699 : i32
    %dma_start3A_701 = arith.constant 0 : i32
    %dma_start3A_702 = tpu.memref_slice %arg2[%add3A_700, %reduce_max3A_54, %dma_start3A_701] : memref<16384x6x512xf32, #tpu.memory_space<hbm>> -> memref<64x1x512xf32, #tpu.memory_space<hbm>>
    %dma_start3A_703 = arith.constant 0 : i32
    %dma_start3A_704 = tpu.memref_slice %arg2[%add3A_700, %reduce_max3A_54, %dma_start3A_703] : memref<16384x6x512xf32, #tpu.memory_space<hbm>> -> memref<64x1x512xf32, #tpu.memory_space<hbm>>
    tpu.enqueue_dma source(%dma_start3A_704 : memref<64x1x512xf32, #tpu.memory_space<hbm>>) target(%arg6 : memref<64x1x512xf32, #tpu.memory_space<vmem>>) target_semaphore(%arg8 : memref<!tpu.dma_semaphore, #tpu.memory_space<semaphore_mem>>)
    %dma_wait3A_705 = arith.constant 0 : i32
    %dma_wait3A_706 = tpu.memref_slice %arg2[%add3A_700, %reduce_max3A_54, %dma_wait3A_705] : memref<16384x6x512xf32, #tpu.memory_space<hbm>> -> memref<64x1x512xf32, #tpu.memory_space<hbm>>
    %dma_wait3A_707 = arith.constant 0 : i32
    %dma_wait3A_708 = tpu.memref_slice %arg2[%add3A_700, %reduce_max3A_54, %dma_wait3A_707] : memref<16384x6x512xf32, #tpu.memory_space<hbm>> -> memref<64x1x512xf32, #tpu.memory_space<hbm>>
    tpu.wait_dma2 semaphore(%arg8 : memref<!tpu.dma_semaphore, #tpu.memory_space<semaphore_mem>>) src(%dma_wait3A_708 : memref<64x1x512xf32, #tpu.memory_space<hbm>>) dst(%arg6 : memref<64x1x512xf32, #tpu.memory_space<vmem>>)
    %add3A_709 = arith.constant 128 : i32
    %add3A_710 = arith.addi %mul3A_2, %add3A_709 : i32
    %dma_start3A_711 = arith.constant 3 : i32
    %dma_start3A_712 = arith.constant 0 : i32
    %dma_start3A_713 = tpu.memref_slice %arg4[%add3A_710, %dma_start3A_711, %dma_start3A_712] : memref<16384x6x512xf32, #tpu.memory_space<hbm>> -> memref<64x1x512xf32, #tpu.memory_space<hbm>>
    %dma_start3A_714 = arith.constant 3 : i32
    %dma_start3A_715 = arith.constant 0 : i32
    %dma_start3A_716 = tpu.memref_slice %arg4[%add3A_710, %dma_start3A_714, %dma_start3A_715] : memref<16384x6x512xf32, #tpu.memory_space<hbm>> -> memref<64x1x512xf32, #tpu.memory_space<hbm>>
    tpu.enqueue_dma source(%arg6 : memref<64x1x512xf32, #tpu.memory_space<vmem>>) target(%dma_start3A_716 : memref<64x1x512xf32, #tpu.memory_space<hbm>>) target_semaphore(%arg10 : memref<!tpu.dma_semaphore, #tpu.memory_space<semaphore_mem>>)
    %dma_wait3A_717 = arith.constant 3 : i32
    %dma_wait3A_718 = arith.constant 0 : i32
    %dma_wait3A_719 = tpu.memref_slice %arg4[%add3A_686, %dma_wait3A_717, %dma_wait3A_718] : memref<16384x6x512xf32, #tpu.memory_space<hbm>> -> memref<64x1x512xf32, #tpu.memory_space<hbm>>
    %dma_wait3A_720 = arith.constant 3 : i32
    %dma_wait3A_721 = arith.constant 0 : i32
    %dma_wait3A_722 = tpu.memref_slice %arg4[%add3A_686, %dma_wait3A_720, %dma_wait3A_721] : memref<16384x6x512xf32, #tpu.memory_space<hbm>> -> memref<64x1x512xf32, #tpu.memory_space<hbm>>
    tpu.wait_dma2 semaphore(%arg11 : memref<!tpu.dma_semaphore, #tpu.memory_space<semaphore_mem>>) src(%arg7 : memref<64x1x512xf32, #tpu.memory_space<vmem>>) dst(%dma_wait3A_722 : memref<64x1x512xf32, #tpu.memory_space<hbm>>)
    %add3A_723 = arith.constant 192 : i32
    %add3A_724 = arith.addi %mul3A_2, %add3A_723 : i32
    %dma_start3A_725 = arith.constant 0 : i32
    %dma_start3A_726 = tpu.memref_slice %arg2[%add3A_724, %reduce_max3A_54, %dma_start3A_725] : memref<16384x6x512xf32, #tpu.memory_space<hbm>> -> memref<64x1x512xf32, #tpu.memory_space<hbm>>
    %dma_start3A_727 = arith.constant 0 : i32
    %dma_start3A_728 = tpu.memref_slice %arg2[%add3A_724, %reduce_max3A_54, %dma_start3A_727] : memref<16384x6x512xf32, #tpu.memory_space<hbm>> -> memref<64x1x512xf32, #tpu.memory_space<hbm>>
    tpu.enqueue_dma source(%dma_start3A_728 : memref<64x1x512xf32, #tpu.memory_space<hbm>>) target(%arg7 : memref<64x1x512xf32, #tpu.memory_space<vmem>>) target_semaphore(%arg9 : memref<!tpu.dma_semaphore, #tpu.memory_space<semaphore_mem>>)
    %dma_wait3A_729 = arith.constant 0 : i32
    %dma_wait3A_730 = tpu.memref_slice %arg2[%add3A_724, %reduce_max3A_54, %dma_wait3A_729] : memref<16384x6x512xf32, #tpu.memory_space<hbm>> -> memref<64x1x512xf32, #tpu.memory_space<hbm>>
    %dma_wait3A_731 = arith.constant 0 : i32
    %dma_wait3A_732 = tpu.memref_slice %arg2[%add3A_724, %reduce_max3A_54, %dma_wait3A_731] : memref<16384x6x512xf32, #tpu.memory_space<hbm>> -> memref<64x1x512xf32, #tpu.memory_space<hbm>>
    tpu.wait_dma2 semaphore(%arg9 : memref<!tpu.dma_semaphore, #tpu.memory_space<semaphore_mem>>) src(%dma_wait3A_732 : memref<64x1x512xf32, #tpu.memory_space<hbm>>) dst(%arg7 : memref<64x1x512xf32, #tpu.memory_space<vmem>>)
    %add3A_733 = arith.constant 192 : i32
    %add3A_734 = arith.addi %mul3A_2, %add3A_733 : i32
    %dma_start3A_735 = arith.constant 3 : i32
    %dma_start3A_736 = arith.constant 0 : i32
    %dma_start3A_737 = tpu.memref_slice %arg4[%add3A_734, %dma_start3A_735, %dma_start3A_736] : memref<16384x6x512xf32, #tpu.memory_space<hbm>> -> memref<64x1x512xf32, #tpu.memory_space<hbm>>
    %dma_start3A_738 = arith.constant 3 : i32
    %dma_start3A_739 = arith.constant 0 : i32
    %dma_start3A_740 = tpu.memref_slice %arg4[%add3A_734, %dma_start3A_738, %dma_start3A_739] : memref<16384x6x512xf32, #tpu.memory_space<hbm>> -> memref<64x1x512xf32, #tpu.memory_space<hbm>>
    tpu.enqueue_dma source(%arg7 : memref<64x1x512xf32, #tpu.memory_space<vmem>>) target(%dma_start3A_740 : memref<64x1x512xf32, #tpu.memory_space<hbm>>) target_semaphore(%arg11 : memref<!tpu.dma_semaphore, #tpu.memory_space<semaphore_mem>>)
    %dma_wait3A_741 = arith.constant 3 : i32
    %dma_wait3A_742 = arith.constant 0 : i32
    %dma_wait3A_743 = tpu.memref_slice %arg4[%add3A_710, %dma_wait3A_741, %dma_wait3A_742] : memref<16384x6x512xf32, #tpu.memory_space<hbm>> -> memref<64x1x512xf32, #tpu.memory_space<hbm>>
    %dma_wait3A_744 = arith.constant 3 : i32
    %dma_wait3A_745 = arith.constant 0 : i32
    %dma_wait3A_746 = tpu.memref_slice %arg4[%add3A_710, %dma_wait3A_744, %dma_wait3A_745] : memref<16384x6x512xf32, #tpu.memory_space<hbm>> -> memref<64x1x512xf32, #tpu.memory_space<hbm>>
    tpu.wait_dma2 semaphore(%arg10 : memref<!tpu.dma_semaphore, #tpu.memory_space<semaphore_mem>>) src(%arg6 : memref<64x1x512xf32, #tpu.memory_space<vmem>>) dst(%dma_wait3A_746 : memref<64x1x512xf32, #tpu.memory_space<hbm>>)
    %add3A_747 = arith.constant 256 : i32
    %add3A_748 = arith.addi %mul3A_2, %add3A_747 : i32
    %dma_start3A_749 = arith.constant 0 : i32
    %dma_start3A_750 = tpu.memref_slice %arg2[%add3A_748, %reduce_max3A_54, %dma_start3A_749] : memref<16384x6x512xf32, #tpu.memory_space<hbm>> -> memref<64x1x512xf32, #tpu.memory_space<hbm>>
    %dma_start3A_751 = arith.constant 0 : i32
    %dma_start3A_752 = tpu.memref_slice %arg2[%add3A_748, %reduce_max3A_54, %dma_start3A_751] : memref<16384x6x512xf32, #tpu.memory_space<hbm>> -> memref<64x1x512xf32, #tpu.memory_space<hbm>>
    tpu.enqueue_dma source(%dma_start3A_752 : memref<64x1x512xf32, #tpu.memory_space<hbm>>) target(%arg6 : memref<64x1x512xf32, #tpu.memory_space<vmem>>) target_semaphore(%arg8 : memref<!tpu.dma_semaphore, #tpu.memory_space<semaphore_mem>>)
    %dma_wait3A_753 = arith.constant 0 : i32
    %dma_wait3A_754 = tpu.memref_slice %arg2[%add3A_748, %reduce_max3A_54, %dma_wait3A_753] : memref<16384x6x512xf32, #tpu.memory_space<hbm>> -> memref<64x1x512xf32, #tpu.memory_space<hbm>>
    %dma_wait3A_755 = arith.constant 0 : i32
    %dma_wait3A_756 = tpu.memref_slice %arg2[%add3A_748, %reduce_max3A_54, %dma_wait3A_755] : memref<16384x6x512xf32, #tpu.memory_space<hbm>> -> memref<64x1x512xf32, #tpu.memory_space<hbm>>
    tpu.wait_dma2 semaphore(%arg8 : memref<!tpu.dma_semaphore, #tpu.memory_space<semaphore_mem>>) src(%dma_wait3A_756 : memref<64x1x512xf32, #tpu.memory_space<hbm>>) dst(%arg6 : memref<64x1x512xf32, #tpu.memory_space<vmem>>)
    %add3A_757 = arith.constant 256 : i32
    %add3A_758 = arith.addi %mul3A_2, %add3A_757 : i32
    %dma_start3A_759 = arith.constant 3 : i32
    %dma_start3A_760 = arith.constant 0 : i32
    %dma_start3A_761 = tpu.memref_slice %arg4[%add3A_758, %dma_start3A_759, %dma_start3A_760] : memref<16384x6x512xf32, #tpu.memory_space<hbm>> -> memref<64x1x512xf32, #tpu.memory_space<hbm>>
    %dma_start3A_762 = arith.constant 3 : i32
    %dma_start3A_763 = arith.constant 0 : i32
    %dma_start3A_764 = tpu.memref_slice %arg4[%add3A_758, %dma_start3A_762, %dma_start3A_763] : memref<16384x6x512xf32, #tpu.memory_space<hbm>> -> memref<64x1x512xf32, #tpu.memory_space<hbm>>
    tpu.enqueue_dma source(%arg6 : memref<64x1x512xf32, #tpu.memory_space<vmem>>) target(%dma_start3A_764 : memref<64x1x512xf32, #tpu.memory_space<hbm>>) target_semaphore(%arg10 : memref<!tpu.dma_semaphore, #tpu.memory_space<semaphore_mem>>)
    %dma_wait3A_765 = arith.constant 3 : i32
    %dma_wait3A_766 = arith.constant 0 : i32
    %dma_wait3A_767 = tpu.memref_slice %arg4[%add3A_734, %dma_wait3A_765, %dma_wait3A_766] : memref<16384x6x512xf32, #tpu.memory_space<hbm>> -> memref<64x1x512xf32, #tpu.memory_space<hbm>>
    %dma_wait3A_768 = arith.constant 3 : i32
    %dma_wait3A_769 = arith.constant 0 : i32
    %dma_wait3A_770 = tpu.memref_slice %arg4[%add3A_734, %dma_wait3A_768, %dma_wait3A_769] : memref<16384x6x512xf32, #tpu.memory_space<hbm>> -> memref<64x1x512xf32, #tpu.memory_space<hbm>>
    tpu.wait_dma2 semaphore(%arg11 : memref<!tpu.dma_semaphore, #tpu.memory_space<semaphore_mem>>) src(%arg7 : memref<64x1x512xf32, #tpu.memory_space<vmem>>) dst(%dma_wait3A_770 : memref<64x1x512xf32, #tpu.memory_space<hbm>>)
    %add3A_771 = arith.constant 320 : i32
    %add3A_772 = arith.addi %mul3A_2, %add3A_771 : i32
    %dma_start3A_773 = arith.constant 0 : i32
    %dma_start3A_774 = tpu.memref_slice %arg2[%add3A_772, %reduce_max3A_54, %dma_start3A_773] : memref<16384x6x512xf32, #tpu.memory_space<hbm>> -> memref<64x1x512xf32, #tpu.memory_space<hbm>>
    %dma_start3A_775 = arith.constant 0 : i32
    %dma_start3A_776 = tpu.memref_slice %arg2[%add3A_772, %reduce_max3A_54, %dma_start3A_775] : memref<16384x6x512xf32, #tpu.memory_space<hbm>> -> memref<64x1x512xf32, #tpu.memory_space<hbm>>
    tpu.enqueue_dma source(%dma_start3A_776 : memref<64x1x512xf32, #tpu.memory_space<hbm>>) target(%arg7 : memref<64x1x512xf32, #tpu.memory_space<vmem>>) target_semaphore(%arg9 : memref<!tpu.dma_semaphore, #tpu.memory_space<semaphore_mem>>)
    %dma_wait3A_777 = arith.constant 0 : i32
    %dma_wait3A_778 = tpu.memref_slice %arg2[%add3A_772, %reduce_max3A_54, %dma_wait3A_777] : memref<16384x6x512xf32, #tpu.memory_space<hbm>> -> memref<64x1x512xf32, #tpu.memory_space<hbm>>
    %dma_wait3A_779 = arith.constant 0 : i32
    %dma_wait3A_780 = tpu.memref_slice %arg2[%add3A_772, %reduce_max3A_54, %dma_wait3A_779] : memref<16384x6x512xf32, #tpu.memory_space<hbm>> -> memref<64x1x512xf32, #tpu.memory_space<hbm>>
    tpu.wait_dma2 semaphore(%arg9 : memref<!tpu.dma_semaphore, #tpu.memory_space<semaphore_mem>>) src(%dma_wait3A_780 : memref<64x1x512xf32, #tpu.memory_space<hbm>>) dst(%arg7 : memref<64x1x512xf32, #tpu.memory_space<vmem>>)
    %add3A_781 = arith.constant 320 : i32
    %add3A_782 = arith.addi %mul3A_2, %add3A_781 : i32
    %dma_start3A_783 = arith.constant 3 : i32
    %dma_start3A_784 = arith.constant 0 : i32
    %dma_start3A_785 = tpu.memref_slice %arg4[%add3A_782, %dma_start3A_783, %dma_start3A_784] : memref<16384x6x512xf32, #tpu.memory_space<hbm>> -> memref<64x1x512xf32, #tpu.memory_space<hbm>>
    %dma_start3A_786 = arith.constant 3 : i32
    %dma_start3A_787 = arith.constant 0 : i32
    %dma_start3A_788 = tpu.memref_slice %arg4[%add3A_782, %dma_start3A_786, %dma_start3A_787] : memref<16384x6x512xf32, #tpu.memory_space<hbm>> -> memref<64x1x512xf32, #tpu.memory_space<hbm>>
    tpu.enqueue_dma source(%arg7 : memref<64x1x512xf32, #tpu.memory_space<vmem>>) target(%dma_start3A_788 : memref<64x1x512xf32, #tpu.memory_space<hbm>>) target_semaphore(%arg11 : memref<!tpu.dma_semaphore, #tpu.memory_space<semaphore_mem>>)
    %dma_wait3A_789 = arith.constant 3 : i32
    %dma_wait3A_790 = arith.constant 0 : i32
    %dma_wait3A_791 = tpu.memref_slice %arg4[%add3A_758, %dma_wait3A_789, %dma_wait3A_790] : memref<16384x6x512xf32, #tpu.memory_space<hbm>> -> memref<64x1x512xf32, #tpu.memory_space<hbm>>
    %dma_wait3A_792 = arith.constant 3 : i32
    %dma_wait3A_793 = arith.constant 0 : i32
    %dma_wait3A_794 = tpu.memref_slice %arg4[%add3A_758, %dma_wait3A_792, %dma_wait3A_793] : memref<16384x6x512xf32, #tpu.memory_space<hbm>> -> memref<64x1x512xf32, #tpu.memory_space<hbm>>
    tpu.wait_dma2 semaphore(%arg10 : memref<!tpu.dma_semaphore, #tpu.memory_space<semaphore_mem>>) src(%arg6 : memref<64x1x512xf32, #tpu.memory_space<vmem>>) dst(%dma_wait3A_794 : memref<64x1x512xf32, #tpu.memory_space<hbm>>)
    %add3A_795 = arith.constant 384 : i32
    %add3A_796 = arith.addi %mul3A_2, %add3A_795 : i32
    %dma_start3A_797 = arith.constant 0 : i32
    %dma_start3A_798 = tpu.memref_slice %arg2[%add3A_796, %reduce_max3A_54, %dma_start3A_797] : memref<16384x6x512xf32, #tpu.memory_space<hbm>> -> memref<64x1x512xf32, #tpu.memory_space<hbm>>
    %dma_start3A_799 = arith.constant 0 : i32
    %dma_start3A_800 = tpu.memref_slice %arg2[%add3A_796, %reduce_max3A_54, %dma_start3A_799] : memref<16384x6x512xf32, #tpu.memory_space<hbm>> -> memref<64x1x512xf32, #tpu.memory_space<hbm>>
    tpu.enqueue_dma source(%dma_start3A_800 : memref<64x1x512xf32, #tpu.memory_space<hbm>>) target(%arg6 : memref<64x1x512xf32, #tpu.memory_space<vmem>>) target_semaphore(%arg8 : memref<!tpu.dma_semaphore, #tpu.memory_space<semaphore_mem>>)
    %dma_wait3A_801 = arith.constant 0 : i32
    %dma_wait3A_802 = tpu.memref_slice %arg2[%add3A_796, %reduce_max3A_54, %dma_wait3A_801] : memref<16384x6x512xf32, #tpu.memory_space<hbm>> -> memref<64x1x512xf32, #tpu.memory_space<hbm>>
    %dma_wait3A_803 = arith.constant 0 : i32
    %dma_wait3A_804 = tpu.memref_slice %arg2[%add3A_796, %reduce_max3A_54, %dma_wait3A_803] : memref<16384x6x512xf32, #tpu.memory_space<hbm>> -> memref<64x1x512xf32, #tpu.memory_space<hbm>>
    tpu.wait_dma2 semaphore(%arg8 : memref<!tpu.dma_semaphore, #tpu.memory_space<semaphore_mem>>) src(%dma_wait3A_804 : memref<64x1x512xf32, #tpu.memory_space<hbm>>) dst(%arg6 : memref<64x1x512xf32, #tpu.memory_space<vmem>>)
    %add3A_805 = arith.constant 384 : i32
    %add3A_806 = arith.addi %mul3A_2, %add3A_805 : i32
    %dma_start3A_807 = arith.constant 3 : i32
    %dma_start3A_808 = arith.constant 0 : i32
    %dma_start3A_809 = tpu.memref_slice %arg4[%add3A_806, %dma_start3A_807, %dma_start3A_808] : memref<16384x6x512xf32, #tpu.memory_space<hbm>> -> memref<64x1x512xf32, #tpu.memory_space<hbm>>
    %dma_start3A_810 = arith.constant 3 : i32
    %dma_start3A_811 = arith.constant 0 : i32
    %dma_start3A_812 = tpu.memref_slice %arg4[%add3A_806, %dma_start3A_810, %dma_start3A_811] : memref<16384x6x512xf32, #tpu.memory_space<hbm>> -> memref<64x1x512xf32, #tpu.memory_space<hbm>>
    tpu.enqueue_dma source(%arg6 : memref<64x1x512xf32, #tpu.memory_space<vmem>>) target(%dma_start3A_812 : memref<64x1x512xf32, #tpu.memory_space<hbm>>) target_semaphore(%arg10 : memref<!tpu.dma_semaphore, #tpu.memory_space<semaphore_mem>>)
    %dma_wait3A_813 = arith.constant 3 : i32
    %dma_wait3A_814 = arith.constant 0 : i32
    %dma_wait3A_815 = tpu.memref_slice %arg4[%add3A_782, %dma_wait3A_813, %dma_wait3A_814] : memref<16384x6x512xf32, #tpu.memory_space<hbm>> -> memref<64x1x512xf32, #tpu.memory_space<hbm>>
    %dma_wait3A_816 = arith.constant 3 : i32
    %dma_wait3A_817 = arith.constant 0 : i32
    %dma_wait3A_818 = tpu.memref_slice %arg4[%add3A_782, %dma_wait3A_816, %dma_wait3A_817] : memref<16384x6x512xf32, #tpu.memory_space<hbm>> -> memref<64x1x512xf32, #tpu.memory_space<hbm>>
    tpu.wait_dma2 semaphore(%arg11 : memref<!tpu.dma_semaphore, #tpu.memory_space<semaphore_mem>>) src(%arg7 : memref<64x1x512xf32, #tpu.memory_space<vmem>>) dst(%dma_wait3A_818 : memref<64x1x512xf32, #tpu.memory_space<hbm>>)
    %add3A_819 = arith.constant 448 : i32
    %add3A_820 = arith.addi %mul3A_2, %add3A_819 : i32
    %dma_start3A_821 = arith.constant 0 : i32
    %dma_start3A_822 = tpu.memref_slice %arg2[%add3A_820, %reduce_max3A_54, %dma_start3A_821] : memref<16384x6x512xf32, #tpu.memory_space<hbm>> -> memref<64x1x512xf32, #tpu.memory_space<hbm>>
    %dma_start3A_823 = arith.constant 0 : i32
    %dma_start3A_824 = tpu.memref_slice %arg2[%add3A_820, %reduce_max3A_54, %dma_start3A_823] : memref<16384x6x512xf32, #tpu.memory_space<hbm>> -> memref<64x1x512xf32, #tpu.memory_space<hbm>>
    tpu.enqueue_dma source(%dma_start3A_824 : memref<64x1x512xf32, #tpu.memory_space<hbm>>) target(%arg7 : memref<64x1x512xf32, #tpu.memory_space<vmem>>) target_semaphore(%arg9 : memref<!tpu.dma_semaphore, #tpu.memory_space<semaphore_mem>>)
    %dma_wait3A_825 = arith.constant 0 : i32
    %dma_wait3A_826 = tpu.memref_slice %arg2[%add3A_820, %reduce_max3A_54, %dma_wait3A_825] : memref<16384x6x512xf32, #tpu.memory_space<hbm>> -> memref<64x1x512xf32, #tpu.memory_space<hbm>>
    %dma_wait3A_827 = arith.constant 0 : i32
    %dma_wait3A_828 = tpu.memref_slice %arg2[%add3A_820, %reduce_max3A_54, %dma_wait3A_827] : memref<16384x6x512xf32, #tpu.memory_space<hbm>> -> memref<64x1x512xf32, #tpu.memory_space<hbm>>
    tpu.wait_dma2 semaphore(%arg9 : memref<!tpu.dma_semaphore, #tpu.memory_space<semaphore_mem>>) src(%dma_wait3A_828 : memref<64x1x512xf32, #tpu.memory_space<hbm>>) dst(%arg7 : memref<64x1x512xf32, #tpu.memory_space<vmem>>)
    %add3A_829 = arith.constant 448 : i32
    %add3A_830 = arith.addi %mul3A_2, %add3A_829 : i32
    %dma_start3A_831 = arith.constant 3 : i32
    %dma_start3A_832 = arith.constant 0 : i32
    %dma_start3A_833 = tpu.memref_slice %arg4[%add3A_830, %dma_start3A_831, %dma_start3A_832] : memref<16384x6x512xf32, #tpu.memory_space<hbm>> -> memref<64x1x512xf32, #tpu.memory_space<hbm>>
    %dma_start3A_834 = arith.constant 3 : i32
    %dma_start3A_835 = arith.constant 0 : i32
    %dma_start3A_836 = tpu.memref_slice %arg4[%add3A_830, %dma_start3A_834, %dma_start3A_835] : memref<16384x6x512xf32, #tpu.memory_space<hbm>> -> memref<64x1x512xf32, #tpu.memory_space<hbm>>
    tpu.enqueue_dma source(%arg7 : memref<64x1x512xf32, #tpu.memory_space<vmem>>) target(%dma_start3A_836 : memref<64x1x512xf32, #tpu.memory_space<hbm>>) target_semaphore(%arg11 : memref<!tpu.dma_semaphore, #tpu.memory_space<semaphore_mem>>)
    %dma_wait3A_837 = arith.constant 3 : i32
    %dma_wait3A_838 = arith.constant 0 : i32
    %dma_wait3A_839 = tpu.memref_slice %arg4[%add3A_806, %dma_wait3A_837, %dma_wait3A_838] : memref<16384x6x512xf32, #tpu.memory_space<hbm>> -> memref<64x1x512xf32, #tpu.memory_space<hbm>>
    %dma_wait3A_840 = arith.constant 3 : i32
    %dma_wait3A_841 = arith.constant 0 : i32
    %dma_wait3A_842 = tpu.memref_slice %arg4[%add3A_806, %dma_wait3A_840, %dma_wait3A_841] : memref<16384x6x512xf32, #tpu.memory_space<hbm>> -> memref<64x1x512xf32, #tpu.memory_space<hbm>>
    tpu.wait_dma2 semaphore(%arg10 : memref<!tpu.dma_semaphore, #tpu.memory_space<semaphore_mem>>) src(%arg6 : memref<64x1x512xf32, #tpu.memory_space<vmem>>) dst(%dma_wait3A_842 : memref<64x1x512xf32, #tpu.memory_space<hbm>>)
    %add3A_843 = arith.constant 0 : i32
    %add3A_844 = arith.addi %mul3A_2, %add3A_843 : i32
    %dma_start3A_845 = arith.constant 0 : i32
    %dma_start3A_846 = tpu.memref_slice %arg2[%add3A_844, %reduce_max3A_68, %dma_start3A_845] : memref<16384x6x512xf32, #tpu.memory_space<hbm>> -> memref<64x1x512xf32, #tpu.memory_space<hbm>>
    %dma_start3A_847 = arith.constant 0 : i32
    %dma_start3A_848 = tpu.memref_slice %arg2[%add3A_844, %reduce_max3A_68, %dma_start3A_847] : memref<16384x6x512xf32, #tpu.memory_space<hbm>> -> memref<64x1x512xf32, #tpu.memory_space<hbm>>
    tpu.enqueue_dma source(%dma_start3A_848 : memref<64x1x512xf32, #tpu.memory_space<hbm>>) target(%arg6 : memref<64x1x512xf32, #tpu.memory_space<vmem>>) target_semaphore(%arg8 : memref<!tpu.dma_semaphore, #tpu.memory_space<semaphore_mem>>)
    %dma_wait3A_849 = arith.constant 0 : i32
    %dma_wait3A_850 = tpu.memref_slice %arg2[%add3A_844, %reduce_max3A_68, %dma_wait3A_849] : memref<16384x6x512xf32, #tpu.memory_space<hbm>> -> memref<64x1x512xf32, #tpu.memory_space<hbm>>
    %dma_wait3A_851 = arith.constant 0 : i32
    %dma_wait3A_852 = tpu.memref_slice %arg2[%add3A_844, %reduce_max3A_68, %dma_wait3A_851] : memref<16384x6x512xf32, #tpu.memory_space<hbm>> -> memref<64x1x512xf32, #tpu.memory_space<hbm>>
    tpu.wait_dma2 semaphore(%arg8 : memref<!tpu.dma_semaphore, #tpu.memory_space<semaphore_mem>>) src(%dma_wait3A_852 : memref<64x1x512xf32, #tpu.memory_space<hbm>>) dst(%arg6 : memref<64x1x512xf32, #tpu.memory_space<vmem>>)
    %add3A_853 = arith.constant 0 : i32
    %add3A_854 = arith.addi %mul3A_2, %add3A_853 : i32
    %dma_start3A_855 = arith.constant 4 : i32
    %dma_start3A_856 = arith.constant 0 : i32
    %dma_start3A_857 = tpu.memref_slice %arg4[%add3A_854, %dma_start3A_855, %dma_start3A_856] : memref<16384x6x512xf32, #tpu.memory_space<hbm>> -> memref<64x1x512xf32, #tpu.memory_space<hbm>>
    %dma_start3A_858 = arith.constant 4 : i32
    %dma_start3A_859 = arith.constant 0 : i32
    %dma_start3A_860 = tpu.memref_slice %arg4[%add3A_854, %dma_start3A_858, %dma_start3A_859] : memref<16384x6x512xf32, #tpu.memory_space<hbm>> -> memref<64x1x512xf32, #tpu.memory_space<hbm>>
    tpu.enqueue_dma source(%arg6 : memref<64x1x512xf32, #tpu.memory_space<vmem>>) target(%dma_start3A_860 : memref<64x1x512xf32, #tpu.memory_space<hbm>>) target_semaphore(%arg10 : memref<!tpu.dma_semaphore, #tpu.memory_space<semaphore_mem>>)
    %dma_wait3A_861 = arith.constant 3 : i32
    %dma_wait3A_862 = arith.constant 0 : i32
    %dma_wait3A_863 = tpu.memref_slice %arg4[%add3A_830, %dma_wait3A_861, %dma_wait3A_862] : memref<16384x6x512xf32, #tpu.memory_space<hbm>> -> memref<64x1x512xf32, #tpu.memory_space<hbm>>
    %dma_wait3A_864 = arith.constant 3 : i32
    %dma_wait3A_865 = arith.constant 0 : i32
    %dma_wait3A_866 = tpu.memref_slice %arg4[%add3A_830, %dma_wait3A_864, %dma_wait3A_865] : memref<16384x6x512xf32, #tpu.memory_space<hbm>> -> memref<64x1x512xf32, #tpu.memory_space<hbm>>
    tpu.wait_dma2 semaphore(%arg11 : memref<!tpu.dma_semaphore, #tpu.memory_space<semaphore_mem>>) src(%arg7 : memref<64x1x512xf32, #tpu.memory_space<vmem>>) dst(%dma_wait3A_866 : memref<64x1x512xf32, #tpu.memory_space<hbm>>)
    %add3A_867 = arith.constant 64 : i32
    %add3A_868 = arith.addi %mul3A_2, %add3A_867 : i32
    %dma_start3A_869 = arith.constant 0 : i32
    %dma_start3A_870 = tpu.memref_slice %arg2[%add3A_868, %reduce_max3A_68, %dma_start3A_869] : memref<16384x6x512xf32, #tpu.memory_space<hbm>> -> memref<64x1x512xf32, #tpu.memory_space<hbm>>
    %dma_start3A_871 = arith.constant 0 : i32
    %dma_start3A_872 = tpu.memref_slice %arg2[%add3A_868, %reduce_max3A_68, %dma_start3A_871] : memref<16384x6x512xf32, #tpu.memory_space<hbm>> -> memref<64x1x512xf32, #tpu.memory_space<hbm>>
    tpu.enqueue_dma source(%dma_start3A_872 : memref<64x1x512xf32, #tpu.memory_space<hbm>>) target(%arg7 : memref<64x1x512xf32, #tpu.memory_space<vmem>>) target_semaphore(%arg9 : memref<!tpu.dma_semaphore, #tpu.memory_space<semaphore_mem>>)
    %dma_wait3A_873 = arith.constant 0 : i32
    %dma_wait3A_874 = tpu.memref_slice %arg2[%add3A_868, %reduce_max3A_68, %dma_wait3A_873] : memref<16384x6x512xf32, #tpu.memory_space<hbm>> -> memref<64x1x512xf32, #tpu.memory_space<hbm>>
    %dma_wait3A_875 = arith.constant 0 : i32
    %dma_wait3A_876 = tpu.memref_slice %arg2[%add3A_868, %reduce_max3A_68, %dma_wait3A_875] : memref<16384x6x512xf32, #tpu.memory_space<hbm>> -> memref<64x1x512xf32, #tpu.memory_space<hbm>>
    tpu.wait_dma2 semaphore(%arg9 : memref<!tpu.dma_semaphore, #tpu.memory_space<semaphore_mem>>) src(%dma_wait3A_876 : memref<64x1x512xf32, #tpu.memory_space<hbm>>) dst(%arg7 : memref<64x1x512xf32, #tpu.memory_space<vmem>>)
    %add3A_877 = arith.constant 64 : i32
    %add3A_878 = arith.addi %mul3A_2, %add3A_877 : i32
    %dma_start3A_879 = arith.constant 4 : i32
    %dma_start3A_880 = arith.constant 0 : i32
    %dma_start3A_881 = tpu.memref_slice %arg4[%add3A_878, %dma_start3A_879, %dma_start3A_880] : memref<16384x6x512xf32, #tpu.memory_space<hbm>> -> memref<64x1x512xf32, #tpu.memory_space<hbm>>
    %dma_start3A_882 = arith.constant 4 : i32
    %dma_start3A_883 = arith.constant 0 : i32
    %dma_start3A_884 = tpu.memref_slice %arg4[%add3A_878, %dma_start3A_882, %dma_start3A_883] : memref<16384x6x512xf32, #tpu.memory_space<hbm>> -> memref<64x1x512xf32, #tpu.memory_space<hbm>>
    tpu.enqueue_dma source(%arg7 : memref<64x1x512xf32, #tpu.memory_space<vmem>>) target(%dma_start3A_884 : memref<64x1x512xf32, #tpu.memory_space<hbm>>) target_semaphore(%arg11 : memref<!tpu.dma_semaphore, #tpu.memory_space<semaphore_mem>>)
    %dma_wait3A_885 = arith.constant 4 : i32
    %dma_wait3A_886 = arith.constant 0 : i32
    %dma_wait3A_887 = tpu.memref_slice %arg4[%add3A_854, %dma_wait3A_885, %dma_wait3A_886] : memref<16384x6x512xf32, #tpu.memory_space<hbm>> -> memref<64x1x512xf32, #tpu.memory_space<hbm>>
    %dma_wait3A_888 = arith.constant 4 : i32
    %dma_wait3A_889 = arith.constant 0 : i32
    %dma_wait3A_890 = tpu.memref_slice %arg4[%add3A_854, %dma_wait3A_888, %dma_wait3A_889] : memref<16384x6x512xf32, #tpu.memory_space<hbm>> -> memref<64x1x512xf32, #tpu.memory_space<hbm>>
    tpu.wait_dma2 semaphore(%arg10 : memref<!tpu.dma_semaphore, #tpu.memory_space<semaphore_mem>>) src(%arg6 : memref<64x1x512xf32, #tpu.memory_space<vmem>>) dst(%dma_wait3A_890 : memref<64x1x512xf32, #tpu.memory_space<hbm>>)
    %add3A_891 = arith.constant 128 : i32
    %add3A_892 = arith.addi %mul3A_2, %add3A_891 : i32
    %dma_start3A_893 = arith.constant 0 : i32
    %dma_start3A_894 = tpu.memref_slice %arg2[%add3A_892, %reduce_max3A_68, %dma_start3A_893] : memref<16384x6x512xf32, #tpu.memory_space<hbm>> -> memref<64x1x512xf32, #tpu.memory_space<hbm>>
    %dma_start3A_895 = arith.constant 0 : i32
    %dma_start3A_896 = tpu.memref_slice %arg2[%add3A_892, %reduce_max3A_68, %dma_start3A_895] : memref<16384x6x512xf32, #tpu.memory_space<hbm>> -> memref<64x1x512xf32, #tpu.memory_space<hbm>>
    tpu.enqueue_dma source(%dma_start3A_896 : memref<64x1x512xf32, #tpu.memory_space<hbm>>) target(%arg6 : memref<64x1x512xf32, #tpu.memory_space<vmem>>) target_semaphore(%arg8 : memref<!tpu.dma_semaphore, #tpu.memory_space<semaphore_mem>>)
    %dma_wait3A_897 = arith.constant 0 : i32
    %dma_wait3A_898 = tpu.memref_slice %arg2[%add3A_892, %reduce_max3A_68, %dma_wait3A_897] : memref<16384x6x512xf32, #tpu.memory_space<hbm>> -> memref<64x1x512xf32, #tpu.memory_space<hbm>>
    %dma_wait3A_899 = arith.constant 0 : i32
    %dma_wait3A_900 = tpu.memref_slice %arg2[%add3A_892, %reduce_max3A_68, %dma_wait3A_899] : memref<16384x6x512xf32, #tpu.memory_space<hbm>> -> memref<64x1x512xf32, #tpu.memory_space<hbm>>
    tpu.wait_dma2 semaphore(%arg8 : memref<!tpu.dma_semaphore, #tpu.memory_space<semaphore_mem>>) src(%dma_wait3A_900 : memref<64x1x512xf32, #tpu.memory_space<hbm>>) dst(%arg6 : memref<64x1x512xf32, #tpu.memory_space<vmem>>)
    %add3A_901 = arith.constant 128 : i32
    %add3A_902 = arith.addi %mul3A_2, %add3A_901 : i32
    %dma_start3A_903 = arith.constant 4 : i32
    %dma_start3A_904 = arith.constant 0 : i32
    %dma_start3A_905 = tpu.memref_slice %arg4[%add3A_902, %dma_start3A_903, %dma_start3A_904] : memref<16384x6x512xf32, #tpu.memory_space<hbm>> -> memref<64x1x512xf32, #tpu.memory_space<hbm>>
    %dma_start3A_906 = arith.constant 4 : i32
    %dma_start3A_907 = arith.constant 0 : i32
    %dma_start3A_908 = tpu.memref_slice %arg4[%add3A_902, %dma_start3A_906, %dma_start3A_907] : memref<16384x6x512xf32, #tpu.memory_space<hbm>> -> memref<64x1x512xf32, #tpu.memory_space<hbm>>
    tpu.enqueue_dma source(%arg6 : memref<64x1x512xf32, #tpu.memory_space<vmem>>) target(%dma_start3A_908 : memref<64x1x512xf32, #tpu.memory_space<hbm>>) target_semaphore(%arg10 : memref<!tpu.dma_semaphore, #tpu.memory_space<semaphore_mem>>)
    %dma_wait3A_909 = arith.constant 4 : i32
    %dma_wait3A_910 = arith.constant 0 : i32
    %dma_wait3A_911 = tpu.memref_slice %arg4[%add3A_878, %dma_wait3A_909, %dma_wait3A_910] : memref<16384x6x512xf32, #tpu.memory_space<hbm>> -> memref<64x1x512xf32, #tpu.memory_space<hbm>>
    %dma_wait3A_912 = arith.constant 4 : i32
    %dma_wait3A_913 = arith.constant 0 : i32
    %dma_wait3A_914 = tpu.memref_slice %arg4[%add3A_878, %dma_wait3A_912, %dma_wait3A_913] : memref<16384x6x512xf32, #tpu.memory_space<hbm>> -> memref<64x1x512xf32, #tpu.memory_space<hbm>>
    tpu.wait_dma2 semaphore(%arg11 : memref<!tpu.dma_semaphore, #tpu.memory_space<semaphore_mem>>) src(%arg7 : memref<64x1x512xf32, #tpu.memory_space<vmem>>) dst(%dma_wait3A_914 : memref<64x1x512xf32, #tpu.memory_space<hbm>>)
    %add3A_915 = arith.constant 192 : i32
    %add3A_916 = arith.addi %mul3A_2, %add3A_915 : i32
    %dma_start3A_917 = arith.constant 0 : i32
    %dma_start3A_918 = tpu.memref_slice %arg2[%add3A_916, %reduce_max3A_68, %dma_start3A_917] : memref<16384x6x512xf32, #tpu.memory_space<hbm>> -> memref<64x1x512xf32, #tpu.memory_space<hbm>>
    %dma_start3A_919 = arith.constant 0 : i32
    %dma_start3A_920 = tpu.memref_slice %arg2[%add3A_916, %reduce_max3A_68, %dma_start3A_919] : memref<16384x6x512xf32, #tpu.memory_space<hbm>> -> memref<64x1x512xf32, #tpu.memory_space<hbm>>
    tpu.enqueue_dma source(%dma_start3A_920 : memref<64x1x512xf32, #tpu.memory_space<hbm>>) target(%arg7 : memref<64x1x512xf32, #tpu.memory_space<vmem>>) target_semaphore(%arg9 : memref<!tpu.dma_semaphore, #tpu.memory_space<semaphore_mem>>)
    %dma_wait3A_921 = arith.constant 0 : i32
    %dma_wait3A_922 = tpu.memref_slice %arg2[%add3A_916, %reduce_max3A_68, %dma_wait3A_921] : memref<16384x6x512xf32, #tpu.memory_space<hbm>> -> memref<64x1x512xf32, #tpu.memory_space<hbm>>
    %dma_wait3A_923 = arith.constant 0 : i32
    %dma_wait3A_924 = tpu.memref_slice %arg2[%add3A_916, %reduce_max3A_68, %dma_wait3A_923] : memref<16384x6x512xf32, #tpu.memory_space<hbm>> -> memref<64x1x512xf32, #tpu.memory_space<hbm>>
    tpu.wait_dma2 semaphore(%arg9 : memref<!tpu.dma_semaphore, #tpu.memory_space<semaphore_mem>>) src(%dma_wait3A_924 : memref<64x1x512xf32, #tpu.memory_space<hbm>>) dst(%arg7 : memref<64x1x512xf32, #tpu.memory_space<vmem>>)
    %add3A_925 = arith.constant 192 : i32
    %add3A_926 = arith.addi %mul3A_2, %add3A_925 : i32
    %dma_start3A_927 = arith.constant 4 : i32
    %dma_start3A_928 = arith.constant 0 : i32
    %dma_start3A_929 = tpu.memref_slice %arg4[%add3A_926, %dma_start3A_927, %dma_start3A_928] : memref<16384x6x512xf32, #tpu.memory_space<hbm>> -> memref<64x1x512xf32, #tpu.memory_space<hbm>>
    %dma_start3A_930 = arith.constant 4 : i32
    %dma_start3A_931 = arith.constant 0 : i32
    %dma_start3A_932 = tpu.memref_slice %arg4[%add3A_926, %dma_start3A_930, %dma_start3A_931] : memref<16384x6x512xf32, #tpu.memory_space<hbm>> -> memref<64x1x512xf32, #tpu.memory_space<hbm>>
    tpu.enqueue_dma source(%arg7 : memref<64x1x512xf32, #tpu.memory_space<vmem>>) target(%dma_start3A_932 : memref<64x1x512xf32, #tpu.memory_space<hbm>>) target_semaphore(%arg11 : memref<!tpu.dma_semaphore, #tpu.memory_space<semaphore_mem>>)
    %dma_wait3A_933 = arith.constant 4 : i32
    %dma_wait3A_934 = arith.constant 0 : i32
    %dma_wait3A_935 = tpu.memref_slice %arg4[%add3A_902, %dma_wait3A_933, %dma_wait3A_934] : memref<16384x6x512xf32, #tpu.memory_space<hbm>> -> memref<64x1x512xf32, #tpu.memory_space<hbm>>
    %dma_wait3A_936 = arith.constant 4 : i32
    %dma_wait3A_937 = arith.constant 0 : i32
    %dma_wait3A_938 = tpu.memref_slice %arg4[%add3A_902, %dma_wait3A_936, %dma_wait3A_937] : memref<16384x6x512xf32, #tpu.memory_space<hbm>> -> memref<64x1x512xf32, #tpu.memory_space<hbm>>
    tpu.wait_dma2 semaphore(%arg10 : memref<!tpu.dma_semaphore, #tpu.memory_space<semaphore_mem>>) src(%arg6 : memref<64x1x512xf32, #tpu.memory_space<vmem>>) dst(%dma_wait3A_938 : memref<64x1x512xf32, #tpu.memory_space<hbm>>)
    %add3A_939 = arith.constant 256 : i32
    %add3A_940 = arith.addi %mul3A_2, %add3A_939 : i32
    %dma_start3A_941 = arith.constant 0 : i32
    %dma_start3A_942 = tpu.memref_slice %arg2[%add3A_940, %reduce_max3A_68, %dma_start3A_941] : memref<16384x6x512xf32, #tpu.memory_space<hbm>> -> memref<64x1x512xf32, #tpu.memory_space<hbm>>
    %dma_start3A_943 = arith.constant 0 : i32
    %dma_start3A_944 = tpu.memref_slice %arg2[%add3A_940, %reduce_max3A_68, %dma_start3A_943] : memref<16384x6x512xf32, #tpu.memory_space<hbm>> -> memref<64x1x512xf32, #tpu.memory_space<hbm>>
    tpu.enqueue_dma source(%dma_start3A_944 : memref<64x1x512xf32, #tpu.memory_space<hbm>>) target(%arg6 : memref<64x1x512xf32, #tpu.memory_space<vmem>>) target_semaphore(%arg8 : memref<!tpu.dma_semaphore, #tpu.memory_space<semaphore_mem>>)
    %dma_wait3A_945 = arith.constant 0 : i32
    %dma_wait3A_946 = tpu.memref_slice %arg2[%add3A_940, %reduce_max3A_68, %dma_wait3A_945] : memref<16384x6x512xf32, #tpu.memory_space<hbm>> -> memref<64x1x512xf32, #tpu.memory_space<hbm>>
    %dma_wait3A_947 = arith.constant 0 : i32
    %dma_wait3A_948 = tpu.memref_slice %arg2[%add3A_940, %reduce_max3A_68, %dma_wait3A_947] : memref<16384x6x512xf32, #tpu.memory_space<hbm>> -> memref<64x1x512xf32, #tpu.memory_space<hbm>>
    tpu.wait_dma2 semaphore(%arg8 : memref<!tpu.dma_semaphore, #tpu.memory_space<semaphore_mem>>) src(%dma_wait3A_948 : memref<64x1x512xf32, #tpu.memory_space<hbm>>) dst(%arg6 : memref<64x1x512xf32, #tpu.memory_space<vmem>>)
    %add3A_949 = arith.constant 256 : i32
    %add3A_950 = arith.addi %mul3A_2, %add3A_949 : i32
    %dma_start3A_951 = arith.constant 4 : i32
    %dma_start3A_952 = arith.constant 0 : i32
    %dma_start3A_953 = tpu.memref_slice %arg4[%add3A_950, %dma_start3A_951, %dma_start3A_952] : memref<16384x6x512xf32, #tpu.memory_space<hbm>> -> memref<64x1x512xf32, #tpu.memory_space<hbm>>
    %dma_start3A_954 = arith.constant 4 : i32
    %dma_start3A_955 = arith.constant 0 : i32
    %dma_start3A_956 = tpu.memref_slice %arg4[%add3A_950, %dma_start3A_954, %dma_start3A_955] : memref<16384x6x512xf32, #tpu.memory_space<hbm>> -> memref<64x1x512xf32, #tpu.memory_space<hbm>>
    tpu.enqueue_dma source(%arg6 : memref<64x1x512xf32, #tpu.memory_space<vmem>>) target(%dma_start3A_956 : memref<64x1x512xf32, #tpu.memory_space<hbm>>) target_semaphore(%arg10 : memref<!tpu.dma_semaphore, #tpu.memory_space<semaphore_mem>>)
    %dma_wait3A_957 = arith.constant 4 : i32
    %dma_wait3A_958 = arith.constant 0 : i32
    %dma_wait3A_959 = tpu.memref_slice %arg4[%add3A_926, %dma_wait3A_957, %dma_wait3A_958] : memref<16384x6x512xf32, #tpu.memory_space<hbm>> -> memref<64x1x512xf32, #tpu.memory_space<hbm>>
    %dma_wait3A_960 = arith.constant 4 : i32
    %dma_wait3A_961 = arith.constant 0 : i32
    %dma_wait3A_962 = tpu.memref_slice %arg4[%add3A_926, %dma_wait3A_960, %dma_wait3A_961] : memref<16384x6x512xf32, #tpu.memory_space<hbm>> -> memref<64x1x512xf32, #tpu.memory_space<hbm>>
    tpu.wait_dma2 semaphore(%arg11 : memref<!tpu.dma_semaphore, #tpu.memory_space<semaphore_mem>>) src(%arg7 : memref<64x1x512xf32, #tpu.memory_space<vmem>>) dst(%dma_wait3A_962 : memref<64x1x512xf32, #tpu.memory_space<hbm>>)
    %add3A_963 = arith.constant 320 : i32
    %add3A_964 = arith.addi %mul3A_2, %add3A_963 : i32
    %dma_start3A_965 = arith.constant 0 : i32
    %dma_start3A_966 = tpu.memref_slice %arg2[%add3A_964, %reduce_max3A_68, %dma_start3A_965] : memref<16384x6x512xf32, #tpu.memory_space<hbm>> -> memref<64x1x512xf32, #tpu.memory_space<hbm>>
    %dma_start3A_967 = arith.constant 0 : i32
    %dma_start3A_968 = tpu.memref_slice %arg2[%add3A_964, %reduce_max3A_68, %dma_start3A_967] : memref<16384x6x512xf32, #tpu.memory_space<hbm>> -> memref<64x1x512xf32, #tpu.memory_space<hbm>>
    tpu.enqueue_dma source(%dma_start3A_968 : memref<64x1x512xf32, #tpu.memory_space<hbm>>) target(%arg7 : memref<64x1x512xf32, #tpu.memory_space<vmem>>) target_semaphore(%arg9 : memref<!tpu.dma_semaphore, #tpu.memory_space<semaphore_mem>>)
    %dma_wait3A_969 = arith.constant 0 : i32
    %dma_wait3A_970 = tpu.memref_slice %arg2[%add3A_964, %reduce_max3A_68, %dma_wait3A_969] : memref<16384x6x512xf32, #tpu.memory_space<hbm>> -> memref<64x1x512xf32, #tpu.memory_space<hbm>>
    %dma_wait3A_971 = arith.constant 0 : i32
    %dma_wait3A_972 = tpu.memref_slice %arg2[%add3A_964, %reduce_max3A_68, %dma_wait3A_971] : memref<16384x6x512xf32, #tpu.memory_space<hbm>> -> memref<64x1x512xf32, #tpu.memory_space<hbm>>
    tpu.wait_dma2 semaphore(%arg9 : memref<!tpu.dma_semaphore, #tpu.memory_space<semaphore_mem>>) src(%dma_wait3A_972 : memref<64x1x512xf32, #tpu.memory_space<hbm>>) dst(%arg7 : memref<64x1x512xf32, #tpu.memory_space<vmem>>)
    %add3A_973 = arith.constant 320 : i32
    %add3A_974 = arith.addi %mul3A_2, %add3A_973 : i32
    %dma_start3A_975 = arith.constant 4 : i32
    %dma_start3A_976 = arith.constant 0 : i32
    %dma_start3A_977 = tpu.memref_slice %arg4[%add3A_974, %dma_start3A_975, %dma_start3A_976] : memref<16384x6x512xf32, #tpu.memory_space<hbm>> -> memref<64x1x512xf32, #tpu.memory_space<hbm>>
    %dma_start3A_978 = arith.constant 4 : i32
    %dma_start3A_979 = arith.constant 0 : i32
    %dma_start3A_980 = tpu.memref_slice %arg4[%add3A_974, %dma_start3A_978, %dma_start3A_979] : memref<16384x6x512xf32, #tpu.memory_space<hbm>> -> memref<64x1x512xf32, #tpu.memory_space<hbm>>
    tpu.enqueue_dma source(%arg7 : memref<64x1x512xf32, #tpu.memory_space<vmem>>) target(%dma_start3A_980 : memref<64x1x512xf32, #tpu.memory_space<hbm>>) target_semaphore(%arg11 : memref<!tpu.dma_semaphore, #tpu.memory_space<semaphore_mem>>)
    %dma_wait3A_981 = arith.constant 4 : i32
    %dma_wait3A_982 = arith.constant 0 : i32
    %dma_wait3A_983 = tpu.memref_slice %arg4[%add3A_950, %dma_wait3A_981, %dma_wait3A_982] : memref<16384x6x512xf32, #tpu.memory_space<hbm>> -> memref<64x1x512xf32, #tpu.memory_space<hbm>>
    %dma_wait3A_984 = arith.constant 4 : i32
    %dma_wait3A_985 = arith.constant 0 : i32
    %dma_wait3A_986 = tpu.memref_slice %arg4[%add3A_950, %dma_wait3A_984, %dma_wait3A_985] : memref<16384x6x512xf32, #tpu.memory_space<hbm>> -> memref<64x1x512xf32, #tpu.memory_space<hbm>>
    tpu.wait_dma2 semaphore(%arg10 : memref<!tpu.dma_semaphore, #tpu.memory_space<semaphore_mem>>) src(%arg6 : memref<64x1x512xf32, #tpu.memory_space<vmem>>) dst(%dma_wait3A_986 : memref<64x1x512xf32, #tpu.memory_space<hbm>>)
    %add3A_987 = arith.constant 384 : i32
    %add3A_988 = arith.addi %mul3A_2, %add3A_987 : i32
    %dma_start3A_989 = arith.constant 0 : i32
    %dma_start3A_990 = tpu.memref_slice %arg2[%add3A_988, %reduce_max3A_68, %dma_start3A_989] : memref<16384x6x512xf32, #tpu.memory_space<hbm>> -> memref<64x1x512xf32, #tpu.memory_space<hbm>>
    %dma_start3A_991 = arith.constant 0 : i32
    %dma_start3A_992 = tpu.memref_slice %arg2[%add3A_988, %reduce_max3A_68, %dma_start3A_991] : memref<16384x6x512xf32, #tpu.memory_space<hbm>> -> memref<64x1x512xf32, #tpu.memory_space<hbm>>
    tpu.enqueue_dma source(%dma_start3A_992 : memref<64x1x512xf32, #tpu.memory_space<hbm>>) target(%arg6 : memref<64x1x512xf32, #tpu.memory_space<vmem>>) target_semaphore(%arg8 : memref<!tpu.dma_semaphore, #tpu.memory_space<semaphore_mem>>)
    %dma_wait3A_993 = arith.constant 0 : i32
    %dma_wait3A_994 = tpu.memref_slice %arg2[%add3A_988, %reduce_max3A_68, %dma_wait3A_993] : memref<16384x6x512xf32, #tpu.memory_space<hbm>> -> memref<64x1x512xf32, #tpu.memory_space<hbm>>
    %dma_wait3A_995 = arith.constant 0 : i32
    %dma_wait3A_996 = tpu.memref_slice %arg2[%add3A_988, %reduce_max3A_68, %dma_wait3A_995] : memref<16384x6x512xf32, #tpu.memory_space<hbm>> -> memref<64x1x512xf32, #tpu.memory_space<hbm>>
    tpu.wait_dma2 semaphore(%arg8 : memref<!tpu.dma_semaphore, #tpu.memory_space<semaphore_mem>>) src(%dma_wait3A_996 : memref<64x1x512xf32, #tpu.memory_space<hbm>>) dst(%arg6 : memref<64x1x512xf32, #tpu.memory_space<vmem>>)
    %add3A_997 = arith.constant 384 : i32
    %add3A_998 = arith.addi %mul3A_2, %add3A_997 : i32
    %dma_start3A_999 = arith.constant 4 : i32
    %dma_start3A_1000 = arith.constant 0 : i32
    %dma_start3A_1001 = tpu.memref_slice %arg4[%add3A_998, %dma_start3A_999, %dma_start3A_1000] : memref<16384x6x512xf32, #tpu.memory_space<hbm>> -> memref<64x1x512xf32, #tpu.memory_space<hbm>>
    %dma_start3A_1002 = arith.constant 4 : i32
    %dma_start3A_1003 = arith.constant 0 : i32
    %dma_start3A_1004 = tpu.memref_slice %arg4[%add3A_998, %dma_start3A_1002, %dma_start3A_1003] : memref<16384x6x512xf32, #tpu.memory_space<hbm>> -> memref<64x1x512xf32, #tpu.memory_space<hbm>>
    tpu.enqueue_dma source(%arg6 : memref<64x1x512xf32, #tpu.memory_space<vmem>>) target(%dma_start3A_1004 : memref<64x1x512xf32, #tpu.memory_space<hbm>>) target_semaphore(%arg10 : memref<!tpu.dma_semaphore, #tpu.memory_space<semaphore_mem>>)
    %dma_wait3A_1005 = arith.constant 4 : i32
    %dma_wait3A_1006 = arith.constant 0 : i32
    %dma_wait3A_1007 = tpu.memref_slice %arg4[%add3A_974, %dma_wait3A_1005, %dma_wait3A_1006] : memref<16384x6x512xf32, #tpu.memory_space<hbm>> -> memref<64x1x512xf32, #tpu.memory_space<hbm>>
    %dma_wait3A_1008 = arith.constant 4 : i32
    %dma_wait3A_1009 = arith.constant 0 : i32
    %dma_wait3A_1010 = tpu.memref_slice %arg4[%add3A_974, %dma_wait3A_1008, %dma_wait3A_1009] : memref<16384x6x512xf32, #tpu.memory_space<hbm>> -> memref<64x1x512xf32, #tpu.memory_space<hbm>>
    tpu.wait_dma2 semaphore(%arg11 : memref<!tpu.dma_semaphore, #tpu.memory_space<semaphore_mem>>) src(%arg7 : memref<64x1x512xf32, #tpu.memory_space<vmem>>) dst(%dma_wait3A_1010 : memref<64x1x512xf32, #tpu.memory_space<hbm>>)
    %add3A_1011 = arith.constant 448 : i32
    %add3A_1012 = arith.addi %mul3A_2, %add3A_1011 : i32
    %dma_start3A_1013 = arith.constant 0 : i32
    %dma_start3A_1014 = tpu.memref_slice %arg2[%add3A_1012, %reduce_max3A_68, %dma_start3A_1013] : memref<16384x6x512xf32, #tpu.memory_space<hbm>> -> memref<64x1x512xf32, #tpu.memory_space<hbm>>
    %dma_start3A_1015 = arith.constant 0 : i32
    %dma_start3A_1016 = tpu.memref_slice %arg2[%add3A_1012, %reduce_max3A_68, %dma_start3A_1015] : memref<16384x6x512xf32, #tpu.memory_space<hbm>> -> memref<64x1x512xf32, #tpu.memory_space<hbm>>
    tpu.enqueue_dma source(%dma_start3A_1016 : memref<64x1x512xf32, #tpu.memory_space<hbm>>) target(%arg7 : memref<64x1x512xf32, #tpu.memory_space<vmem>>) target_semaphore(%arg9 : memref<!tpu.dma_semaphore, #tpu.memory_space<semaphore_mem>>)
    %dma_wait3A_1017 = arith.constant 0 : i32
    %dma_wait3A_1018 = tpu.memref_slice %arg2[%add3A_1012, %reduce_max3A_68, %dma_wait3A_1017] : memref<16384x6x512xf32, #tpu.memory_space<hbm>> -> memref<64x1x512xf32, #tpu.memory_space<hbm>>
    %dma_wait3A_1019 = arith.constant 0 : i32
    %dma_wait3A_1020 = tpu.memref_slice %arg2[%add3A_1012, %reduce_max3A_68, %dma_wait3A_1019] : memref<16384x6x512xf32, #tpu.memory_space<hbm>> -> memref<64x1x512xf32, #tpu.memory_space<hbm>>
    tpu.wait_dma2 semaphore(%arg9 : memref<!tpu.dma_semaphore, #tpu.memory_space<semaphore_mem>>) src(%dma_wait3A_1020 : memref<64x1x512xf32, #tpu.memory_space<hbm>>) dst(%arg7 : memref<64x1x512xf32, #tpu.memory_space<vmem>>)
    %add3A_1021 = arith.constant 448 : i32
    %add3A_1022 = arith.addi %mul3A_2, %add3A_1021 : i32
    %dma_start3A_1023 = arith.constant 4 : i32
    %dma_start3A_1024 = arith.constant 0 : i32
    %dma_start3A_1025 = tpu.memref_slice %arg4[%add3A_1022, %dma_start3A_1023, %dma_start3A_1024] : memref<16384x6x512xf32, #tpu.memory_space<hbm>> -> memref<64x1x512xf32, #tpu.memory_space<hbm>>
    %dma_start3A_1026 = arith.constant 4 : i32
    %dma_start3A_1027 = arith.constant 0 : i32
    %dma_start3A_1028 = tpu.memref_slice %arg4[%add3A_1022, %dma_start3A_1026, %dma_start3A_1027] : memref<16384x6x512xf32, #tpu.memory_space<hbm>> -> memref<64x1x512xf32, #tpu.memory_space<hbm>>
    tpu.enqueue_dma source(%arg7 : memref<64x1x512xf32, #tpu.memory_space<vmem>>) target(%dma_start3A_1028 : memref<64x1x512xf32, #tpu.memory_space<hbm>>) target_semaphore(%arg11 : memref<!tpu.dma_semaphore, #tpu.memory_space<semaphore_mem>>)
    %dma_wait3A_1029 = arith.constant 4 : i32
    %dma_wait3A_1030 = arith.constant 0 : i32
    %dma_wait3A_1031 = tpu.memref_slice %arg4[%add3A_998, %dma_wait3A_1029, %dma_wait3A_1030] : memref<16384x6x512xf32, #tpu.memory_space<hbm>> -> memref<64x1x512xf32, #tpu.memory_space<hbm>>
    %dma_wait3A_1032 = arith.constant 4 : i32
    %dma_wait3A_1033 = arith.constant 0 : i32
    %dma_wait3A_1034 = tpu.memref_slice %arg4[%add3A_998, %dma_wait3A_1032, %dma_wait3A_1033] : memref<16384x6x512xf32, #tpu.memory_space<hbm>> -> memref<64x1x512xf32, #tpu.memory_space<hbm>>
    tpu.wait_dma2 semaphore(%arg10 : memref<!tpu.dma_semaphore, #tpu.memory_space<semaphore_mem>>) src(%arg6 : memref<64x1x512xf32, #tpu.memory_space<vmem>>) dst(%dma_wait3A_1034 : memref<64x1x512xf32, #tpu.memory_space<hbm>>)
    %add3A_1035 = arith.constant 0 : i32
    %add3A_1036 = arith.addi %mul3A_2, %add3A_1035 : i32
    %dma_start3A_1037 = arith.constant 0 : i32
    %dma_start3A_1038 = tpu.memref_slice %arg2[%add3A_1036, %reduce_max3A_82, %dma_start3A_1037] : memref<16384x6x512xf32, #tpu.memory_space<hbm>> -> memref<64x1x512xf32, #tpu.memory_space<hbm>>
    %dma_start3A_1039 = arith.constant 0 : i32
    %dma_start3A_1040 = tpu.memref_slice %arg2[%add3A_1036, %reduce_max3A_82, %dma_start3A_1039] : memref<16384x6x512xf32, #tpu.memory_space<hbm>> -> memref<64x1x512xf32, #tpu.memory_space<hbm>>
    tpu.enqueue_dma source(%dma_start3A_1040 : memref<64x1x512xf32, #tpu.memory_space<hbm>>) target(%arg6 : memref<64x1x512xf32, #tpu.memory_space<vmem>>) target_semaphore(%arg8 : memref<!tpu.dma_semaphore, #tpu.memory_space<semaphore_mem>>)
    %dma_wait3A_1041 = arith.constant 0 : i32
    %dma_wait3A_1042 = tpu.memref_slice %arg2[%add3A_1036, %reduce_max3A_82, %dma_wait3A_1041] : memref<16384x6x512xf32, #tpu.memory_space<hbm>> -> memref<64x1x512xf32, #tpu.memory_space<hbm>>
    %dma_wait3A_1043 = arith.constant 0 : i32
    %dma_wait3A_1044 = tpu.memref_slice %arg2[%add3A_1036, %reduce_max3A_82, %dma_wait3A_1043] : memref<16384x6x512xf32, #tpu.memory_space<hbm>> -> memref<64x1x512xf32, #tpu.memory_space<hbm>>
    tpu.wait_dma2 semaphore(%arg8 : memref<!tpu.dma_semaphore, #tpu.memory_space<semaphore_mem>>) src(%dma_wait3A_1044 : memref<64x1x512xf32, #tpu.memory_space<hbm>>) dst(%arg6 : memref<64x1x512xf32, #tpu.memory_space<vmem>>)
    %add3A_1045 = arith.constant 0 : i32
    %add3A_1046 = arith.addi %mul3A_2, %add3A_1045 : i32
    %dma_start3A_1047 = arith.constant 5 : i32
    %dma_start3A_1048 = arith.constant 0 : i32
    %dma_start3A_1049 = tpu.memref_slice %arg4[%add3A_1046, %dma_start3A_1047, %dma_start3A_1048] : memref<16384x6x512xf32, #tpu.memory_space<hbm>> -> memref<64x1x512xf32, #tpu.memory_space<hbm>>
    %dma_start3A_1050 = arith.constant 5 : i32
    %dma_start3A_1051 = arith.constant 0 : i32
    %dma_start3A_1052 = tpu.memref_slice %arg4[%add3A_1046, %dma_start3A_1050, %dma_start3A_1051] : memref<16384x6x512xf32, #tpu.memory_space<hbm>> -> memref<64x1x512xf32, #tpu.memory_space<hbm>>
    tpu.enqueue_dma source(%arg6 : memref<64x1x512xf32, #tpu.memory_space<vmem>>) target(%dma_start3A_1052 : memref<64x1x512xf32, #tpu.memory_space<hbm>>) target_semaphore(%arg10 : memref<!tpu.dma_semaphore, #tpu.memory_space<semaphore_mem>>)
    %dma_wait3A_1053 = arith.constant 4 : i32
    %dma_wait3A_1054 = arith.constant 0 : i32
    %dma_wait3A_1055 = tpu.memref_slice %arg4[%add3A_1022, %dma_wait3A_1053, %dma_wait3A_1054] : memref<16384x6x512xf32, #tpu.memory_space<hbm>> -> memref<64x1x512xf32, #tpu.memory_space<hbm>>
    %dma_wait3A_1056 = arith.constant 4 : i32
    %dma_wait3A_1057 = arith.constant 0 : i32
    %dma_wait3A_1058 = tpu.memref_slice %arg4[%add3A_1022, %dma_wait3A_1056, %dma_wait3A_1057] : memref<16384x6x512xf32, #tpu.memory_space<hbm>> -> memref<64x1x512xf32, #tpu.memory_space<hbm>>
    tpu.wait_dma2 semaphore(%arg11 : memref<!tpu.dma_semaphore, #tpu.memory_space<semaphore_mem>>) src(%arg7 : memref<64x1x512xf32, #tpu.memory_space<vmem>>) dst(%dma_wait3A_1058 : memref<64x1x512xf32, #tpu.memory_space<hbm>>)
    %add3A_1059 = arith.constant 64 : i32
    %add3A_1060 = arith.addi %mul3A_2, %add3A_1059 : i32
    %dma_start3A_1061 = arith.constant 0 : i32
    %dma_start3A_1062 = tpu.memref_slice %arg2[%add3A_1060, %reduce_max3A_82, %dma_start3A_1061] : memref<16384x6x512xf32, #tpu.memory_space<hbm>> -> memref<64x1x512xf32, #tpu.memory_space<hbm>>
    %dma_start3A_1063 = arith.constant 0 : i32
    %dma_start3A_1064 = tpu.memref_slice %arg2[%add3A_1060, %reduce_max3A_82, %dma_start3A_1063] : memref<16384x6x512xf32, #tpu.memory_space<hbm>> -> memref<64x1x512xf32, #tpu.memory_space<hbm>>
    tpu.enqueue_dma source(%dma_start3A_1064 : memref<64x1x512xf32, #tpu.memory_space<hbm>>) target(%arg7 : memref<64x1x512xf32, #tpu.memory_space<vmem>>) target_semaphore(%arg9 : memref<!tpu.dma_semaphore, #tpu.memory_space<semaphore_mem>>)
    %dma_wait3A_1065 = arith.constant 0 : i32
    %dma_wait3A_1066 = tpu.memref_slice %arg2[%add3A_1060, %reduce_max3A_82, %dma_wait3A_1065] : memref<16384x6x512xf32, #tpu.memory_space<hbm>> -> memref<64x1x512xf32, #tpu.memory_space<hbm>>
    %dma_wait3A_1067 = arith.constant 0 : i32
    %dma_wait3A_1068 = tpu.memref_slice %arg2[%add3A_1060, %reduce_max3A_82, %dma_wait3A_1067] : memref<16384x6x512xf32, #tpu.memory_space<hbm>> -> memref<64x1x512xf32, #tpu.memory_space<hbm>>
    tpu.wait_dma2 semaphore(%arg9 : memref<!tpu.dma_semaphore, #tpu.memory_space<semaphore_mem>>) src(%dma_wait3A_1068 : memref<64x1x512xf32, #tpu.memory_space<hbm>>) dst(%arg7 : memref<64x1x512xf32, #tpu.memory_space<vmem>>)
    %add3A_1069 = arith.constant 64 : i32
    %add3A_1070 = arith.addi %mul3A_2, %add3A_1069 : i32
    %dma_start3A_1071 = arith.constant 5 : i32
    %dma_start3A_1072 = arith.constant 0 : i32
    %dma_start3A_1073 = tpu.memref_slice %arg4[%add3A_1070, %dma_start3A_1071, %dma_start3A_1072] : memref<16384x6x512xf32, #tpu.memory_space<hbm>> -> memref<64x1x512xf32, #tpu.memory_space<hbm>>
    %dma_start3A_1074 = arith.constant 5 : i32
    %dma_start3A_1075 = arith.constant 0 : i32
    %dma_start3A_1076 = tpu.memref_slice %arg4[%add3A_1070, %dma_start3A_1074, %dma_start3A_1075] : memref<16384x6x512xf32, #tpu.memory_space<hbm>> -> memref<64x1x512xf32, #tpu.memory_space<hbm>>
    tpu.enqueue_dma source(%arg7 : memref<64x1x512xf32, #tpu.memory_space<vmem>>) target(%dma_start3A_1076 : memref<64x1x512xf32, #tpu.memory_space<hbm>>) target_semaphore(%arg11 : memref<!tpu.dma_semaphore, #tpu.memory_space<semaphore_mem>>)
    %dma_wait3A_1077 = arith.constant 5 : i32
    %dma_wait3A_1078 = arith.constant 0 : i32
    %dma_wait3A_1079 = tpu.memref_slice %arg4[%add3A_1046, %dma_wait3A_1077, %dma_wait3A_1078] : memref<16384x6x512xf32, #tpu.memory_space<hbm>> -> memref<64x1x512xf32, #tpu.memory_space<hbm>>
    %dma_wait3A_1080 = arith.constant 5 : i32
    %dma_wait3A_1081 = arith.constant 0 : i32
    %dma_wait3A_1082 = tpu.memref_slice %arg4[%add3A_1046, %dma_wait3A_1080, %dma_wait3A_1081] : memref<16384x6x512xf32, #tpu.memory_space<hbm>> -> memref<64x1x512xf32, #tpu.memory_space<hbm>>
    tpu.wait_dma2 semaphore(%arg10 : memref<!tpu.dma_semaphore, #tpu.memory_space<semaphore_mem>>) src(%arg6 : memref<64x1x512xf32, #tpu.memory_space<vmem>>) dst(%dma_wait3A_1082 : memref<64x1x512xf32, #tpu.memory_space<hbm>>)
    %add3A_1083 = arith.constant 128 : i32
    %add3A_1084 = arith.addi %mul3A_2, %add3A_1083 : i32
    %dma_start3A_1085 = arith.constant 0 : i32
    %dma_start3A_1086 = tpu.memref_slice %arg2[%add3A_1084, %reduce_max3A_82, %dma_start3A_1085] : memref<16384x6x512xf32, #tpu.memory_space<hbm>> -> memref<64x1x512xf32, #tpu.memory_space<hbm>>
    %dma_start3A_1087 = arith.constant 0 : i32
    %dma_start3A_1088 = tpu.memref_slice %arg2[%add3A_1084, %reduce_max3A_82, %dma_start3A_1087] : memref<16384x6x512xf32, #tpu.memory_space<hbm>> -> memref<64x1x512xf32, #tpu.memory_space<hbm>>
    tpu.enqueue_dma source(%dma_start3A_1088 : memref<64x1x512xf32, #tpu.memory_space<hbm>>) target(%arg6 : memref<64x1x512xf32, #tpu.memory_space<vmem>>) target_semaphore(%arg8 : memref<!tpu.dma_semaphore, #tpu.memory_space<semaphore_mem>>)
    %dma_wait3A_1089 = arith.constant 0 : i32
    %dma_wait3A_1090 = tpu.memref_slice %arg2[%add3A_1084, %reduce_max3A_82, %dma_wait3A_1089] : memref<16384x6x512xf32, #tpu.memory_space<hbm>> -> memref<64x1x512xf32, #tpu.memory_space<hbm>>
    %dma_wait3A_1091 = arith.constant 0 : i32
    %dma_wait3A_1092 = tpu.memref_slice %arg2[%add3A_1084, %reduce_max3A_82, %dma_wait3A_1091] : memref<16384x6x512xf32, #tpu.memory_space<hbm>> -> memref<64x1x512xf32, #tpu.memory_space<hbm>>
    tpu.wait_dma2 semaphore(%arg8 : memref<!tpu.dma_semaphore, #tpu.memory_space<semaphore_mem>>) src(%dma_wait3A_1092 : memref<64x1x512xf32, #tpu.memory_space<hbm>>) dst(%arg6 : memref<64x1x512xf32, #tpu.memory_space<vmem>>)
    %add3A_1093 = arith.constant 128 : i32
    %add3A_1094 = arith.addi %mul3A_2, %add3A_1093 : i32
    %dma_start3A_1095 = arith.constant 5 : i32
    %dma_start3A_1096 = arith.constant 0 : i32
    %dma_start3A_1097 = tpu.memref_slice %arg4[%add3A_1094, %dma_start3A_1095, %dma_start3A_1096] : memref<16384x6x512xf32, #tpu.memory_space<hbm>> -> memref<64x1x512xf32, #tpu.memory_space<hbm>>
    %dma_start3A_1098 = arith.constant 5 : i32
    %dma_start3A_1099 = arith.constant 0 : i32
    %dma_start3A_1100 = tpu.memref_slice %arg4[%add3A_1094, %dma_start3A_1098, %dma_start3A_1099] : memref<16384x6x512xf32, #tpu.memory_space<hbm>> -> memref<64x1x512xf32, #tpu.memory_space<hbm>>
    tpu.enqueue_dma source(%arg6 : memref<64x1x512xf32, #tpu.memory_space<vmem>>) target(%dma_start3A_1100 : memref<64x1x512xf32, #tpu.memory_space<hbm>>) target_semaphore(%arg10 : memref<!tpu.dma_semaphore, #tpu.memory_space<semaphore_mem>>)
    %dma_wait3A_1101 = arith.constant 5 : i32
    %dma_wait3A_1102 = arith.constant 0 : i32
    %dma_wait3A_1103 = tpu.memref_slice %arg4[%add3A_1070, %dma_wait3A_1101, %dma_wait3A_1102] : memref<16384x6x512xf32, #tpu.memory_space<hbm>> -> memref<64x1x512xf32, #tpu.memory_space<hbm>>
    %dma_wait3A_1104 = arith.constant 5 : i32
    %dma_wait3A_1105 = arith.constant 0 : i32
    %dma_wait3A_1106 = tpu.memref_slice %arg4[%add3A_1070, %dma_wait3A_1104, %dma_wait3A_1105] : memref<16384x6x512xf32, #tpu.memory_space<hbm>> -> memref<64x1x512xf32, #tpu.memory_space<hbm>>
    tpu.wait_dma2 semaphore(%arg11 : memref<!tpu.dma_semaphore, #tpu.memory_space<semaphore_mem>>) src(%arg7 : memref<64x1x512xf32, #tpu.memory_space<vmem>>) dst(%dma_wait3A_1106 : memref<64x1x512xf32, #tpu.memory_space<hbm>>)
    %add3A_1107 = arith.constant 192 : i32
    %add3A_1108 = arith.addi %mul3A_2, %add3A_1107 : i32
    %dma_start3A_1109 = arith.constant 0 : i32
    %dma_start3A_1110 = tpu.memref_slice %arg2[%add3A_1108, %reduce_max3A_82, %dma_start3A_1109] : memref<16384x6x512xf32, #tpu.memory_space<hbm>> -> memref<64x1x512xf32, #tpu.memory_space<hbm>>
    %dma_start3A_1111 = arith.constant 0 : i32
    %dma_start3A_1112 = tpu.memref_slice %arg2[%add3A_1108, %reduce_max3A_82, %dma_start3A_1111] : memref<16384x6x512xf32, #tpu.memory_space<hbm>> -> memref<64x1x512xf32, #tpu.memory_space<hbm>>
    tpu.enqueue_dma source(%dma_start3A_1112 : memref<64x1x512xf32, #tpu.memory_space<hbm>>) target(%arg7 : memref<64x1x512xf32, #tpu.memory_space<vmem>>) target_semaphore(%arg9 : memref<!tpu.dma_semaphore, #tpu.memory_space<semaphore_mem>>)
    %dma_wait3A_1113 = arith.constant 0 : i32
    %dma_wait3A_1114 = tpu.memref_slice %arg2[%add3A_1108, %reduce_max3A_82, %dma_wait3A_1113] : memref<16384x6x512xf32, #tpu.memory_space<hbm>> -> memref<64x1x512xf32, #tpu.memory_space<hbm>>
    %dma_wait3A_1115 = arith.constant 0 : i32
    %dma_wait3A_1116 = tpu.memref_slice %arg2[%add3A_1108, %reduce_max3A_82, %dma_wait3A_1115] : memref<16384x6x512xf32, #tpu.memory_space<hbm>> -> memref<64x1x512xf32, #tpu.memory_space<hbm>>
    tpu.wait_dma2 semaphore(%arg9 : memref<!tpu.dma_semaphore, #tpu.memory_space<semaphore_mem>>) src(%dma_wait3A_1116 : memref<64x1x512xf32, #tpu.memory_space<hbm>>) dst(%arg7 : memref<64x1x512xf32, #tpu.memory_space<vmem>>)
    %add3A_1117 = arith.constant 192 : i32
    %add3A_1118 = arith.addi %mul3A_2, %add3A_1117 : i32
    %dma_start3A_1119 = arith.constant 5 : i32
    %dma_start3A_1120 = arith.constant 0 : i32
    %dma_start3A_1121 = tpu.memref_slice %arg4[%add3A_1118, %dma_start3A_1119, %dma_start3A_1120] : memref<16384x6x512xf32, #tpu.memory_space<hbm>> -> memref<64x1x512xf32, #tpu.memory_space<hbm>>
    %dma_start3A_1122 = arith.constant 5 : i32
    %dma_start3A_1123 = arith.constant 0 : i32
    %dma_start3A_1124 = tpu.memref_slice %arg4[%add3A_1118, %dma_start3A_1122, %dma_start3A_1123] : memref<16384x6x512xf32, #tpu.memory_space<hbm>> -> memref<64x1x512xf32, #tpu.memory_space<hbm>>
    tpu.enqueue_dma source(%arg7 : memref<64x1x512xf32, #tpu.memory_space<vmem>>) target(%dma_start3A_1124 : memref<64x1x512xf32, #tpu.memory_space<hbm>>) target_semaphore(%arg11 : memref<!tpu.dma_semaphore, #tpu.memory_space<semaphore_mem>>)
    %dma_wait3A_1125 = arith.constant 5 : i32
    %dma_wait3A_1126 = arith.constant 0 : i32
    %dma_wait3A_1127 = tpu.memref_slice %arg4[%add3A_1094, %dma_wait3A_1125, %dma_wait3A_1126] : memref<16384x6x512xf32, #tpu.memory_space<hbm>> -> memref<64x1x512xf32, #tpu.memory_space<hbm>>
    %dma_wait3A_1128 = arith.constant 5 : i32
    %dma_wait3A_1129 = arith.constant 0 : i32
    %dma_wait3A_1130 = tpu.memref_slice %arg4[%add3A_1094, %dma_wait3A_1128, %dma_wait3A_1129] : memref<16384x6x512xf32, #tpu.memory_space<hbm>> -> memref<64x1x512xf32, #tpu.memory_space<hbm>>
    tpu.wait_dma2 semaphore(%arg10 : memref<!tpu.dma_semaphore, #tpu.memory_space<semaphore_mem>>) src(%arg6 : memref<64x1x512xf32, #tpu.memory_space<vmem>>) dst(%dma_wait3A_1130 : memref<64x1x512xf32, #tpu.memory_space<hbm>>)
    %add3A_1131 = arith.constant 256 : i32
    %add3A_1132 = arith.addi %mul3A_2, %add3A_1131 : i32
    %dma_start3A_1133 = arith.constant 0 : i32
    %dma_start3A_1134 = tpu.memref_slice %arg2[%add3A_1132, %reduce_max3A_82, %dma_start3A_1133] : memref<16384x6x512xf32, #tpu.memory_space<hbm>> -> memref<64x1x512xf32, #tpu.memory_space<hbm>>
    %dma_start3A_1135 = arith.constant 0 : i32
    %dma_start3A_1136 = tpu.memref_slice %arg2[%add3A_1132, %reduce_max3A_82, %dma_start3A_1135] : memref<16384x6x512xf32, #tpu.memory_space<hbm>> -> memref<64x1x512xf32, #tpu.memory_space<hbm>>
    tpu.enqueue_dma source(%dma_start3A_1136 : memref<64x1x512xf32, #tpu.memory_space<hbm>>) target(%arg6 : memref<64x1x512xf32, #tpu.memory_space<vmem>>) target_semaphore(%arg8 : memref<!tpu.dma_semaphore, #tpu.memory_space<semaphore_mem>>)
    %dma_wait3A_1137 = arith.constant 0 : i32
    %dma_wait3A_1138 = tpu.memref_slice %arg2[%add3A_1132, %reduce_max3A_82, %dma_wait3A_1137] : memref<16384x6x512xf32, #tpu.memory_space<hbm>> -> memref<64x1x512xf32, #tpu.memory_space<hbm>>
    %dma_wait3A_1139 = arith.constant 0 : i32
    %dma_wait3A_1140 = tpu.memref_slice %arg2[%add3A_1132, %reduce_max3A_82, %dma_wait3A_1139] : memref<16384x6x512xf32, #tpu.memory_space<hbm>> -> memref<64x1x512xf32, #tpu.memory_space<hbm>>
    tpu.wait_dma2 semaphore(%arg8 : memref<!tpu.dma_semaphore, #tpu.memory_space<semaphore_mem>>) src(%dma_wait3A_1140 : memref<64x1x512xf32, #tpu.memory_space<hbm>>) dst(%arg6 : memref<64x1x512xf32, #tpu.memory_space<vmem>>)
    %add3A_1141 = arith.constant 256 : i32
    %add3A_1142 = arith.addi %mul3A_2, %add3A_1141 : i32
    %dma_start3A_1143 = arith.constant 5 : i32
    %dma_start3A_1144 = arith.constant 0 : i32
    %dma_start3A_1145 = tpu.memref_slice %arg4[%add3A_1142, %dma_start3A_1143, %dma_start3A_1144] : memref<16384x6x512xf32, #tpu.memory_space<hbm>> -> memref<64x1x512xf32, #tpu.memory_space<hbm>>
    %dma_start3A_1146 = arith.constant 5 : i32
    %dma_start3A_1147 = arith.constant 0 : i32
    %dma_start3A_1148 = tpu.memref_slice %arg4[%add3A_1142, %dma_start3A_1146, %dma_start3A_1147] : memref<16384x6x512xf32, #tpu.memory_space<hbm>> -> memref<64x1x512xf32, #tpu.memory_space<hbm>>
    tpu.enqueue_dma source(%arg6 : memref<64x1x512xf32, #tpu.memory_space<vmem>>) target(%dma_start3A_1148 : memref<64x1x512xf32, #tpu.memory_space<hbm>>) target_semaphore(%arg10 : memref<!tpu.dma_semaphore, #tpu.memory_space<semaphore_mem>>)
    %dma_wait3A_1149 = arith.constant 5 : i32
    %dma_wait3A_1150 = arith.constant 0 : i32
    %dma_wait3A_1151 = tpu.memref_slice %arg4[%add3A_1118, %dma_wait3A_1149, %dma_wait3A_1150] : memref<16384x6x512xf32, #tpu.memory_space<hbm>> -> memref<64x1x512xf32, #tpu.memory_space<hbm>>
    %dma_wait3A_1152 = arith.constant 5 : i32
    %dma_wait3A_1153 = arith.constant 0 : i32
    %dma_wait3A_1154 = tpu.memref_slice %arg4[%add3A_1118, %dma_wait3A_1152, %dma_wait3A_1153] : memref<16384x6x512xf32, #tpu.memory_space<hbm>> -> memref<64x1x512xf32, #tpu.memory_space<hbm>>
    tpu.wait_dma2 semaphore(%arg11 : memref<!tpu.dma_semaphore, #tpu.memory_space<semaphore_mem>>) src(%arg7 : memref<64x1x512xf32, #tpu.memory_space<vmem>>) dst(%dma_wait3A_1154 : memref<64x1x512xf32, #tpu.memory_space<hbm>>)
    %add3A_1155 = arith.constant 320 : i32
    %add3A_1156 = arith.addi %mul3A_2, %add3A_1155 : i32
    %dma_start3A_1157 = arith.constant 0 : i32
    %dma_start3A_1158 = tpu.memref_slice %arg2[%add3A_1156, %reduce_max3A_82, %dma_start3A_1157] : memref<16384x6x512xf32, #tpu.memory_space<hbm>> -> memref<64x1x512xf32, #tpu.memory_space<hbm>>
    %dma_start3A_1159 = arith.constant 0 : i32
    %dma_start3A_1160 = tpu.memref_slice %arg2[%add3A_1156, %reduce_max3A_82, %dma_start3A_1159] : memref<16384x6x512xf32, #tpu.memory_space<hbm>> -> memref<64x1x512xf32, #tpu.memory_space<hbm>>
    tpu.enqueue_dma source(%dma_start3A_1160 : memref<64x1x512xf32, #tpu.memory_space<hbm>>) target(%arg7 : memref<64x1x512xf32, #tpu.memory_space<vmem>>) target_semaphore(%arg9 : memref<!tpu.dma_semaphore, #tpu.memory_space<semaphore_mem>>)
    %dma_wait3A_1161 = arith.constant 0 : i32
    %dma_wait3A_1162 = tpu.memref_slice %arg2[%add3A_1156, %reduce_max3A_82, %dma_wait3A_1161] : memref<16384x6x512xf32, #tpu.memory_space<hbm>> -> memref<64x1x512xf32, #tpu.memory_space<hbm>>
    %dma_wait3A_1163 = arith.constant 0 : i32
    %dma_wait3A_1164 = tpu.memref_slice %arg2[%add3A_1156, %reduce_max3A_82, %dma_wait3A_1163] : memref<16384x6x512xf32, #tpu.memory_space<hbm>> -> memref<64x1x512xf32, #tpu.memory_space<hbm>>
    tpu.wait_dma2 semaphore(%arg9 : memref<!tpu.dma_semaphore, #tpu.memory_space<semaphore_mem>>) src(%dma_wait3A_1164 : memref<64x1x512xf32, #tpu.memory_space<hbm>>) dst(%arg7 : memref<64x1x512xf32, #tpu.memory_space<vmem>>)
    %add3A_1165 = arith.constant 320 : i32
    %add3A_1166 = arith.addi %mul3A_2, %add3A_1165 : i32
    %dma_start3A_1167 = arith.constant 5 : i32
    %dma_start3A_1168 = arith.constant 0 : i32
    %dma_start3A_1169 = tpu.memref_slice %arg4[%add3A_1166, %dma_start3A_1167, %dma_start3A_1168] : memref<16384x6x512xf32, #tpu.memory_space<hbm>> -> memref<64x1x512xf32, #tpu.memory_space<hbm>>
    %dma_start3A_1170 = arith.constant 5 : i32
    %dma_start3A_1171 = arith.constant 0 : i32
    %dma_start3A_1172 = tpu.memref_slice %arg4[%add3A_1166, %dma_start3A_1170, %dma_start3A_1171] : memref<16384x6x512xf32, #tpu.memory_space<hbm>> -> memref<64x1x512xf32, #tpu.memory_space<hbm>>
    tpu.enqueue_dma source(%arg7 : memref<64x1x512xf32, #tpu.memory_space<vmem>>) target(%dma_start3A_1172 : memref<64x1x512xf32, #tpu.memory_space<hbm>>) target_semaphore(%arg11 : memref<!tpu.dma_semaphore, #tpu.memory_space<semaphore_mem>>)
    %dma_wait3A_1173 = arith.constant 5 : i32
    %dma_wait3A_1174 = arith.constant 0 : i32
    %dma_wait3A_1175 = tpu.memref_slice %arg4[%add3A_1142, %dma_wait3A_1173, %dma_wait3A_1174] : memref<16384x6x512xf32, #tpu.memory_space<hbm>> -> memref<64x1x512xf32, #tpu.memory_space<hbm>>
    %dma_wait3A_1176 = arith.constant 5 : i32
    %dma_wait3A_1177 = arith.constant 0 : i32
    %dma_wait3A_1178 = tpu.memref_slice %arg4[%add3A_1142, %dma_wait3A_1176, %dma_wait3A_1177] : memref<16384x6x512xf32, #tpu.memory_space<hbm>> -> memref<64x1x512xf32, #tpu.memory_space<hbm>>
    tpu.wait_dma2 semaphore(%arg10 : memref<!tpu.dma_semaphore, #tpu.memory_space<semaphore_mem>>) src(%arg6 : memref<64x1x512xf32, #tpu.memory_space<vmem>>) dst(%dma_wait3A_1178 : memref<64x1x512xf32, #tpu.memory_space<hbm>>)
    %add3A_1179 = arith.constant 384 : i32
    %add3A_1180 = arith.addi %mul3A_2, %add3A_1179 : i32
    %dma_start3A_1181 = arith.constant 0 : i32
    %dma_start3A_1182 = tpu.memref_slice %arg2[%add3A_1180, %reduce_max3A_82, %dma_start3A_1181] : memref<16384x6x512xf32, #tpu.memory_space<hbm>> -> memref<64x1x512xf32, #tpu.memory_space<hbm>>
    %dma_start3A_1183 = arith.constant 0 : i32
    %dma_start3A_1184 = tpu.memref_slice %arg2[%add3A_1180, %reduce_max3A_82, %dma_start3A_1183] : memref<16384x6x512xf32, #tpu.memory_space<hbm>> -> memref<64x1x512xf32, #tpu.memory_space<hbm>>
    tpu.enqueue_dma source(%dma_start3A_1184 : memref<64x1x512xf32, #tpu.memory_space<hbm>>) target(%arg6 : memref<64x1x512xf32, #tpu.memory_space<vmem>>) target_semaphore(%arg8 : memref<!tpu.dma_semaphore, #tpu.memory_space<semaphore_mem>>)
    %dma_wait3A_1185 = arith.constant 0 : i32
    %dma_wait3A_1186 = tpu.memref_slice %arg2[%add3A_1180, %reduce_max3A_82, %dma_wait3A_1185] : memref<16384x6x512xf32, #tpu.memory_space<hbm>> -> memref<64x1x512xf32, #tpu.memory_space<hbm>>
    %dma_wait3A_1187 = arith.constant 0 : i32
    %dma_wait3A_1188 = tpu.memref_slice %arg2[%add3A_1180, %reduce_max3A_82, %dma_wait3A_1187] : memref<16384x6x512xf32, #tpu.memory_space<hbm>> -> memref<64x1x512xf32, #tpu.memory_space<hbm>>
    tpu.wait_dma2 semaphore(%arg8 : memref<!tpu.dma_semaphore, #tpu.memory_space<semaphore_mem>>) src(%dma_wait3A_1188 : memref<64x1x512xf32, #tpu.memory_space<hbm>>) dst(%arg6 : memref<64x1x512xf32, #tpu.memory_space<vmem>>)
    %add3A_1189 = arith.constant 384 : i32
    %add3A_1190 = arith.addi %mul3A_2, %add3A_1189 : i32
    %dma_start3A_1191 = arith.constant 5 : i32
    %dma_start3A_1192 = arith.constant 0 : i32
    %dma_start3A_1193 = tpu.memref_slice %arg4[%add3A_1190, %dma_start3A_1191, %dma_start3A_1192] : memref<16384x6x512xf32, #tpu.memory_space<hbm>> -> memref<64x1x512xf32, #tpu.memory_space<hbm>>
    %dma_start3A_1194 = arith.constant 5 : i32
    %dma_start3A_1195 = arith.constant 0 : i32
    %dma_start3A_1196 = tpu.memref_slice %arg4[%add3A_1190, %dma_start3A_1194, %dma_start3A_1195] : memref<16384x6x512xf32, #tpu.memory_space<hbm>> -> memref<64x1x512xf32, #tpu.memory_space<hbm>>
    tpu.enqueue_dma source(%arg6 : memref<64x1x512xf32, #tpu.memory_space<vmem>>) target(%dma_start3A_1196 : memref<64x1x512xf32, #tpu.memory_space<hbm>>) target_semaphore(%arg10 : memref<!tpu.dma_semaphore, #tpu.memory_space<semaphore_mem>>)
    %dma_wait3A_1197 = arith.constant 5 : i32
    %dma_wait3A_1198 = arith.constant 0 : i32
    %dma_wait3A_1199 = tpu.memref_slice %arg4[%add3A_1166, %dma_wait3A_1197, %dma_wait3A_1198] : memref<16384x6x512xf32, #tpu.memory_space<hbm>> -> memref<64x1x512xf32, #tpu.memory_space<hbm>>
    %dma_wait3A_1200 = arith.constant 5 : i32
    %dma_wait3A_1201 = arith.constant 0 : i32
    %dma_wait3A_1202 = tpu.memref_slice %arg4[%add3A_1166, %dma_wait3A_1200, %dma_wait3A_1201] : memref<16384x6x512xf32, #tpu.memory_space<hbm>> -> memref<64x1x512xf32, #tpu.memory_space<hbm>>
    tpu.wait_dma2 semaphore(%arg11 : memref<!tpu.dma_semaphore, #tpu.memory_space<semaphore_mem>>) src(%arg7 : memref<64x1x512xf32, #tpu.memory_space<vmem>>) dst(%dma_wait3A_1202 : memref<64x1x512xf32, #tpu.memory_space<hbm>>)
    %add3A_1203 = arith.constant 448 : i32
    %add3A_1204 = arith.addi %mul3A_2, %add3A_1203 : i32
    %dma_start3A_1205 = arith.constant 0 : i32
    %dma_start3A_1206 = tpu.memref_slice %arg2[%add3A_1204, %reduce_max3A_82, %dma_start3A_1205] : memref<16384x6x512xf32, #tpu.memory_space<hbm>> -> memref<64x1x512xf32, #tpu.memory_space<hbm>>
    %dma_start3A_1207 = arith.constant 0 : i32
    %dma_start3A_1208 = tpu.memref_slice %arg2[%add3A_1204, %reduce_max3A_82, %dma_start3A_1207] : memref<16384x6x512xf32, #tpu.memory_space<hbm>> -> memref<64x1x512xf32, #tpu.memory_space<hbm>>
    tpu.enqueue_dma source(%dma_start3A_1208 : memref<64x1x512xf32, #tpu.memory_space<hbm>>) target(%arg7 : memref<64x1x512xf32, #tpu.memory_space<vmem>>) target_semaphore(%arg9 : memref<!tpu.dma_semaphore, #tpu.memory_space<semaphore_mem>>)
    %dma_wait3A_1209 = arith.constant 0 : i32
    %dma_wait3A_1210 = tpu.memref_slice %arg2[%add3A_1204, %reduce_max3A_82, %dma_wait3A_1209] : memref<16384x6x512xf32, #tpu.memory_space<hbm>> -> memref<64x1x512xf32, #tpu.memory_space<hbm>>
    %dma_wait3A_1211 = arith.constant 0 : i32
    %dma_wait3A_1212 = tpu.memref_slice %arg2[%add3A_1204, %reduce_max3A_82, %dma_wait3A_1211] : memref<16384x6x512xf32, #tpu.memory_space<hbm>> -> memref<64x1x512xf32, #tpu.memory_space<hbm>>
    tpu.wait_dma2 semaphore(%arg9 : memref<!tpu.dma_semaphore, #tpu.memory_space<semaphore_mem>>) src(%dma_wait3A_1212 : memref<64x1x512xf32, #tpu.memory_space<hbm>>) dst(%arg7 : memref<64x1x512xf32, #tpu.memory_space<vmem>>)
    %add3A_1213 = arith.constant 448 : i32
    %add3A_1214 = arith.addi %mul3A_2, %add3A_1213 : i32
    %dma_start3A_1215 = arith.constant 5 : i32
    %dma_start3A_1216 = arith.constant 0 : i32
    %dma_start3A_1217 = tpu.memref_slice %arg4[%add3A_1214, %dma_start3A_1215, %dma_start3A_1216] : memref<16384x6x512xf32, #tpu.memory_space<hbm>> -> memref<64x1x512xf32, #tpu.memory_space<hbm>>
    %dma_start3A_1218 = arith.constant 5 : i32
    %dma_start3A_1219 = arith.constant 0 : i32
    %dma_start3A_1220 = tpu.memref_slice %arg4[%add3A_1214, %dma_start3A_1218, %dma_start3A_1219] : memref<16384x6x512xf32, #tpu.memory_space<hbm>> -> memref<64x1x512xf32, #tpu.memory_space<hbm>>
    tpu.enqueue_dma source(%arg7 : memref<64x1x512xf32, #tpu.memory_space<vmem>>) target(%dma_start3A_1220 : memref<64x1x512xf32, #tpu.memory_space<hbm>>) target_semaphore(%arg11 : memref<!tpu.dma_semaphore, #tpu.memory_space<semaphore_mem>>)
    %dma_wait3A_1221 = arith.constant 5 : i32
    %dma_wait3A_1222 = arith.constant 0 : i32
    %dma_wait3A_1223 = tpu.memref_slice %arg4[%add3A_1190, %dma_wait3A_1221, %dma_wait3A_1222] : memref<16384x6x512xf32, #tpu.memory_space<hbm>> -> memref<64x1x512xf32, #tpu.memory_space<hbm>>
    %dma_wait3A_1224 = arith.constant 5 : i32
    %dma_wait3A_1225 = arith.constant 0 : i32
    %dma_wait3A_1226 = tpu.memref_slice %arg4[%add3A_1190, %dma_wait3A_1224, %dma_wait3A_1225] : memref<16384x6x512xf32, #tpu.memory_space<hbm>> -> memref<64x1x512xf32, #tpu.memory_space<hbm>>
    tpu.wait_dma2 semaphore(%arg10 : memref<!tpu.dma_semaphore, #tpu.memory_space<semaphore_mem>>) src(%arg6 : memref<64x1x512xf32, #tpu.memory_space<vmem>>) dst(%dma_wait3A_1226 : memref<64x1x512xf32, #tpu.memory_space<hbm>>)
    %dma_wait3A_1227 = arith.constant 5 : i32
    %dma_wait3A_1228 = arith.constant 0 : i32
    %dma_wait3A_1229 = tpu.memref_slice %arg4[%add3A_1214, %dma_wait3A_1227, %dma_wait3A_1228] : memref<16384x6x512xf32, #tpu.memory_space<hbm>> -> memref<64x1x512xf32, #tpu.memory_space<hbm>>
    %dma_wait3A_1230 = arith.constant 5 : i32
    %dma_wait3A_1231 = arith.constant 0 : i32
    %dma_wait3A_1232 = tpu.memref_slice %arg4[%add3A_1214, %dma_wait3A_1230, %dma_wait3A_1231] : memref<16384x6x512xf32, #tpu.memory_space<hbm>> -> memref<64x1x512xf32, #tpu.memory_space<hbm>>
    tpu.wait_dma2 semaphore(%arg11 : memref<!tpu.dma_semaphore, #tpu.memory_space<semaphore_mem>>) src(%arg7 : memref<64x1x512xf32, #tpu.memory_space<vmem>>) dst(%dma_wait3A_1232 : memref<64x1x512xf32, #tpu.memory_space<hbm>>)
    return
  }
}

</mosaic_0001>

<sc_bundles>
// kernel: kernel.3.cloned.1.call-start
scs
__scs_entry_jumppad:
0x0: {  	(pc) =	sbr.rel $0x88, $3  }
0x1: {  	(tag) =	ssettag $0x0;
	lr =	simm.s32 $0x1  }
0x2: {  	[smem:$0x3F9F] =	sst lr;
	_ =	strace $0xD0000000  }
0x3: {  	_ = 	snop  }
0x4: {  	_ = 	snop  }
0x5: {  	_ = 	snop  }
0x6: {  	_ = 	snop  }
0x7: {  	_ = 	snop  }
__scs_overlays_trampoline_lowered:
0x8: {  	[smem:$0x3FAE] =	sst s0  }
0x9: {  	[smem:$0x3FAF] =	sst s1  }
0xa: {  	[smem:$0x3FB0] =	sst s2  }
0xb: {  	[smem:$0x3FB1] =	sst s3  }
0xc: {  	[smem:$0x3FB2] =	sst s4  }
0xd: {  	[smem:$0x3FB3] =	sst s5  }
0xe: {  	[smem:$0x3FB4] =	sst s6  }
0xf: {  	[smem:$0x3FB5] =	sst s7  }
0x10: {  	[smem:$0x3FB6] =	sst s8  }
0x11: {  	[smem:$0x3FB7] =	sst s9;
	s0 =	simm.s32 @!p0 $0x0  }
0x12: {  	s1 =	sld [smem:$0x3F9D];
	s0 =	simm.s32 @p0 $0x1  }
0x13: {  	[smem:$0x3FB8] =	sst s0;
	s0 =	simm.s32 @!p1 $0x0  }
0x14: {  	s2 =	sld [smem:$0x3F9C];
	s0 =	simm.s32 @p1 $0x1  }
0x15: {  	[smem:$0x3FB9] =	sst s0;
	s0 =	simm.s32 @!p2 $0x0  }
0x16: {  	s3 =	sld [smem:$0x3FDB];
	s0 =	simm.s32 @p2 $0x1  }
0x17: {  	s4 =	simm.s32 $0x1BF5;
	[smem:$0x3FBB] =	sst s0  }
0x18: {  	s0 =	sld [smem:$0x3F9E];
	_ =	swait.ge [sflag:s4], $0x0  }
0x19: {  	s7 =	sld [smem:$0x3F9F]  }
0x1a: {  	s8 =	sadd.s32 $0xFFFFE003, lr  }
0x1b: {  	s9 =	sadd.s32 $0xFFFFFEF7, lr;
	s5 =	simm.s32 $0xFFFFFFFF;
	p2 =	slt.u32 s8, $0xFFFFF086  }
0x1c: {  	p1 =	slt.u32 s9, $0xF7A;
	s5 =	simm.s32 @!p2 $0x0  }
0x1d: {  	s5 =	simm.s32 @p1 $0x1;
	p0 =	seq.s32 s7, s2  }
0x1e: {  	s7 =	smul.u32 @!p0 $0xF7A, s2;
	p2 =	seq.s32 @!p0 s5, $0x0  }
0x1f: {  	s9 =	smul.u32 $0xF7A, s1;
	s8 =	simm.s32 @!p0 $0x1BF5;
	p2 =	por !p2, p0  }
0x20: {  	[sflag:s8] =	ssyncset.s32 @!p0 $0xFFFFF086;
	s6 =	sadd.s32 @!p0 s3, s7;
	s7 =	simm.s32 @!p0 $0x108  }
0x21: {  	s3 =	sadd.s32 s3, s9;
	s6 =	sadd.s32 @!p0 $0x88, s6;
	s7 =	simm.s32 @p2 $0x1082  }
0x22: {  	[simem:s7], [sflag:s8] =	dma.local @!p0 [hbm:s6], $0xF7A  }
0x23: {  	s9 =	sor.u32 $0xD0000000, s2;
	s6 =	simm.s32 $0x108;
	_ =	swait.ge @!p0 [sflag:s8], $0x0  }
0x24: {  	s3 =	sadd.s32 $0x88, s3;
	s6 =	simm.s32 @!p1 $0x1082;
	[sflag:s4] =	ssyncset.s32 $0xFFFFF086  }
0x25: {  	[simem:s6], [sflag:s4] =	dma.local [hbm:s3], $0xF7A  }
0x26: {  	[smem:$0x3F9F] =	sst s1;
	(tag) =	ssettag s2;
	_ =	strace s9  }
0x27: {  	s1 =	sld [smem:$0x3FAF]  }
0x28: {  	s2 =	sld [smem:$0x3FB0]  }
0x29: {  	s4 =	sld [smem:$0x3FB2]  }
0x2a: {  	p0 =	seq.s32 s5, $0x0;
	s5 =	sld [smem:$0x3FB3]  }
0x2b: {  	s6 =	sld [smem:$0x3FB4]  }
0x2c: {  	s7 =	sld [smem:$0x3FB5]  }
0x2d: {  	s3 =	simm.s32 $0x108;
	s8 =	sld [smem:$0x3FB6]  }
0x2e: {  	s3 =	simm.s32 @!p0 $0x1082;
	s9 =	sld [smem:$0x3FB7]  }
0x2f: {  	lr =	sadd.s32 s0, s3;
	s0 =	sld [smem:$0x3FAE]  }
0x30: {  	s3 =	sld [smem:$0x3FB1]  }
0x31: {  	[smem:$0x3FBA] =	sst s10  }
0x32: {  	s10 =	sld [smem:$0x3FB8];
	_ =	sdelay $0x3  }
0x33: {  	p0 =	seq.s32 s10, $0x1;
	s10 =	sld [smem:$0x3FBA];
	_ =	sdelay $0x3  }
0x34: {  	[smem:$0x3FBA] =	sst s10  }
0x35: {  	s10 =	sld [smem:$0x3FB9];
	_ =	sdelay $0x3  }
0x36: {  	p1 =	seq.s32 s10, $0x1;
	s10 =	sld [smem:$0x3FBA];
	_ =	sdelay $0x3  }
0x37: {  	[smem:$0x3FBA] =	sst s10  }
0x38: {  	s10 =	sld [smem:$0x3FBB]  }
0x39: {  	_ = 	snop;
	(pc) =	sbr.ind lr, $3  }
0x3a: {  	_ = 	snop  }
0x3b: {  	_ = 	snop  }
0x3c: {  	p2 =	seq.s32 s10, $0x1;
	s10 =	sld [smem:$0x3FBA]  }
0x3d: {  	_ =	shalt  }
0x3e: {  	_ =	shalt  }
0x3f: {  	_ =	shalt  }
0x40: {  	_ =	shalt  }
0x41: {  	_ =	shalt  }
0x42: {  	_ =	shalt  }
0x43: {  	_ =	shalt  }
0x44: {  	_ =	shalt  }
0x45: {  	_ =	shalt  }
0x46: {  	_ =	shalt  }
0x47: {  	_ =	shalt  }
0x48: {  	_ =	shalt  }
0x49: {  	_ =	shalt  }
0x4a: {  	_ =	shalt  }
0x4b: {  	_ =	shalt  }
0x4c: {  	_ =	shalt  }
0x4d: {  	_ =	shalt  }
0x4e: {  	_ =	shalt  }
0x4f: {  	_ =	shalt  }
0x50: {  	_ =	shalt  }
0x51: {  	_ =	shalt  }
0x52: {  	_ =	shalt  }
0x53: {  	_ =	shalt  }
0x54: {  	_ =	shalt  }
0x55: {  	_ =	shalt  }
0x56: {  	_ =	shalt  }
0x57: {  	_ =	shalt  }
0x58: {  	_ =	shalt  }
0x59: {  	_ =	shalt  }
0x5a: {  	_ =	shalt  }
0x5b: {  	_ =	shalt  }
0x5c: {  	_ =	shalt  }
0x5d: {  	_ =	shalt  }
0x5e: {  	_ =	shalt  }
0x5f: {  	_ =	shalt  }
0x60: {  	_ =	shalt  }
0x61: {  	_ =	shalt  }
0x62: {  	_ =	shalt  }
0x63: {  	_ =	shalt  }
0x64: {  	_ =	shalt  }
0x65: {  	_ =	shalt  }
0x66: {  	_ =	shalt  }
0x67: {  	_ =	shalt  }
0x68: {  	_ =	shalt  }
0x69: {  	_ =	shalt  }
0x6a: {  	_ =	shalt  }
0x6b: {  	_ =	shalt  }
0x6c: {  	_ =	shalt  }
0x6d: {  	_ =	shalt  }
0x6e: {  	_ =	shalt  }
0x6f: {  	_ =	shalt  }
0x70: {  	_ =	shalt  }
0x71: {  	_ =	shalt  }
0x72: {  	_ =	shalt  }
0x73: {  	_ =	shalt  }
0x74: {  	_ =	shalt  }
0x75: {  	_ =	shalt  }
0x76: {  	_ =	shalt  }
0x77: {  	_ =	shalt  }
0x78: {  	_ =	shalt  }
0x79: {  	_ =	shalt  }
0x7a: {  	_ =	shalt  }
0x7b: {  	_ =	shalt  }
0x7c: {  	_ =	shalt  }
0x7d: {  	_ =	shalt  }
0x7e: {  	_ =	shalt  }
0x7f: {  	_ =	shalt  }
0x80: {  	_ =	shalt  }
0x81: {  	_ =	shalt  }
0x82: {  	_ =	shalt  }
0x83: {  	_ =	shalt  }
0x84: {  	_ =	shalt  }
0x85: {  	_ =	shalt  }
0x86: {  	_ =	shalt  }
0x87: {  	_ =	shalt  }
.Lfunc_end0:
.L_simem_size_0:
called_computation_lowered:
.L_overlay_start_0:
0x88: {  	s2 =	sld [smem:$0x3FD9]  }
0x89: {  	s3 =	sld [smem:$0x3FFE];
	_ =	sdelay $0x1  }
0x8a: {  	s1 =	srdreg.scid  }
0x8b: {  	s0 =	sand.u32 $0x1, s1  }
0x8c: {  	s17 =	sshll.u32 s0, $0xA;
	s2 =	sadd.s32 s3, s2  }
0x8d: {  	s2 =	sadd.s32 s2, s17  }
0x8e: {  	[smem:$0x3FC6] =	sst s2  }
0x8f: {  	_ = 	snop  }
0x90: {  	s2 =	sld [smem:$0x3FD0];
	(tm) =	ssettm $0x1  }
0x91: {  	s18 =	sld [smem:$0x3FFB];
	_ =	sdelay $0x3  }
0x92: {  	_ =	strace s18  }
0x93: {  	s3 =	sld [smem:$0x3FFC];
	_ =	sdelay $0x3  }
0x94: {  	_ =	strace s3  }
0x95: {  	s3 =	sld [smem:$0x3FFD];
	_ =	sdelay $0x3  }
0x96: {  	_ =	strace s3  }
0x97: {  	_ =	strace $0x8FFFFFFF  }
0x98: {  	s19 =	sld [smem:$0x3FDB];
	_ =	sdelay $0x1  }
0x99: {  	s4 =	simm.s32 $_scs_section_size  }
0x9a: {  	s5 =	simm.s32 $_size__tile_overlayer_lowered;
	s6 =	simm.s32 $_tile_overlayer_lowered  }
0x9b: {  	s22 =	simm.s32 $0x1BFF;
	s21 =	sshll.u32 s6, $0x1;
	s3 =	sadd.s32 s4, s19  }
0x9c: {  	s7 =	simm.s32 $0x0;
	s20 =	sshll.u32 s5, $0x1;
	s5 =	sadd.s32 s21, s3  }
0x9d: {  	[timem:s7], [sflag:s22] =	dma.local [hbm:s5], s20  }
0x9e: {  	_ =	swait.ge [sflag:s22], s20  }
0x9f: {  	s4 =	ssub.s32 $0x0, s20;
	[sflag:s22] =	ssyncset.done $0x0  }
0xa0: {  	[sflag:s22] =	ssyncadd.s32 s4;
	_ =	sdelay $0x1  }
0xa1: {  	s23 =	simm.s32 $0x1B8B  }
0xa2: {  	_ =	swait.ge [sflag:s23], $0x1  }
0xa3: {  	[sflag:s23] =	ssyncset.done $0x0  }
0xa4: {  	s25 =	simm.s32 $0x1B8E;
	s24 =	sld [smem:$0x3FFE];
	[sflag:s23] =	ssyncadd.s32 $0xFFFFFFFF  }
0xa5: {  	s26 =	simm.s32 $execute0_lowered;
	[smem:$0x3FD2] =	sst s25  }
0xa6: {  	s5 =	sshll.u32 s26, $0x1;
	_ =	strace $0x80000046;
	[dreg:$0x1] =	wrdreg $0xFFFFFFFF  }
0xa7: {  	s28 =	simm.s32 $_size_execute0_lowered;
	s3 =	sadd.s32 s3, s5;
	[dreg:$0x0] =	wrdreg $0x0  }
0xa8: {  	s5 =	sshll.u32 s28, $0x1;
	[dreg:$0x2] =	wrdreg s3  }
0xa9: {  	[dreg:$0x3] =	wrdreg s5  }
0xaa: {  	[dreg:$0x4] =	wrdreg $0xC0  }
0xab: {  	_ =	task [dreg:s7], $0x5FFFF  }
0xac: {  	[dreg:$0x1] =	wrdreg $0xFFFFFFFF  }
0xad: {  	[dreg:$0x0] =	wrdreg $0x60  }
0xae: {  	[dreg:$0x2] =	wrdreg s24  }
0xaf: {  	[dreg:$0x3] =	wrdreg s2  }
0xb0: {  	[dreg:$0x4] =	wrdreg $0x9  }
0xb1: {  	_ =	task.clear_ibuf [dreg:s7], $0x5FFFF;
	_ =	strace $0x90000046  }
0xb2: {  	s29 =	simm.s32 $0x9;
	_ =	strace $0x80000048  }
0xb3: {  	_ =	swait.ge [sflag:s29], $0x1  }
0xb4: {  	[sflag:s29] =	ssyncadd.s32 $0xFFFFFFFF  }
0xb5: {  	_ =	strace $0x90000048  }
0xb6: {  	_ =	sfence  }
0xb7: {  	s30 =	sld [smem:$0x0];
	_ =	sdelay $0x2  }
0xb8: {  	s31 =	sshll.u32 s1, $0xD;
	s1 =	sshrl.u32 s1, $0x2  }
0xb9: {  	s3 =	sand.u32 $0x4000, s31;
	s1 =	sadd.s32 s1, s30  }
0xba: {  	s0 =	sor.u32 s3, s0;
	s1 =	sshll.u32 s1, $0x11  }
0xbb: {  	s0 =	sor.u32 s1, s0  }
0xbc: {  	s0 =	sadd.s32 $0x8F2B, s0  }
0xbd: {  	[sflag:s0] =	ssyncadd.remote.s32 $0x1  }
0xbe: {  	_ =	sfence.sel $0xFFFF  }
0xbf: {  	[dreg:$0x0] =	wrdreg $0xFFFFFFFF;
	(pc) =	sbr.abs _section_cstart, $3  }
0xc0: {  	[dreg:$0x1] =	wrdreg $0xFFFFFFFF  }
0xc1: {  	_ =	task.clear_ibuf [dreg:s7], $0x2FFFF;
	_ =	strace $0x9FFFFFFF  }
0xc2: {  	(tm) =	ssettm $0x7FFFFFFF  }
0xc3: {  	_ =	shalt  }
tec
execute0_lowered:
.L_overlay_start_1:
0x0: {  	(tag) =	ssettag $0x1  }
0x1: {  	s1 =	srdreg.scid;
	s0 =	stileid.u32  }
0x2: {  	s12 =	rddreg [dreg:$0x0];
	s13 =	sand.u32 $0x1, s1;
	s17 =	sshll.u32 s0, $0x1  }
0x3: {  	s2 =	rddreg [dreg:$0x1];
	s5 =	sor.u32 s13, s17  }
0x4: {  	[dreg:$0x3] =	wrdreg s2;
	s14 =	sadd.s32 $0x800600, s12;
	s11 =	sshll.u32 s5, $0x12  }
0x5: {  	s1 =	rddreg [dreg:$0x2];
	s2 =	simm.s32 $0x0;
	s11 =	sadd.s32 s14, s11  }
0x6: {  	[smem:$0x7FF] =	sst s2;
	s22 =	sadd.s32 $0x10, s11  }
0x7: {  	_ =	strace $0x80000047;
	s23 =	sadd.s32 $0x8010, s11;
	[dreg:$0xb] =	wrdreg s22  }
0x8: {  	s24 =	sadd.s32 $0x10010, s11;
	[dreg:$0xc] =	wrdreg s23  }
0x9: {  	s25 =	sadd.s32 $0x18010, s11;
	[dreg:$0xd] =	wrdreg s24  }
0xa: {  	s26 =	sadd.s32 $0x20010, s11;
	[dreg:$0xe] =	wrdreg s25  }
0xb: {  	s28 =	sadd.s32 $0x28010, s11;
	[dreg:$0xf] =	wrdreg s26  }
0xc: {  	s3 =	sshll.u32 s5, $0x15;
	s29 =	sadd.s32 $0x30010, s11;
	[dreg:$0x10] =	wrdreg s28  }
0xd: {  	s4 =	sor.u32 $0x40000, s3;
	s30 =	sadd.s32 $0x38010, s11;
	[dreg:$0x11] =	wrdreg s29  }
0xe: {  	s5 =	sor.u32 $0x80000, s3;
	s31 =	sadd.s32 $0x20, s11;
	[dreg:$0x12] =	wrdreg s30  }
0xf: {  	s6 =	sshrl.u32 s4, $0x3;
	s17 =	sadd.s32 $0x18020, s11;
	[dreg:$0x13] =	wrdreg s31  }
0x10: {  	s7 =	sshrl.u32 s5, $0x3;
	s6 =	sadd.s32 s14, s6;
	[dreg:$0x16] =	wrdreg s17  }
0x11: {  	s8 =	sadd.s32 s14, s7;
	[dreg:$0x4] =	wrdreg s6  }
0x12: {  	s22 =	sadd.s32 $0x30, s11;
	[dreg:$0x5] =	wrdreg s8  }
0x13: {  	s23 =	sadd.s32 $0x8030, s11;
	[dreg:$0x1b] =	wrdreg s22  }
0x14: {  	s24 =	sadd.s32 $0x10030, s11;
	[dreg:$0x1c] =	wrdreg s23  }
0x15: {  	s25 =	sadd.s32 $0x18030, s11;
	[dreg:$0x1d] =	wrdreg s24  }
0x16: {  	s26 =	sadd.s32 $0x20030, s11;
	[dreg:$0x1e] =	wrdreg s25  }
0x17: {  	s28 =	sadd.s32 $0x28030, s11;
	[dreg:$0x1f] =	wrdreg s26  }
0x18: {  	s29 =	sadd.s32 $0x30030, s11;
	[smem:$0x7EB] =	sst s28  }
0x19: {  	s30 =	sadd.s32 $0x38030, s11;
	[smem:$0x7EC] =	sst s29  }
0x1a: {  	s31 =	sadd.s32 $0x40, s11;
	[smem:$0x7ED] =	sst s30  }
0x1b: {  	s17 =	sadd.s32 $0x18040, s11;
	[smem:$0x7EE] =	sst s31  }
0x1c: {  	[smem:$0x7F1] =	sst s17;
	s22 =	sadd.s32 $0x50, s11  }
0x1d: {  	s23 =	sadd.s32 $0x8050, s11;
	[smem:$0x7F6] =	sst s22  }
0x1e: {  	s24 =	sadd.s32 $0x10050, s11;
	[smem:$0x7F7] =	sst s23  }
0x1f: {  	s25 =	sadd.s32 $0x18050, s11;
	[smem:$0x7F8] =	sst s24  }
0x20: {  	s7 =	sor.u32 $0x100000, s3;
	s26 =	sadd.s32 $0x20050, s11;
	[smem:$0x7F9] =	sst s25  }
0x21: {  	s6 =	sor.u32 $0xC0000, s3;
	s28 =	sadd.s32 $0x28050, s11;
	[smem:$0x7FA] =	sst s26  }
0x22: {  	s19 =	sshrl.u32 s7, $0x3;
	s29 =	sadd.s32 $0x30050, s11;
	[smem:$0x7FB] =	sst s28  }
0x23: {  	s31 =	sadd.s32 $0x38050, s11;
	s9 =	sshrl.u32 s6, $0x3;
	[smem:$0x7FC] =	sst s29  }
0x24: {  	s8 =	sor.u32 $0x140000, s3;
	[smem:$0x7FD] =	sst s31;
	s18 =	sadd.s32 s14, s9  }
0x25: {  	s10 =	sshrl.u32 s8, $0x3;
	s9 =	sadd.s32 s14, s19;
	[dreg:$0x6] =	wrdreg s18  }
0x26: {  	s12 =	sadd.s32 $0x600, s12;
	s15 =	sadd.s32 s14, s10;
	[dreg:$0x7] =	wrdreg s9  }
0x27: {  	s13 =	ssub.s32 $0x2, s13;
	s19 =	sadd.s32 $0x28020, s11;
	[dreg:$0x8] =	wrdreg s15  }
0x28: {  	s30 =	sshrl.u32 s13, $0x1;
	s15 =	sadd.s32 $0x8020, s11;
	[dreg:$0x18] =	wrdreg s19  }
0x29: {  	s17 =	simm.s32 $0x1;
	s18 =	sadd.s32 $0x20020, s11;
	[dreg:$0x14] =	wrdreg s15  }
0x2a: {  	s10 =	sor.u32 $0x1C0000, s3;
	s19 =	sadd.s32 $0x28040, s11;
	[dreg:$0x17] =	wrdreg s18  }
0x2b: {  	s9 =	sor.u32 $0x180000, s3;
	s15 =	sadd.s32 $0x8040, s11;
	[smem:$0x7F3] =	sst s19  }
0x2c: {  	s16 =	sshrl.u32 s9, $0x3;
	s18 =	sadd.s32 $0x20040, s11;
	[smem:$0x7EF] =	sst s15  }
0x2d: {  	s21 =	sshrl.u32 s10, $0x3;
	s20 =	sadd.s32 s14, s16;
	[smem:$0x7F2] =	sst s18  }
0x2e: {  	s13 =	ssub.s32 s13, s30;
	s14 =	sadd.s32 s14, s21;
	[dreg:$0x9] =	wrdreg s20  }
0x2f: {  	s13 =	smax.u32 s13, $0x1;
	s16 =	sadd.s32 $0x10020, s11;
	[dreg:$0xa] =	wrdreg s14  }
0x30: {  	s19 =	simm.s32 $0x2;
	s21 =	sadd.s32 $0x38020, s11;
	[dreg:$0x15] =	wrdreg s16  }
0x31: {  	s15 =	simm.s32 $0x400;
	s20 =	sadd.s32 $0x30020, s11;
	[dreg:$0x1a] =	wrdreg s21  }
0x32: {  	s18 =	simm.s32 $0x8080;
	s16 =	sadd.s32 $0x10040, s11;
	[dreg:$0x19] =	wrdreg s20  }
0x33: {  	s21 =	sadd.s32 $0x38040, s11;
	s14 =	simm.s32 $0x5;
	[smem:$0x7F0] =	sst s16  }
0x34: {  	vm0 =	vmmov $0x1;
	vm1 =	vcmask $0x308;
	vm2 =	vcmask $0x70C;
	s20 =	sadd.s32 $0x30040, s11;
	[smem:$0x7F5] =	sst s21;
	s16 =	simm.s32 $0x80  }
0x35: {  	vm3 =	vcmask $0xB10;
	vm4 =	vcmask $0xF14;
	vm5 =	vcmask $0x1318;
	s21 =	simm.s32 $0x4;
	[smem:$0x7F4] =	sst s20;
	s20 =	simm.s32 $0x3  }
.LBB2_1:
0x36: {  	s22 =	rddreg [dreg:$0x3]  }
0x37: {  	[tilespmem:s2], [sflag:$0x5] =	stream.linear.gather [hbm4b:s22+s2], $0x80, $0x38;
	[tilespmem:$0x10080] =	vst v63  }
0x38: {  	_ =	swait.ge [sflag:s14], $0x80  }
0x39: {  	[sflag:s14] =	ssyncset.done $0x0  }
0x3a: {  	[sflag:s14] =	ssyncadd.s32 $0xFFFFFF80  }
0x3b: {  	v0 =	vld [tilespmem:$0x0];
	_ =	sdelay $0x4  }
0x3c: {  	v1 =	vnsel vm0, $0x0, v0  }
0x3d: {  	v1 =	vxor.u32 $0x80000000, v1  }
0x3e: {  	v52 =	vsel vm1, $0x0, v0;
	(xrf0) =	vmax.scan.msk.u32 $0xffff, v1  }
0x3f: {  	v2 =	vsel vm2, $0x0, v0;
	v1 =	vxor.u32 $0x80000000, v52  }
0x40: {  	v54 =	vsel vm3, $0x0, v0;
	v53 =	vxor.u32 $0x80000000, v2;
	(xrf0) =	vmax.scan.msk.u32 $0xffff, v1  }
0x41: {  	v56 =	vsel vm4, $0x0, v0;
	v55 =	vxor.u32 $0x80000000, v54;
	(xrf0) =	vmax.scan.msk.u32 $0xffff, v53  }
0x42: {  	v0 =	vsel vm5, $0x0, v0;
	v57 =	vxor.u32 $0x80000000, v56;
	(xrf0) =	vmax.scan.msk.u32 $0xffff, v55  }
0x43: {  	v0 =	vxor.u32 $0x80000000, v0;
	(xrf0) =	vmax.scan.msk.u32 $0xffff, v57  }
0x44: {  	v58, _, _ =	vpop (xrf0);
	(xrf0) =	vmax.scan.msk.u32 $0xffff, v0  }
0x45: {  	(v2sf) =	vpush v58, $0xF  }
0x46: {  	v59, _, _ =	vpop (xrf0)  }
0x47: {  	v60, _, _ =	vpop (xrf0);
	(v2sf) =	vpush v59, $0xF  }
0x48: {  	v61, _, _ =	vpop (xrf0);
	(v2sf) =	vpush v60, $0xF  }
0x49: {  	v62, _, _ =	vpop (xrf0);
	(v2sf) =	vpush v61, $0xF  }
0x4a: {  	(v2sf) =	vpush v62, $0xF;
	v63, _, _ =	vpop (xrf0)  }
0x4b: {  	(v2sf) =	vpush v63, $0xF;
	_ =	sdelay $0x8  }
0x4c: {  	s29 =	spop (v2sf)  }
0x4d: {  	s23 =	sshll.u32 s29, $0x9  }
0x4e: {  	s26 =	spop (v2sf);
	s22 =	sshll.u32 s29, $0x7;
	s28 =	sand.u32 $0xFFFFF000, s23  }
0x4f: {  	s25 =	spop (v2sf);
	s29 =	sand.u32 $0x380, s22;
	s30 =	sadd.s32 s3, s28  }
0x50: {  	s24 =	spop (v2sf);
	s22 =	sor.u32 s29, s30  }
0x51: {  	s23 =	spop (v2sf);
	s30 =	sshrl.u32 s22, $0x3  }
0x52: {  	s22 =	spop (v2sf);
	s30 =	sadd.s32 s12, s30  }
0x53: {  	[tilespmem:s16], [sflag:$0x1] =	stream.strided.gather [hbm4b:s30+s16], $0x8000, s15, s16, $0x38;
	[tilespmem:$0x10080] =	vst v63  }
0x54: {  	s31 =	sadd.s32 s4, s28;
	_ =	swait.ge [sflag:s17], $0x8000  }
0x55: {  	s30 =	sor.u32 s29, s31;
	[sflag:s17] =	ssyncset.done $0x0  }
0x56: {  	s30 =	sshrl.u32 s30, $0x3;
	[sflag:s17] =	ssyncadd.s32 $0xFFFF8000  }
0x57: {  	[hbm4b:s11+s16] =	stream.strided.scatter [tilespmem:s16], [sflag:$0x3], $0x8000, s15, s16, $0x38;
	[tilespmem:$0x10080] =	vst v63  }
0x58: {  	s30 =	sadd.s32 s12, s30  }
0x59: {  	[tilespmem:s18], [sflag:$0x2] =	stream.strided.gather [hbm4b:s30+s16], $0x8000, s15, s16, $0x38;
	[tilespmem:$0x10080] =	vst v63  }
0x5a: {  	_ =	swait.ge [sflag:s19], $0x8000  }
0x5b: {  	[sflag:s19] =	ssyncset.done $0x0  }
0x5c: {  	s31 =	rddreg [dreg:$0x4];
	[sflag:s19] =	ssyncadd.s32 $0xFFFF8000  }
0x5d: {  	[hbm4b:s31+s16] =	stream.strided.scatter [tilespmem:s18], [sflag:$0x4], $0x8000, s15, s16, $0x38;
	[tilespmem:$0x10080] =	vst v63  }
0x5e: {  	s31 =	sadd.s32 s5, s28  }
0x5f: {  	_ =	swait.ge [sflag:s20], $0x8000;
	s30 =	sor.u32 s29, s31  }
0x60: {  	[sflag:s20] =	ssyncset.done $0x0;
	s30 =	sshrl.u32 s30, $0x3  }
0x61: {  	[sflag:s20] =	ssyncadd.s32 $0xFFFF8000;
	s30 =	sadd.s32 s12, s30  }
0x62: {  	[tilespmem:s16], [sflag:$0x1] =	stream.strided.gather [hbm4b:s30+s16], $0x8000, s15, s16, $0x38;
	[tilespmem:$0x10080] =	vst v63  }
0x63: {  	_ =	swait.ge [sflag:s17], $0x8000  }
0x64: {  	[sflag:s17] =	ssyncset.done $0x0  }
0x65: {  	s31 =	rddreg [dreg:$0x5];
	[sflag:s17] =	ssyncadd.s32 $0xFFFF8000  }
0x66: {  	[hbm4b:s31+s16] =	stream.strided.scatter [tilespmem:s16], [sflag:$0x3], $0x8000, s15, s16, $0x38;
	[tilespmem:$0x10080] =	vst v63  }
0x67: {  	s31 =	sadd.s32 s6, s28  }
0x68: {  	_ =	swait.ge [sflag:s21], $0x8000;
	s30 =	sor.u32 s29, s31  }
0x69: {  	[sflag:s21] =	ssyncset.done $0x0;
	s30 =	sshrl.u32 s30, $0x3  }
0x6a: {  	[sflag:s21] =	ssyncadd.s32 $0xFFFF8000;
	s30 =	sadd.s32 s12, s30  }
0x6b: {  	[tilespmem:s18], [sflag:$0x2] =	stream.strided.gather [hbm4b:s30+s16], $0x8000, s15, s16, $0x38;
	[tilespmem:$0x10080] =	vst v63  }
0x6c: {  	_ =	swait.ge [sflag:s19], $0x8000  }
0x6d: {  	[sflag:s19] =	ssyncset.done $0x0  }
0x6e: {  	s31 =	rddreg [dreg:$0x6];
	[sflag:s19] =	ssyncadd.s32 $0xFFFF8000  }
0x6f: {  	[hbm4b:s31+s16] =	stream.strided.scatter [tilespmem:s18], [sflag:$0x4], $0x8000, s15, s16, $0x38;
	[tilespmem:$0x10080] =	vst v63  }
0x70: {  	s31 =	sadd.s32 s7, s28  }
0x71: {  	_ =	swait.ge [sflag:s20], $0x8000;
	s30 =	sor.u32 s29, s31  }
0x72: {  	[sflag:s20] =	ssyncset.done $0x0;
	s30 =	sshrl.u32 s30, $0x3  }
0x73: {  	[sflag:s20] =	ssyncadd.s32 $0xFFFF8000;
	s30 =	sadd.s32 s12, s30  }
0x74: {  	[tilespmem:s16], [sflag:$0x1] =	stream.strided.gather [hbm4b:s30+s16], $0x8000, s15, s16, $0x38;
	[tilespmem:$0x10080] =	vst v63  }
0x75: {  	_ =	swait.ge [sflag:s17], $0x8000  }
0x76: {  	[sflag:s17] =	ssyncset.done $0x0  }
0x77: {  	s31 =	rddreg [dreg:$0x7];
	[sflag:s17] =	ssyncadd.s32 $0xFFFF8000  }
0x78: {  	[hbm4b:s31+s16] =	stream.strided.scatter [tilespmem:s16], [sflag:$0x3], $0x8000, s15, s16, $0x38;
	[tilespmem:$0x10080] =	vst v63  }
0x79: {  	s31 =	sadd.s32 s8, s28  }
0x7a: {  	_ =	swait.ge [sflag:s21], $0x8000;
	s30 =	sor.u32 s29, s31  }
0x7b: {  	[sflag:s21] =	ssyncset.done $0x0;
	s30 =	sshrl.u32 s30, $0x3  }
0x7c: {  	[sflag:s21] =	ssyncadd.s32 $0xFFFF8000;
	s30 =	sadd.s32 s12, s30  }
0x7d: {  	[tilespmem:s18], [sflag:$0x2] =	stream.strided.gather [hbm4b:s30+s16], $0x8000, s15, s16, $0x38;
	[tilespmem:$0x10080] =	vst v63  }
0x7e: {  	_ =	swait.ge [sflag:s19], $0x8000  }
0x7f: {  	[sflag:s19] =	ssyncset.done $0x0  }
0x80: {  	s31 =	rddreg [dreg:$0x8];
	[sflag:s19] =	ssyncadd.s32 $0xFFFF8000  }
0x81: {  	[hbm4b:s31+s16] =	stream.strided.scatter [tilespmem:s18], [sflag:$0x4], $0x8000, s15, s16, $0x38;
	[tilespmem:$0x10080] =	vst v63  }
0x82: {  	s31 =	sadd.s32 s9, s28  }
0x83: {  	_ =	swait.ge [sflag:s20], $0x8000;
	s30 =	sor.u32 s29, s31  }
0x84: {  	[sflag:s20] =	ssyncset.done $0x0;
	s30 =	sshrl.u32 s30, $0x3  }
0x85: {  	[sflag:s20] =	ssyncadd.s32 $0xFFFF8000;
	s30 =	sadd.s32 s12, s30  }
0x86: {  	[tilespmem:s16], [sflag:$0x1] =	stream.strided.gather [hbm4b:s30+s16], $0x8000, s15, s16, $0x38;
	[tilespmem:$0x10080] =	vst v63  }
0x87: {  	_ =	swait.ge [sflag:s17], $0x8000  }
0x88: {  	[sflag:s17] =	ssyncset.done $0x0  }
0x89: {  	s28 =	sadd.s32 s10, s28;
	s31 =	rddreg [dreg:$0x9];
	[sflag:s17] =	ssyncadd.s32 $0xFFFF8000  }
0x8a: {  	[hbm4b:s31+s16] =	stream.strided.scatter [tilespmem:s16], [sflag:$0x3], $0x8000, s15, s16, $0x38;
	[tilespmem:$0x10080] =	vst v63  }
0x8b: {  	s28 =	sor.u32 s29, s28;
	_ =	swait.ge [sflag:s21], $0x8000  }
0x8c: {  	s28 =	sshrl.u32 s28, $0x3;
	[sflag:s21] =	ssyncset.done $0x0  }
0x8d: {  	s28 =	sadd.s32 s12, s28;
	[sflag:s21] =	ssyncadd.s32 $0xFFFF8000  }
0x8e: {  	[tilespmem:s18], [sflag:$0x2] =	stream.strided.gather [hbm4b:s28+s16], $0x8000, s15, s16, $0x38;
	[tilespmem:$0x10080] =	vst v63  }
0x8f: {  	s29 =	sshll.u32 s26, $0x9;
	s26 =	sshll.u32 s26, $0x7;
	_ =	swait.ge [sflag:s19], $0x8000  }
0x90: {  	s26 =	sand.u32 $0x380, s26;
	s28 =	sand.u32 $0xFFFFF000, s29;
	[sflag:s19] =	ssyncset.done $0x0  }
0x91: {  	s30 =	sadd.s32 s3, s28;
	s31 =	rddreg [dreg:$0xa];
	[sflag:s19] =	ssyncadd.s32 $0xFFFF8000  }
0x92: {  	[hbm4b:s31+s16] =	stream.strided.scatter [tilespmem:s18], [sflag:$0x4], $0x8000, s15, s16, $0x38;
	[tilespmem:$0x10080] =	vst v63  }
0x93: {  	s29 =	sor.u32 s26, s30;
	_ =	swait.ge [sflag:s20], $0x8000  }
0x94: {  	s29 =	sshrl.u32 s29, $0x3;
	[sflag:s20] =	ssyncset.done $0x0  }
0x95: {  	s29 =	sadd.s32 s12, s29;
	[sflag:s20] =	ssyncadd.s32 $0xFFFF8000  }
0x96: {  	[tilespmem:s16], [sflag:$0x1] =	stream.strided.gather [hbm4b:s29+s16], $0x8000, s15, s16, $0x38;
	[tilespmem:$0x10080] =	vst v63  }
0x97: {  	_ =	swait.ge [sflag:s17], $0x8000  }
0x98: {  	[sflag:s17] =	ssyncset.done $0x0  }
0x99: {  	s30 =	sadd.s32 s4, s28;
	s31 =	rddreg [dreg:$0xb];
	[sflag:s17] =	ssyncadd.s32 $0xFFFF8000  }
0x9a: {  	[hbm4b:s31+s16] =	stream.strided.scatter [tilespmem:s16], [sflag:$0x3], $0x8000, s15, s16, $0x38;
	[tilespmem:$0x10080] =	vst v63  }
0x9b: {  	s29 =	sor.u32 s26, s30;
	_ =	swait.ge [sflag:s21], $0x8000  }
0x9c: {  	s29 =	sshrl.u32 s29, $0x3;
	[sflag:s21] =	ssyncset.done $0x0  }
0x9d: {  	s29 =	sadd.s32 s12, s29;
	[sflag:s21] =	ssyncadd.s32 $0xFFFF8000  }
0x9e: {  	[tilespmem:s18], [sflag:$0x2] =	stream.strided.gather [hbm4b:s29+s16], $0x8000, s15, s16, $0x38;
	[tilespmem:$0x10080] =	vst v63  }
0x9f: {  	_ =	swait.ge [sflag:s19], $0x8000  }
0xa0: {  	[sflag:s19] =	ssyncset.done $0x0  }
0xa1: {  	s30 =	sadd.s32 s5, s28;
	s31 =	rddreg [dreg:$0xc];
	[sflag:s19] =	ssyncadd.s32 $0xFFFF8000  }
0xa2: {  	[hbm4b:s31+s16] =	stream.strided.scatter [tilespmem:s18], [sflag:$0x4], $0x8000, s15, s16, $0x38;
	[tilespmem:$0x10080] =	vst v63  }
0xa3: {  	s29 =	sor.u32 s26, s30;
	_ =	swait.ge [sflag:s20], $0x8000  }
0xa4: {  	s29 =	sshrl.u32 s29, $0x3;
	[sflag:s20] =	ssyncset.done $0x0  }
0xa5: {  	s29 =	sadd.s32 s12, s29;
	[sflag:s20] =	ssyncadd.s32 $0xFFFF8000  }
0xa6: {  	[tilespmem:s16], [sflag:$0x1] =	stream.strided.gather [hbm4b:s29+s16], $0x8000, s15, s16, $0x38;
	[tilespmem:$0x10080] =	vst v63  }
0xa7: {  	_ =	swait.ge [sflag:s17], $0x8000  }
0xa8: {  	[sflag:s17] =	ssyncset.done $0x0  }
0xa9: {  	s30 =	sadd.s32 s6, s28;
	s31 =	rddreg [dreg:$0xd];
	[sflag:s17] =	ssyncadd.s32 $0xFFFF8000  }
0xaa: {  	[hbm4b:s31+s16] =	stream.strided.scatter [tilespmem:s16], [sflag:$0x3], $0x8000, s15, s16, $0x38;
	[tilespmem:$0x10080] =	vst v63  }
0xab: {  	s29 =	sor.u32 s26, s30;
	_ =	swait.ge [sflag:s21], $0x8000  }
0xac: {  	s29 =	sshrl.u32 s29, $0x3;
	[sflag:s21] =	ssyncset.done $0x0  }
0xad: {  	s29 =	sadd.s32 s12, s29;
	[sflag:s21] =	ssyncadd.s32 $0xFFFF8000  }
0xae: {  	[tilespmem:s18], [sflag:$0x2] =	stream.strided.gather [hbm4b:s29+s16], $0x8000, s15, s16, $0x38;
	[tilespmem:$0x10080] =	vst v63  }
0xaf: {  	_ =	swait.ge [sflag:s19], $0x8000  }
0xb0: {  	[sflag:s19] =	ssyncset.done $0x0  }
0xb1: {  	s30 =	sadd.s32 s7, s28;
	s31 =	rddreg [dreg:$0xe];
	[sflag:s19] =	ssyncadd.s32 $0xFFFF8000  }
0xb2: {  	[hbm4b:s31+s16] =	stream.strided.scatter [tilespmem:s18], [sflag:$0x4], $0x8000, s15, s16, $0x38;
	[tilespmem:$0x10080] =	vst v63  }
0xb3: {  	s29 =	sor.u32 s26, s30;
	_ =	swait.ge [sflag:s20], $0x8000  }
0xb4: {  	s29 =	sshrl.u32 s29, $0x3;
	[sflag:s20] =	ssyncset.done $0x0  }
0xb5: {  	s29 =	sadd.s32 s12, s29;
	[sflag:s20] =	ssyncadd.s32 $0xFFFF8000  }
0xb6: {  	[tilespmem:s16], [sflag:$0x1] =	stream.strided.gather [hbm4b:s29+s16], $0x8000, s15, s16, $0x38;
	[tilespmem:$0x10080] =	vst v63  }
0xb7: {  	_ =	swait.ge [sflag:s17], $0x8000  }
0xb8: {  	[sflag:s17] =	ssyncset.done $0x0  }
0xb9: {  	s30 =	sadd.s32 s8, s28;
	s31 =	rddreg [dreg:$0xf];
	[sflag:s17] =	ssyncadd.s32 $0xFFFF8000  }
0xba: {  	[hbm4b:s31+s16] =	stream.strided.scatter [tilespmem:s16], [sflag:$0x3], $0x8000, s15, s16, $0x38;
	[tilespmem:$0x10080] =	vst v63  }
0xbb: {  	s29 =	sor.u32 s26, s30;
	_ =	swait.ge [sflag:s21], $0x8000  }
0xbc: {  	s29 =	sshrl.u32 s29, $0x3;
	[sflag:s21] =	ssyncset.done $0x0  }
0xbd: {  	s29 =	sadd.s32 s12, s29;
	[sflag:s21] =	ssyncadd.s32 $0xFFFF8000  }
0xbe: {  	[tilespmem:s18], [sflag:$0x2] =	stream.strided.gather [hbm4b:s29+s16], $0x8000, s15, s16, $0x38;
	[tilespmem:$0x10080] =	vst v63  }
0xbf: {  	_ =	swait.ge [sflag:s19], $0x8000  }
0xc0: {  	[sflag:s19] =	ssyncset.done $0x0  }
0xc1: {  	s30 =	sadd.s32 s9, s28;
	s31 =	rddreg [dreg:$0x10];
	[sflag:s19] =	ssyncadd.s32 $0xFFFF8000  }
0xc2: {  	[hbm4b:s31+s16] =	stream.strided.scatter [tilespmem:s18], [sflag:$0x4], $0x8000, s15, s16, $0x38;
	[tilespmem:$0x10080] =	vst v63  }
0xc3: {  	s29 =	sor.u32 s26, s30;
	_ =	swait.ge [sflag:s20], $0x8000  }
0xc4: {  	s29 =	sshrl.u32 s29, $0x3;
	[sflag:s20] =	ssyncset.done $0x0  }
0xc5: {  	s29 =	sadd.s32 s12, s29;
	[sflag:s20] =	ssyncadd.s32 $0xFFFF8000  }
0xc6: {  	[tilespmem:s16], [sflag:$0x1] =	stream.strided.gather [hbm4b:s29+s16], $0x8000, s15, s16, $0x38;
	[tilespmem:$0x10080] =	vst v63  }
0xc7: {  	_ =	swait.ge [sflag:s17], $0x8000  }
0xc8: {  	[sflag:s17] =	ssyncset.done $0x0  }
0xc9: {  	s28 =	sadd.s32 s10, s28;
	s31 =	rddreg [dreg:$0x11];
	[sflag:s17] =	ssyncadd.s32 $0xFFFF8000  }
0xca: {  	[hbm4b:s31+s16] =	stream.strided.scatter [tilespmem:s16], [sflag:$0x3], $0x8000, s15, s16, $0x38;
	[tilespmem:$0x10080] =	vst v63  }
0xcb: {  	s26 =	sor.u32 s26, s28;
	_ =	swait.ge [sflag:s21], $0x8000  }
0xcc: {  	s26 =	sshrl.u32 s26, $0x3;
	[sflag:s21] =	ssyncset.done $0x0  }
0xcd: {  	s26 =	sadd.s32 s12, s26;
	[sflag:s21] =	ssyncadd.s32 $0xFFFF8000  }
0xce: {  	[tilespmem:s18], [sflag:$0x2] =	stream.strided.gather [hbm4b:s26+s16], $0x8000, s15, s16, $0x38;
	[tilespmem:$0x10080] =	vst v63  }
0xcf: {  	s29 =	sshll.u32 s25, $0x9;
	s25 =	sshll.u32 s25, $0x7;
	_ =	swait.ge [sflag:s19], $0x8000  }
0xd0: {  	s25 =	sand.u32 $0x380, s25;
	s26 =	sand.u32 $0xFFFFF000, s29;
	[sflag:s19] =	ssyncset.done $0x0  }
0xd1: {  	s30 =	sadd.s32 s3, s26;
	s28 =	rddreg [dreg:$0x12];
	[sflag:s19] =	ssyncadd.s32 $0xFFFF8000  }
0xd2: {  	[hbm4b:s28+s16] =	stream.strided.scatter [tilespmem:s18], [sflag:$0x4], $0x8000, s15, s16, $0x38;
	[tilespmem:$0x10080] =	vst v63  }
0xd3: {  	s28 =	sor.u32 s25, s30;
	_ =	swait.ge [sflag:s20], $0x8000  }
0xd4: {  	s28 =	sshrl.u32 s28, $0x3;
	[sflag:s20] =	ssyncset.done $0x0  }
0xd5: {  	s28 =	sadd.s32 s12, s28;
	[sflag:s20] =	ssyncadd.s32 $0xFFFF8000  }
0xd6: {  	[tilespmem:s16], [sflag:$0x1] =	stream.strided.gather [hbm4b:s28+s16], $0x8000, s15, s16, $0x38;
	[tilespmem:$0x10080] =	vst v63  }
0xd7: {  	_ =	swait.ge [sflag:s17], $0x8000  }
0xd8: {  	[sflag:s17] =	ssyncset.done $0x0  }
0xd9: {  	s29 =	sadd.s32 s4, s26;
	s31 =	rddreg [dreg:$0x13];
	[sflag:s17] =	ssyncadd.s32 $0xFFFF8000  }
0xda: {  	[hbm4b:s31+s16] =	stream.strided.scatter [tilespmem:s16], [sflag:$0x3], $0x8000, s15, s16, $0x38;
	[tilespmem:$0x10080] =	vst v63  }
0xdb: {  	s28 =	sor.u32 s25, s29;
	_ =	swait.ge [sflag:s21], $0x8000  }
0xdc: {  	s28 =	sshrl.u32 s28, $0x3;
	[sflag:s21] =	ssyncset.done $0x0  }
0xdd: {  	s28 =	sadd.s32 s12, s28;
	[sflag:s21] =	ssyncadd.s32 $0xFFFF8000  }
0xde: {  	[tilespmem:s18], [sflag:$0x2] =	stream.strided.gather [hbm4b:s28+s16], $0x8000, s15, s16, $0x38;
	[tilespmem:$0x10080] =	vst v63  }
0xdf: {  	_ =	swait.ge [sflag:s19], $0x8000  }
0xe0: {  	[sflag:s19] =	ssyncset.done $0x0  }
0xe1: {  	s31 =	sadd.s32 s5, s26;
	s30 =	rddreg [dreg:$0x14];
	[sflag:s19] =	ssyncadd.s32 $0xFFFF8000  }
0xe2: {  	[hbm4b:s30+s16] =	stream.strided.scatter [tilespmem:s18], [sflag:$0x4], $0x8000, s15, s16, $0x38;
	[tilespmem:$0x10080] =	vst v63  }
0xe3: {  	s28 =	sor.u32 s25, s31;
	_ =	swait.ge [sflag:s20], $0x8000  }
0xe4: {  	s28 =	sshrl.u32 s28, $0x3;
	[sflag:s20] =	ssyncset.done $0x0  }
0xe5: {  	s28 =	sadd.s32 s12, s28;
	[sflag:s20] =	ssyncadd.s32 $0xFFFF8000  }
0xe6: {  	[tilespmem:s16], [sflag:$0x1] =	stream.strided.gather [hbm4b:s28+s16], $0x8000, s15, s16, $0x38;
	[tilespmem:$0x10080] =	vst v63  }
0xe7: {  	_ =	swait.ge [sflag:s17], $0x8000  }
0xe8: {  	[sflag:s17] =	ssyncset.done $0x0  }
0xe9: {  	s30 =	sadd.s32 s6, s26;
	s29 =	rddreg [dreg:$0x15];
	[sflag:s17] =	ssyncadd.s32 $0xFFFF8000  }
0xea: {  	[hbm4b:s29+s16] =	stream.strided.scatter [tilespmem:s16], [sflag:$0x3], $0x8000, s15, s16, $0x38;
	[tilespmem:$0x10080] =	vst v63  }
0xeb: {  	s28 =	sor.u32 s25, s30;
	_ =	swait.ge [sflag:s21], $0x8000  }
0xec: {  	s28 =	sshrl.u32 s28, $0x3;
	[sflag:s21] =	ssyncset.done $0x0  }
0xed: {  	s28 =	sadd.s32 s12, s28;
	[sflag:s21] =	ssyncadd.s32 $0xFFFF8000  }
0xee: {  	[tilespmem:s18], [sflag:$0x2] =	stream.strided.gather [hbm4b:s28+s16], $0x8000, s15, s16, $0x38;
	[tilespmem:$0x10080] =	vst v63  }
0xef: {  	_ =	swait.ge [sflag:s19], $0x8000  }
0xf0: {  	[sflag:s19] =	ssyncset.done $0x0  }
0xf1: {  	s29 =	sadd.s32 s7, s26;
	s31 =	rddreg [dreg:$0x16];
	[sflag:s19] =	ssyncadd.s32 $0xFFFF8000  }
0xf2: {  	[hbm4b:s31+s16] =	stream.strided.scatter [tilespmem:s18], [sflag:$0x4], $0x8000, s15, s16, $0x38;
	[tilespmem:$0x10080] =	vst v63  }
0xf3: {  	s28 =	sor.u32 s25, s29;
	_ =	swait.ge [sflag:s20], $0x8000  }
0xf4: {  	s28 =	sshrl.u32 s28, $0x3;
	[sflag:s20] =	ssyncset.done $0x0  }
0xf5: {  	s28 =	sadd.s32 s12, s28;
	[sflag:s20] =	ssyncadd.s32 $0xFFFF8000  }
0xf6: {  	[tilespmem:s16], [sflag:$0x1] =	stream.strided.gather [hbm4b:s28+s16], $0x8000, s15, s16, $0x38;
	[tilespmem:$0x10080] =	vst v63  }
0xf7: {  	_ =	swait.ge [sflag:s17], $0x8000  }
0xf8: {  	[sflag:s17] =	ssyncset.done $0x0  }
0xf9: {  	s31 =	sadd.s32 s8, s26;
	s30 =	rddreg [dreg:$0x17];
	[sflag:s17] =	ssyncadd.s32 $0xFFFF8000  }
0xfa: {  	[hbm4b:s30+s16] =	stream.strided.scatter [tilespmem:s16], [sflag:$0x3], $0x8000, s15, s16, $0x38;
	[tilespmem:$0x10080] =	vst v63  }
0xfb: {  	s28 =	sor.u32 s25, s31;
	_ =	swait.ge [sflag:s21], $0x8000  }
0xfc: {  	s28 =	sshrl.u32 s28, $0x3;
	[sflag:s21] =	ssyncset.done $0x0  }
0xfd: {  	s28 =	sadd.s32 s12, s28;
	[sflag:s21] =	ssyncadd.s32 $0xFFFF8000  }
0xfe: {  	[tilespmem:s18], [sflag:$0x2] =	stream.strided.gather [hbm4b:s28+s16], $0x8000, s15, s16, $0x38;
	[tilespmem:$0x10080] =	vst v63  }
0xff: {  	_ =	swait.ge [sflag:s19], $0x8000  }
0x100: {  	[sflag:s19] =	ssyncset.done $0x0  }
0x101: {  	s30 =	sadd.s32 s9, s26;
	s29 =	rddreg [dreg:$0x18];
	[sflag:s19] =	ssyncadd.s32 $0xFFFF8000  }
0x102: {  	[hbm4b:s29+s16] =	stream.strided.scatter [tilespmem:s18], [sflag:$0x4], $0x8000, s15, s16, $0x38;
	[tilespmem:$0x10080] =	vst v63  }
0x103: {  	s28 =	sor.u32 s25, s30;
	_ =	swait.ge [sflag:s20], $0x8000  }
0x104: {  	s28 =	sshrl.u32 s28, $0x3;
	[sflag:s20] =	ssyncset.done $0x0  }
0x105: {  	s28 =	sadd.s32 s12, s28;
	[sflag:s20] =	ssyncadd.s32 $0xFFFF8000  }
0x106: {  	[tilespmem:s16], [sflag:$0x1] =	stream.strided.gather [hbm4b:s28+s16], $0x8000, s15, s16, $0x38;
	[tilespmem:$0x10080] =	vst v63  }
0x107: {  	_ =	swait.ge [sflag:s17], $0x8000  }
0x108: {  	[sflag:s17] =	ssyncset.done $0x0  }
0x109: {  	s26 =	sadd.s32 s10, s26;
	s31 =	rddreg [dreg:$0x19];
	[sflag:s17] =	ssyncadd.s32 $0xFFFF8000  }
0x10a: {  	[hbm4b:s31+s16] =	stream.strided.scatter [tilespmem:s16], [sflag:$0x3], $0x8000, s15, s16, $0x38;
	[tilespmem:$0x10080] =	vst v63  }
0x10b: {  	s25 =	sor.u32 s25, s26;
	_ =	swait.ge [sflag:s21], $0x8000  }
0x10c: {  	s25 =	sshrl.u32 s25, $0x3;
	[sflag:s21] =	ssyncset.done $0x0  }
0x10d: {  	s25 =	sadd.s32 s12, s25;
	[sflag:s21] =	ssyncadd.s32 $0xFFFF8000  }
0x10e: {  	[tilespmem:s18], [sflag:$0x2] =	stream.strided.gather [hbm4b:s25+s16], $0x8000, s15, s16, $0x38;
	[tilespmem:$0x10080] =	vst v63  }
0x10f: {  	s29 =	sshll.u32 s24, $0x9;
	s24 =	sshll.u32 s24, $0x7;
	_ =	swait.ge [sflag:s19], $0x8000  }
0x110: {  	s24 =	sand.u32 $0x380, s24;
	s25 =	sand.u32 $0xFFFFF000, s29;
	[sflag:s19] =	ssyncset.done $0x0  }
0x111: {  	s30 =	sadd.s32 s3, s25;
	s28 =	rddreg [dreg:$0x1a];
	[sflag:s19] =	ssyncadd.s32 $0xFFFF8000  }
0x112: {  	[hbm4b:s28+s16] =	stream.strided.scatter [tilespmem:s18], [sflag:$0x4], $0x8000, s15, s16, $0x38;
	[tilespmem:$0x10080] =	vst v63  }
0x113: {  	s26 =	sor.u32 s24, s30;
	_ =	swait.ge [sflag:s20], $0x8000  }
0x114: {  	s26 =	sshrl.u32 s26, $0x3;
	[sflag:s20] =	ssyncset.done $0x0  }
0x115: {  	s26 =	sadd.s32 s12, s26;
	[sflag:s20] =	ssyncadd.s32 $0xFFFF8000  }
0x116: {  	[tilespmem:s16], [sflag:$0x1] =	stream.strided.gather [hbm4b:s26+s16], $0x8000, s15, s16, $0x38;
	[tilespmem:$0x10080] =	vst v63  }
0x117: {  	_ =	swait.ge [sflag:s17], $0x8000  }
0x118: {  	[sflag:s17] =	ssyncset.done $0x0  }
0x119: {  	s28 =	sadd.s32 s4, s25;
	s31 =	rddreg [dreg:$0x1b];
	[sflag:s17] =	ssyncadd.s32 $0xFFFF8000  }
0x11a: {  	[hbm4b:s31+s16] =	stream.strided.scatter [tilespmem:s16], [sflag:$0x3], $0x8000, s15, s16, $0x38;
	[tilespmem:$0x10080] =	vst v63  }
0x11b: {  	s26 =	sor.u32 s24, s28;
	_ =	swait.ge [sflag:s21], $0x8000  }
0x11c: {  	s26 =	sshrl.u32 s26, $0x3;
	[sflag:s21] =	ssyncset.done $0x0  }
0x11d: {  	s26 =	sadd.s32 s12, s26;
	[sflag:s21] =	ssyncadd.s32 $0xFFFF8000  }
0x11e: {  	[tilespmem:s18], [sflag:$0x2] =	stream.strided.gather [hbm4b:s26+s16], $0x8000, s15, s16, $0x38;
	[tilespmem:$0x10080] =	vst v63  }
0x11f: {  	_ =	swait.ge [sflag:s19], $0x8000  }
0x120: {  	[sflag:s19] =	ssyncset.done $0x0  }
0x121: {  	s30 =	sadd.s32 s5, s25;
	s29 =	rddreg [dreg:$0x1c];
	[sflag:s19] =	ssyncadd.s32 $0xFFFF8000  }
0x122: {  	[hbm4b:s29+s16] =	stream.strided.scatter [tilespmem:s18], [sflag:$0x4], $0x8000, s15, s16, $0x38;
	[tilespmem:$0x10080] =	vst v63  }
0x123: {  	s26 =	sor.u32 s24, s30;
	_ =	swait.ge [sflag:s20], $0x8000  }
0x124: {  	s26 =	sshrl.u32 s26, $0x3;
	[sflag:s20] =	ssyncset.done $0x0  }
0x125: {  	s26 =	sadd.s32 s12, s26;
	[sflag:s20] =	ssyncadd.s32 $0xFFFF8000  }
0x126: {  	[tilespmem:s16], [sflag:$0x1] =	stream.strided.gather [hbm4b:s26+s16], $0x8000, s15, s16, $0x38;
	[tilespmem:$0x10080] =	vst v63  }
0x127: {  	_ =	swait.ge [sflag:s17], $0x8000  }
0x128: {  	[sflag:s17] =	ssyncset.done $0x0  }
0x129: {  	s28 =	sadd.s32 s6, s25;
	s31 =	rddreg [dreg:$0x1d];
	[sflag:s17] =	ssyncadd.s32 $0xFFFF8000  }
0x12a: {  	[hbm4b:s31+s16] =	stream.strided.scatter [tilespmem:s16], [sflag:$0x3], $0x8000, s15, s16, $0x38;
	[tilespmem:$0x10080] =	vst v63  }
0x12b: {  	s26 =	sor.u32 s24, s28;
	_ =	swait.ge [sflag:s21], $0x8000  }
0x12c: {  	s26 =	sshrl.u32 s26, $0x3;
	[sflag:s21] =	ssyncset.done $0x0  }
0x12d: {  	s26 =	sadd.s32 s12, s26;
	[sflag:s21] =	ssyncadd.s32 $0xFFFF8000  }
0x12e: {  	[tilespmem:s18], [sflag:$0x2] =	stream.strided.gather [hbm4b:s26+s16], $0x8000, s15, s16, $0x38;
	[tilespmem:$0x10080] =	vst v63  }
0x12f: {  	_ =	swait.ge [sflag:s19], $0x8000  }
0x130: {  	[sflag:s19] =	ssyncset.done $0x0  }
0x131: {  	s30 =	sadd.s32 s7, s25;
	s29 =	rddreg [dreg:$0x1e];
	[sflag:s19] =	ssyncadd.s32 $0xFFFF8000  }
0x132: {  	[hbm4b:s29+s16] =	stream.strided.scatter [tilespmem:s18], [sflag:$0x4], $0x8000, s15, s16, $0x38;
	[tilespmem:$0x10080] =	vst v63  }
0x133: {  	s26 =	sor.u32 s24, s30;
	_ =	swait.ge [sflag:s20], $0x8000  }
0x134: {  	s26 =	sshrl.u32 s26, $0x3;
	[sflag:s20] =	ssyncset.done $0x0  }
0x135: {  	s26 =	sadd.s32 s12, s26;
	[sflag:s20] =	ssyncadd.s32 $0xFFFF8000  }
0x136: {  	[tilespmem:s16], [sflag:$0x1] =	stream.strided.gather [hbm4b:s26+s16], $0x8000, s15, s16, $0x38;
	[tilespmem:$0x10080] =	vst v63  }
0x137: {  	_ =	swait.ge [sflag:s17], $0x8000  }
0x138: {  	[sflag:s17] =	ssyncset.done $0x0  }
0x139: {  	s28 =	sadd.s32 s8, s25;
	s31 =	rddreg [dreg:$0x1f];
	[sflag:s17] =	ssyncadd.s32 $0xFFFF8000  }
0x13a: {  	[hbm4b:s31+s16] =	stream.strided.scatter [tilespmem:s16], [sflag:$0x3], $0x8000, s15, s16, $0x38;
	[tilespmem:$0x10080] =	vst v63  }
0x13b: {  	s26 =	sor.u32 s24, s28;
	_ =	swait.ge [sflag:s21], $0x8000  }
0x13c: {  	s26 =	sshrl.u32 s26, $0x3;
	[sflag:s21] =	ssyncset.done $0x0  }
0x13d: {  	s26 =	sadd.s32 s12, s26;
	[sflag:s21] =	ssyncadd.s32 $0xFFFF8000  }
0x13e: {  	[tilespmem:s18], [sflag:$0x2] =	stream.strided.gather [hbm4b:s26+s16], $0x8000, s15, s16, $0x38;
	[tilespmem:$0x10080] =	vst v63  }
0x13f: {  	_ =	swait.ge [sflag:s19], $0x8000  }
0x140: {  	s29 =	sld [smem:$0x7EB]  }
0x141: {  	[sflag:s19] =	ssyncset.done $0x0  }
0x142: {  	s30 =	sadd.s32 s9, s25;
	[sflag:s19] =	ssyncadd.s32 $0xFFFF8000  }
0x143: {  	[hbm4b:s29+s16] =	stream.strided.scatter [tilespmem:s18], [sflag:$0x4], $0x8000, s15, s16, $0x38;
	[tilespmem:$0x10080] =	vst v63  }
0x144: {  	s26 =	sor.u32 s24, s30;
	_ =	swait.ge [sflag:s20], $0x8000  }
0x145: {  	s26 =	sshrl.u32 s26, $0x3;
	[sflag:s20] =	ssyncset.done $0x0  }
0x146: {  	s26 =	sadd.s32 s12, s26;
	[sflag:s20] =	ssyncadd.s32 $0xFFFF8000  }
0x147: {  	[tilespmem:s16], [sflag:$0x1] =	stream.strided.gather [hbm4b:s26+s16], $0x8000, s15, s16, $0x38;
	[tilespmem:$0x10080] =	vst v63  }
0x148: {  	_ =	swait.ge [sflag:s17], $0x8000  }
0x149: {  	s31 =	sld [smem:$0x7EC]  }
0x14a: {  	[sflag:s17] =	ssyncset.done $0x0  }
0x14b: {  	s25 =	sadd.s32 s10, s25;
	[sflag:s17] =	ssyncadd.s32 $0xFFFF8000  }
0x14c: {  	[hbm4b:s31+s16] =	stream.strided.scatter [tilespmem:s16], [sflag:$0x3], $0x8000, s15, s16, $0x38;
	[tilespmem:$0x10080] =	vst v63  }
0x14d: {  	s24 =	sor.u32 s24, s25;
	_ =	swait.ge [sflag:s21], $0x8000  }
0x14e: {  	s24 =	sshrl.u32 s24, $0x3;
	[sflag:s21] =	ssyncset.done $0x0  }
0x14f: {  	s24 =	sadd.s32 s12, s24;
	[sflag:s21] =	ssyncadd.s32 $0xFFFF8000  }
0x150: {  	[tilespmem:s18], [sflag:$0x2] =	stream.strided.gather [hbm4b:s24+s16], $0x8000, s15, s16, $0x38;
	[tilespmem:$0x10080] =	vst v63  }
0x151: {  	_ =	swait.ge [sflag:s19], $0x8000  }
0x152: {  	s26 =	sshll.u32 s23, $0x9;
	s25 =	sld [smem:$0x7ED]  }
0x153: {  	s23 =	sshll.u32 s23, $0x7;
	s24 =	sand.u32 $0xFFFFF000, s26;
	[sflag:s19] =	ssyncset.done $0x0  }
0x154: {  	s23 =	sand.u32 $0x380, s23;
	s28 =	sadd.s32 s3, s24;
	[sflag:s19] =	ssyncadd.s32 $0xFFFF8000  }
0x155: {  	[hbm4b:s25+s16] =	stream.strided.scatter [tilespmem:s18], [sflag:$0x4], $0x8000, s15, s16, $0x38;
	[tilespmem:$0x10080] =	vst v63  }
0x156: {  	s25 =	sor.u32 s23, s28;
	_ =	swait.ge [sflag:s20], $0x8000  }
0x157: {  	s25 =	sshrl.u32 s25, $0x3;
	[sflag:s20] =	ssyncset.done $0x0  }
0x158: {  	s25 =	sadd.s32 s12, s25;
	[sflag:s20] =	ssyncadd.s32 $0xFFFF8000  }
0x159: {  	[tilespmem:s16], [sflag:$0x1] =	stream.strided.gather [hbm4b:s25+s16], $0x8000, s15, s16, $0x38;
	[tilespmem:$0x10080] =	vst v63  }
0x15a: {  	_ =	swait.ge [sflag:s17], $0x8000  }
0x15b: {  	s29 =	sld [smem:$0x7EE]  }
0x15c: {  	[sflag:s17] =	ssyncset.done $0x0  }
0x15d: {  	s30 =	sadd.s32 s4, s24;
	[sflag:s17] =	ssyncadd.s32 $0xFFFF8000  }
0x15e: {  	[hbm4b:s29+s16] =	stream.strided.scatter [tilespmem:s16], [sflag:$0x3], $0x8000, s15, s16, $0x38;
	[tilespmem:$0x10080] =	vst v63  }
0x15f: {  	s25 =	sor.u32 s23, s30;
	_ =	swait.ge [sflag:s21], $0x8000  }
0x160: {  	s25 =	sshrl.u32 s25, $0x3;
	[sflag:s21] =	ssyncset.done $0x0  }
0x161: {  	s25 =	sadd.s32 s12, s25;
	[sflag:s21] =	ssyncadd.s32 $0xFFFF8000  }
0x162: {  	[tilespmem:s18], [sflag:$0x2] =	stream.strided.gather [hbm4b:s25+s16], $0x8000, s15, s16, $0x38;
	[tilespmem:$0x10080] =	vst v63  }
0x163: {  	_ =	swait.ge [sflag:s19], $0x8000  }
0x164: {  	s31 =	sld [smem:$0x7EF]  }
0x165: {  	[sflag:s19] =	ssyncset.done $0x0  }
0x166: {  	s26 =	sadd.s32 s5, s24;
	[sflag:s19] =	ssyncadd.s32 $0xFFFF8000  }
0x167: {  	[hbm4b:s31+s16] =	stream.strided.scatter [tilespmem:s18], [sflag:$0x4], $0x8000, s15, s16, $0x38;
	[tilespmem:$0x10080] =	vst v63  }
0x168: {  	s25 =	sor.u32 s23, s26;
	_ =	swait.ge [sflag:s20], $0x8000  }
0x169: {  	s25 =	sshrl.u32 s25, $0x3;
	[sflag:s20] =	ssyncset.done $0x0  }
0x16a: {  	s25 =	sadd.s32 s12, s25;
	[sflag:s20] =	ssyncadd.s32 $0xFFFF8000  }
0x16b: {  	[tilespmem:s16], [sflag:$0x1] =	stream.strided.gather [hbm4b:s25+s16], $0x8000, s15, s16, $0x38;
	[tilespmem:$0x10080] =	vst v63  }
0x16c: {  	_ =	swait.ge [sflag:s17], $0x8000  }
0x16d: {  	s28 =	sld [smem:$0x7F0]  }
0x16e: {  	[sflag:s17] =	ssyncset.done $0x0  }
0x16f: {  	s29 =	sadd.s32 s6, s24;
	[sflag:s17] =	ssyncadd.s32 $0xFFFF8000  }
0x170: {  	[hbm4b:s28+s16] =	stream.strided.scatter [tilespmem:s16], [sflag:$0x3], $0x8000, s15, s16, $0x38;
	[tilespmem:$0x10080] =	vst v63  }
0x171: {  	s25 =	sor.u32 s23, s29;
	_ =	swait.ge [sflag:s21], $0x8000  }
0x172: {  	s25 =	sshrl.u32 s25, $0x3;
	[sflag:s21] =	ssyncset.done $0x0  }
0x173: {  	s25 =	sadd.s32 s12, s25;
	[sflag:s21] =	ssyncadd.s32 $0xFFFF8000  }
0x174: {  	[tilespmem:s18], [sflag:$0x2] =	stream.strided.gather [hbm4b:s25+s16], $0x8000, s15, s16, $0x38;
	[tilespmem:$0x10080] =	vst v63  }
0x175: {  	_ =	swait.ge [sflag:s19], $0x8000  }
0x176: {  	s30 =	sld [smem:$0x7F1]  }
0x177: {  	[sflag:s19] =	ssyncset.done $0x0  }
0x178: {  	s31 =	sadd.s32 s7, s24;
	[sflag:s19] =	ssyncadd.s32 $0xFFFF8000  }
0x179: {  	[hbm4b:s30+s16] =	stream.strided.scatter [tilespmem:s18], [sflag:$0x4], $0x8000, s15, s16, $0x38;
	[tilespmem:$0x10080] =	vst v63  }
0x17a: {  	s25 =	sor.u32 s23, s31;
	_ =	swait.ge [sflag:s20], $0x8000  }
0x17b: {  	s25 =	sshrl.u32 s25, $0x3;
	[sflag:s20] =	ssyncset.done $0x0  }
0x17c: {  	s25 =	sadd.s32 s12, s25;
	[sflag:s20] =	ssyncadd.s32 $0xFFFF8000  }
0x17d: {  	[tilespmem:s16], [sflag:$0x1] =	stream.strided.gather [hbm4b:s25+s16], $0x8000, s15, s16, $0x38;
	[tilespmem:$0x10080] =	vst v63  }
0x17e: {  	_ =	swait.ge [sflag:s17], $0x8000  }
0x17f: {  	s26 =	sld [smem:$0x7F2]  }
0x180: {  	[sflag:s17] =	ssyncset.done $0x0  }
0x181: {  	s28 =	sadd.s32 s8, s24;
	[sflag:s17] =	ssyncadd.s32 $0xFFFF8000  }
0x182: {  	[hbm4b:s26+s16] =	stream.strided.scatter [tilespmem:s16], [sflag:$0x3], $0x8000, s15, s16, $0x38;
	[tilespmem:$0x10080] =	vst v63  }
0x183: {  	s25 =	sor.u32 s23, s28;
	_ =	swait.ge [sflag:s21], $0x8000  }
0x184: {  	s25 =	sshrl.u32 s25, $0x3;
	[sflag:s21] =	ssyncset.done $0x0  }
0x185: {  	s25 =	sadd.s32 s12, s25;
	[sflag:s21] =	ssyncadd.s32 $0xFFFF8000  }
0x186: {  	[tilespmem:s18], [sflag:$0x2] =	stream.strided.gather [hbm4b:s25+s16], $0x8000, s15, s16, $0x38;
	[tilespmem:$0x10080] =	vst v63  }
0x187: {  	_ =	swait.ge [sflag:s19], $0x8000  }
0x188: {  	s29 =	sld [smem:$0x7F3]  }
0x189: {  	[sflag:s19] =	ssyncset.done $0x0  }
0x18a: {  	s30 =	sadd.s32 s9, s24;
	[sflag:s19] =	ssyncadd.s32 $0xFFFF8000  }
0x18b: {  	[hbm4b:s29+s16] =	stream.strided.scatter [tilespmem:s18], [sflag:$0x4], $0x8000, s15, s16, $0x38;
	[tilespmem:$0x10080] =	vst v63  }
0x18c: {  	s25 =	sor.u32 s23, s30;
	_ =	swait.ge [sflag:s20], $0x8000  }
0x18d: {  	s25 =	sshrl.u32 s25, $0x3;
	[sflag:s20] =	ssyncset.done $0x0  }
0x18e: {  	s25 =	sadd.s32 s12, s25;
	[sflag:s20] =	ssyncadd.s32 $0xFFFF8000  }
0x18f: {  	[tilespmem:s16], [sflag:$0x1] =	stream.strided.gather [hbm4b:s25+s16], $0x8000, s15, s16, $0x38;
	[tilespmem:$0x10080] =	vst v63  }
0x190: {  	_ =	swait.ge [sflag:s17], $0x8000  }
0x191: {  	s31 =	sld [smem:$0x7F4]  }
0x192: {  	[sflag:s17] =	ssyncset.done $0x0  }
0x193: {  	s24 =	sadd.s32 s10, s24;
	[sflag:s17] =	ssyncadd.s32 $0xFFFF8000  }
0x194: {  	[hbm4b:s31+s16] =	stream.strided.scatter [tilespmem:s16], [sflag:$0x3], $0x8000, s15, s16, $0x38;
	[tilespmem:$0x10080] =	vst v63  }
0x195: {  	s23 =	sor.u32 s23, s24;
	_ =	swait.ge [sflag:s21], $0x8000  }
0x196: {  	s23 =	sshrl.u32 s23, $0x3;
	[sflag:s21] =	ssyncset.done $0x0  }
0x197: {  	s23 =	sadd.s32 s12, s23;
	[sflag:s21] =	ssyncadd.s32 $0xFFFF8000  }
0x198: {  	[tilespmem:s18], [sflag:$0x2] =	stream.strided.gather [hbm4b:s23+s16], $0x8000, s15, s16, $0x38;
	[tilespmem:$0x10080] =	vst v63  }
0x199: {  	_ =	swait.ge [sflag:s19], $0x8000  }
0x19a: {  	s28 =	sshll.u32 s22, $0x9;
	s26 =	sld [smem:$0x7F5]  }
0x19b: {  	s22 =	sshll.u32 s22, $0x7;
	s23 =	sand.u32 $0xFFFFF000, s28;
	[sflag:s19] =	ssyncset.done $0x0  }
0x19c: {  	s22 =	sand.u32 $0x380, s22;
	s29 =	sadd.s32 s3, s23;
	[sflag:s19] =	ssyncadd.s32 $0xFFFF8000  }
0x19d: {  	[hbm4b:s26+s16] =	stream.strided.scatter [tilespmem:s18], [sflag:$0x4], $0x8000, s15, s16, $0x38;
	[tilespmem:$0x10080] =	vst v63  }
0x19e: {  	s24 =	sor.u32 s22, s29;
	_ =	swait.ge [sflag:s20], $0x8000  }
0x19f: {  	s24 =	sshrl.u32 s24, $0x3;
	[sflag:s20] =	ssyncset.done $0x0  }
0x1a0: {  	s24 =	sadd.s32 s12, s24;
	[sflag:s20] =	ssyncadd.s32 $0xFFFF8000  }
0x1a1: {  	[tilespmem:s16], [sflag:$0x1] =	stream.strided.gather [hbm4b:s24+s16], $0x8000, s15, s16, $0x38;
	[tilespmem:$0x10080] =	vst v63  }
0x1a2: {  	_ =	swait.ge [sflag:s17], $0x8000  }
0x1a3: {  	s30 =	sld [smem:$0x7F6]  }
0x1a4: {  	[sflag:s17] =	ssyncset.done $0x0  }
0x1a5: {  	s31 =	sadd.s32 s4, s23;
	[sflag:s17] =	ssyncadd.s32 $0xFFFF8000  }
0x1a6: {  	[hbm4b:s30+s16] =	stream.strided.scatter [tilespmem:s16], [sflag:$0x3], $0x8000, s15, s16, $0x38;
	[tilespmem:$0x10080] =	vst v63  }
0x1a7: {  	s24 =	sor.u32 s22, s31;
	_ =	swait.ge [sflag:s21], $0x8000  }
0x1a8: {  	s24 =	sshrl.u32 s24, $0x3;
	[sflag:s21] =	ssyncset.done $0x0  }
0x1a9: {  	s24 =	sadd.s32 s12, s24;
	[sflag:s21] =	ssyncadd.s32 $0xFFFF8000  }
0x1aa: {  	[tilespmem:s18], [sflag:$0x2] =	stream.strided.gather [hbm4b:s24+s16], $0x8000, s15, s16, $0x38;
	[tilespmem:$0x10080] =	vst v63  }
0x1ab: {  	_ =	swait.ge [sflag:s19], $0x8000  }
0x1ac: {  	s25 =	sld [smem:$0x7F7]  }
0x1ad: {  	[sflag:s19] =	ssyncset.done $0x0  }
0x1ae: {  	s26 =	sadd.s32 s5, s23;
	[sflag:s19] =	ssyncadd.s32 $0xFFFF8000  }
0x1af: {  	[hbm4b:s25+s16] =	stream.strided.scatter [tilespmem:s18], [sflag:$0x4], $0x8000, s15, s16, $0x38;
	[tilespmem:$0x10080] =	vst v63  }
0x1b0: {  	s24 =	sor.u32 s22, s26;
	_ =	swait.ge [sflag:s20], $0x8000  }
0x1b1: {  	s24 =	sshrl.u32 s24, $0x3;
	[sflag:s20] =	ssyncset.done $0x0  }
0x1b2: {  	s24 =	sadd.s32 s12, s24;
	[sflag:s20] =	ssyncadd.s32 $0xFFFF8000  }
0x1b3: {  	[tilespmem:s16], [sflag:$0x1] =	stream.strided.gather [hbm4b:s24+s16], $0x8000, s15, s16, $0x38;
	[tilespmem:$0x10080] =	vst v63  }
0x1b4: {  	_ =	swait.ge [sflag:s17], $0x8000  }
0x1b5: {  	s28 =	sld [smem:$0x7F8]  }
0x1b6: {  	[sflag:s17] =	ssyncset.done $0x0  }
0x1b7: {  	s29 =	sadd.s32 s6, s23;
	[sflag:s17] =	ssyncadd.s32 $0xFFFF8000  }
0x1b8: {  	[hbm4b:s28+s16] =	stream.strided.scatter [tilespmem:s16], [sflag:$0x3], $0x8000, s15, s16, $0x38;
	[tilespmem:$0x10080] =	vst v63  }
0x1b9: {  	s24 =	sor.u32 s22, s29;
	_ =	swait.ge [sflag:s21], $0x8000  }
0x1ba: {  	s24 =	sshrl.u32 s24, $0x3;
	[sflag:s21] =	ssyncset.done $0x0  }
0x1bb: {  	s24 =	sadd.s32 s12, s24;
	[sflag:s21] =	ssyncadd.s32 $0xFFFF8000  }
0x1bc: {  	[tilespmem:s18], [sflag:$0x2] =	stream.strided.gather [hbm4b:s24+s16], $0x8000, s15, s16, $0x38;
	[tilespmem:$0x10080] =	vst v63  }
0x1bd: {  	_ =	swait.ge [sflag:s19], $0x8000  }
0x1be: {  	s30 =	sld [smem:$0x7F9]  }
0x1bf: {  	[sflag:s19] =	ssyncset.done $0x0  }
0x1c0: {  	s31 =	sadd.s32 s7, s23;
	[sflag:s19] =	ssyncadd.s32 $0xFFFF8000  }
0x1c1: {  	[hbm4b:s30+s16] =	stream.strided.scatter [tilespmem:s18], [sflag:$0x4], $0x8000, s15, s16, $0x38;
	[tilespmem:$0x10080] =	vst v63  }
0x1c2: {  	s24 =	sor.u32 s22, s31;
	_ =	swait.ge [sflag:s20], $0x8000  }
0x1c3: {  	s24 =	sshrl.u32 s24, $0x3;
	[sflag:s20] =	ssyncset.done $0x0  }
0x1c4: {  	s24 =	sadd.s32 s12, s24;
	[sflag:s20] =	ssyncadd.s32 $0xFFFF8000  }
0x1c5: {  	[tilespmem:s16], [sflag:$0x1] =	stream.strided.gather [hbm4b:s24+s16], $0x8000, s15, s16, $0x38;
	[tilespmem:$0x10080] =	vst v63  }
0x1c6: {  	_ =	swait.ge [sflag:s17], $0x8000  }
0x1c7: {  	s25 =	sld [smem:$0x7FA]  }
0x1c8: {  	[sflag:s17] =	ssyncset.done $0x0  }
0x1c9: {  	s26 =	sadd.s32 s8, s23;
	[sflag:s17] =	ssyncadd.s32 $0xFFFF8000  }
0x1ca: {  	[hbm4b:s25+s16] =	stream.strided.scatter [tilespmem:s16], [sflag:$0x3], $0x8000, s15, s16, $0x38;
	[tilespmem:$0x10080] =	vst v63  }
0x1cb: {  	s24 =	sor.u32 s22, s26;
	_ =	swait.ge [sflag:s21], $0x8000  }
0x1cc: {  	s24 =	sshrl.u32 s24, $0x3;
	[sflag:s21] =	ssyncset.done $0x0  }
0x1cd: {  	s24 =	sadd.s32 s12, s24;
	[sflag:s21] =	ssyncadd.s32 $0xFFFF8000  }
0x1ce: {  	[tilespmem:s18], [sflag:$0x2] =	stream.strided.gather [hbm4b:s24+s16], $0x8000, s15, s16, $0x38;
	[tilespmem:$0x10080] =	vst v63  }
0x1cf: {  	_ =	swait.ge [sflag:s19], $0x8000  }
0x1d0: {  	s28 =	sld [smem:$0x7FB]  }
0x1d1: {  	[sflag:s19] =	ssyncset.done $0x0  }
0x1d2: {  	s29 =	sadd.s32 s9, s23;
	[sflag:s19] =	ssyncadd.s32 $0xFFFF8000  }
0x1d3: {  	[hbm4b:s28+s16] =	stream.strided.scatter [tilespmem:s18], [sflag:$0x4], $0x8000, s15, s16, $0x38;
	[tilespmem:$0x10080] =	vst v63  }
0x1d4: {  	s24 =	sor.u32 s22, s29;
	_ =	swait.ge [sflag:s20], $0x8000  }
0x1d5: {  	s24 =	sshrl.u32 s24, $0x3;
	[sflag:s20] =	ssyncset.done $0x0  }
0x1d6: {  	s24 =	sadd.s32 s12, s24;
	[sflag:s20] =	ssyncadd.s32 $0xFFFF8000  }
0x1d7: {  	[tilespmem:s16], [sflag:$0x1] =	stream.strided.gather [hbm4b:s24+s16], $0x8000, s15, s16, $0x38;
	[tilespmem:$0x10080] =	vst v63  }
0x1d8: {  	_ =	swait.ge [sflag:s17], $0x8000  }
0x1d9: {  	s30 =	sld [smem:$0x7FC]  }
0x1da: {  	[sflag:s17] =	ssyncset.done $0x0  }
0x1db: {  	s23 =	sadd.s32 s10, s23;
	[sflag:s17] =	ssyncadd.s32 $0xFFFF8000  }
0x1dc: {  	[hbm4b:s30+s16] =	stream.strided.scatter [tilespmem:s16], [sflag:$0x3], $0x8000, s15, s16, $0x38;
	[tilespmem:$0x10080] =	vst v63  }
0x1dd: {  	s22 =	sor.u32 s22, s23;
	_ =	swait.ge [sflag:s21], $0x8000  }
0x1de: {  	s22 =	sshrl.u32 s22, $0x3;
	[sflag:s21] =	ssyncset.done $0x0  }
0x1df: {  	s22 =	sadd.s32 s12, s22;
	[sflag:s21] =	ssyncadd.s32 $0xFFFF8000  }
0x1e0: {  	[tilespmem:s18], [sflag:$0x2] =	stream.strided.gather [hbm4b:s22+s16], $0x8000, s15, s16, $0x38;
	[tilespmem:$0x10080] =	vst v63  }
0x1e1: {  	_ =	swait.ge [sflag:s19], $0x8000  }
0x1e2: {  	s31 =	sld [smem:$0x7FD]  }
0x1e3: {  	[sflag:s19] =	ssyncset.done $0x0  }
0x1e4: {  	[sflag:s19] =	ssyncadd.s32 $0xFFFF8000  }
0x1e5: {  	[hbm4b:s31+s16] =	stream.strided.scatter [tilespmem:s18], [sflag:$0x4], $0x8000, s15, s16, $0x38;
	[tilespmem:$0x10080] =	vst v63  }
0x1e6: {  	p0 =	sne.s32 s13, $0x1;
	_ =	swait.ge [sflag:s20], $0x8000  }
.Ltmp0:
0x1e7: {  	[sflag:s20] =	ssyncset.done $0x0;
	(pc) =	sbr.rel @p0 .LBB2_1-.Ltmp0, $4  }
0x1e8: {  	[sflag:s20] =	ssyncadd.s32 $0xFFFF8000  }
0x1e9: {  	_ =	swait.ge [sflag:s21], $0x8000  }
0x1ea: {  	[sflag:s21] =	ssyncset.done $0x0  }
0x1eb: {  	s13 =	sadd.s32 $0xFFFFFFFF, s13;
	[sflag:s21] =	ssyncadd.s32 $0xFFFF8000  }
0x1ec: {  	_ =	sfence.sel $0x180000  }
0x1ed: {  	[bflag:$0x0] =	sbarrier.arrive $0xFFFF  }
0x1ee: {  	p0 =	sne.s32 s0, $0x0;
	_ =	strace $0x90000047  }
0x1ef: {  	s0 =	sadd.s32 @!p0 $0x100000, s1;
	[bflag:$0x2] =	sbarrier.arrive $0xFFFF  }
0x1f0: {  	[sflag:s0] =	ssyncadd.tile.s32 @!p0 $0x1;
	_ =	shalt  }
.Lfunc_end2:
_tile_overlayer_lowered:
.L_overlay_start_2:
0x1f1: {  	(tag) =	ssettag $0x2  }
0x1f2: {  	s0 =	rddreg [dreg:$0x0];
	s2 =	stileid.u32  }
0x1f3: {  	s1 =	rddreg [dreg:$0x1];
	p0 =	sne.s32 s2, $0x0  }
0x1f4: {  	s3 =	rddreg [dreg:$0x2];
	[bflag:$0x3] =	sbarrier.arrive $0xFFFF;
	s2 =	simm.s32 @!p0 $0x1C05  }
0x1f5: {  	[timem:s3], [sflag:s2] =	dma.local @!p0 [hbm:s0], s1  }
0x1f6: {  	s0 =	simm.s32 @!p0 $0x5  }
0x1f7: {  	_ =	swait.ge @!p0 [sflag:s0], s1  }
0x1f8: {  	s1 =	ssub.s32 @!p0 $0x0, s1;
	[sflag:s0] =	ssyncset.done @!p0 $0x0  }
0x1f9: {  	[sflag:s0] =	ssyncadd.s32 @!p0 s1  }
0x1fa: {  	[bflag:$0x3] =	sbarrier.arrive $0xFFFF  }
0x1fb: {  	_ =	shalt  }

</sc_bundles>
